<compile_context>
chip_gen: v7x
topology: tpu7x:2x2x1
jax: 0.10.2.dev20260603
libtpu: 0.0.44.dev20260713+nightly
codegen_flags: <defaults>
</compile_context>

<pallas_src>
import functools

import jax
import jax.numpy as jnp
from jax import lax
from jax.experimental import pallas as pl
from jax.experimental.pallas import tpu as pltpu
from jax.experimental.pallas import tpu_sc as plsc

B = 8
N = 8320
S = 512
K = 16
QCHUNK = 512
NQC = S // QCHUNK
NW = 32
CHUNK = (B * S * K) // NW
GW = 128
NCH = CHUNK // GW


def _fps_body(x_ref, y_ref, z_ref, cx_ref, cy_ref, cz_ref, bn_ref,
              xb_ref, yb_ref, zb_ref, dist_ref):
    x = x_ref[...]
    y = y_ref[...]
    z = z_ref[...]
    bn_ref[...] = (x * x + y * y) + z * z
    xb_ref[...] = x.astype(jnp.bfloat16)
    yb_ref[...] = y.astype(jnp.bfloat16)
    zb_ref[...] = z.astype(jnp.bfloat16)

    lane_iota = lax.broadcasted_iota(jnp.int32, (B, N), 1)
    sel_iota = lax.broadcasted_iota(jnp.int32, (B, S), 1)
    cx_ref[...] = jnp.zeros((B, S), jnp.float32)
    cy_ref[...] = jnp.zeros((B, S), jnp.float32)
    cz_ref[...] = jnp.zeros((B, S), jnp.float32)
    dist_ref[...] = jnp.full((B, N), 1e10, jnp.float32)

    def body(i, far):
        m2 = lane_iota == far
        cx = jnp.sum(jnp.where(m2, x, 0.0), axis=1, keepdims=True)
        cy = jnp.sum(jnp.where(m2, y, 0.0), axis=1, keepdims=True)
        cz = jnp.sum(jnp.where(m2, z, 0.0), axis=1, keepdims=True)
        onehot = sel_iota == i
        cx_ref[...] += jnp.where(onehot, cx, 0.0)
        cy_ref[...] += jnp.where(onehot, cy, 0.0)
        cz_ref[...] += jnp.where(onehot, cz, 0.0)
        dx = x - cx
        dy = y - cy
        dz = z - cz
        dd = (dx * dx + dy * dy) + dz * dz
        dist = jnp.minimum(dist_ref[...], dd)
        dist_ref[...] = dist
        far_new = jnp.argmax(dist, axis=1).astype(jnp.int32)[:, None]
        return far_new

    lax.fori_loop(0, S, body, jnp.zeros((B, 1), jnp.int32))


def _run_fps(x, y, z):
    return pl.pallas_call(
        _fps_body,
        out_shape=[
            jax.ShapeDtypeStruct((B, S), jnp.float32),
            jax.ShapeDtypeStruct((B, S), jnp.float32),
            jax.ShapeDtypeStruct((B, S), jnp.float32),
            jax.ShapeDtypeStruct((B, N), jnp.float32),
            jax.ShapeDtypeStruct((B, N), jnp.bfloat16),
            jax.ShapeDtypeStruct((B, N), jnp.bfloat16),
            jax.ShapeDtypeStruct((B, N), jnp.bfloat16),
        ],
        scratch_shapes=[pltpu.VMEM((B, N), jnp.float32)],
    )(x, y, z)


def _knn_body(x_ref, y_ref, z_ref, bn_ref, cx_ref, cy_ref, cz_ref,
              idx_ref, dist_ref):
    Xr = jnp.concatenate([x_ref[0], y_ref[0], z_ref[0]], axis=0)
    QT = jnp.concatenate([cx_ref[0], cy_ref[0], cz_ref[0]], axis=0)
    Q = jnp.transpose(QT, (1, 0))
    C = lax.dot_general(Q.astype(jnp.bfloat16), Xr,
                        (((1,), (0,)), ((), ())),
                        preferred_element_type=jnp.float32)
    qx = Q[:, 0:1]
    qy = Q[:, 1:2]
    qz = Q[:, 2:3]
    A = (qx * qx + qy * qy) + qz * qz
    dist_ref[...] = 2.0 * C - (A + bn_ref[0])

    iota = lax.broadcasted_iota(jnp.int32, (QCHUNK, N), 1)

    def pass_body(p, carry):
        prev, acc = carry
        s = jnp.where(iota == prev, -jnp.inf, dist_ref[...])
        dist_ref[...] = s
        idxc = jnp.argmax(s, axis=1).astype(jnp.int32)[:, None]
        kio = lax.broadcasted_iota(jnp.int32, (QCHUNK, K), 1)
        acc = jnp.where(kio == p, idxc, acc)
        return idxc, acc

    _, acc = lax.fori_loop(
        0, K, pass_body,
        (jnp.full((QCHUNK, 1), -1, jnp.int32),
         jnp.zeros((QCHUNK, K), jnp.int32)))
    idx_ref[0] = acc + pl.program_id(0) * N


def _run_knn(x3, y3, z3, bn3, cxr, cyr, czr):
    plane = pl.BlockSpec((1, 1, N), lambda b, q: (b, 0, 0))
    cspec = pl.BlockSpec((1, 1, QCHUNK), lambda b, q: (b * NQC + q, 0, 0))
    return pl.pallas_call(
        _knn_body,
        grid=(B, NQC),
        in_specs=[plane, plane, plane, plane, cspec, cspec, cspec],
        out_specs=pl.BlockSpec((1, QCHUNK, K), lambda b, q: (b * NQC + q, 0, 0)),
        out_shape=jax.ShapeDtypeStruct((B * NQC, QCHUNK, K), jnp.int32),
        scratch_shapes=[pltpu.VMEM((QCHUNK, N), jnp.float32)],
    )(x3, y3, z3, bn3, cxr, cyr, czr)


def _sc_gather_body(xs_hbm, ys_hbm, zs_hbm, idx_hbm,
                    ogx_hbm, ogy_hbm, ogz_hbm,
                    idxv, gxv, gyv, gzv, sem):
    wid = lax.axis_index("s") * 2 + lax.axis_index("c")
    pltpu.sync_copy(idx_hbm.at[wid], idxv)
    copies = []
    for j in range(NCH):
        iv = idxv.at[j]
        sl = pl.ds(j * GW, GW)
        copies.append(pltpu.async_copy(xs_hbm.at[iv], gxv.at[sl], sem))
        copies.append(pltpu.async_copy(ys_hbm.at[iv], gyv.at[sl], sem))
        copies.append(pltpu.async_copy(zs_hbm.at[iv], gzv.at[sl], sem))
    for c in copies:
        c.wait()
    pltpu.sync_copy(gxv, ogx_hbm.at[wid])
    pltpu.sync_copy(gyv, ogy_hbm.at[wid])
    pltpu.sync_copy(gzv, ogz_hbm.at[wid])


def _run_sc_gather(xs, ys, zs, idx):
    f32 = jnp.float32
    out = jax.ShapeDtypeStruct((NW, CHUNK), f32)
    fn = functools.partial(
        pl.kernel,
        mesh=plsc.VectorSubcoreMesh(core_axis_name="c", subcore_axis_name="s"),
        out_type=[out] * 3,
        scratch_types=[
            pltpu.VMEM((NCH, GW), jnp.int32),
            pltpu.VMEM((CHUNK,), f32),
            pltpu.VMEM((CHUNK,), f32),
            pltpu.VMEM((CHUNK,), f32),
            pltpu.SemaphoreType.DMA,
        ],
    )(_sc_gather_body)
    return fn(xs, ys, zs, idx)


def _mlp_body(gx_ref, gy_ref, gz_ref, cx_ref, cy_ref, cz_ref,
              w1g_ref, w1c_ref, b1_ref, w2_ref, b2_ref, out_ref):
    G = jnp.concatenate([gx_ref[0], gy_ref[0], gz_ref[0]], axis=0)
    Cm = jnp.concatenate([cx_ref[0], cy_ref[0], cz_ref[0]], axis=0)
    A = lax.dot_general(w1g_ref[...].astype(jnp.bfloat16),
                        G.astype(jnp.bfloat16),
                        (((1,), (0,)), ((), ())),
                        preferred_element_type=jnp.float32)
    T2 = lax.dot_general(w1c_ref[...].astype(jnp.bfloat16),
                         Cm.astype(jnp.bfloat16),
                         (((1,), (0,)), ((), ())),
                         preferred_element_type=jnp.float32)
    M = b1_ref[...] - T2
    w2 = w2_ref[...].astype(jnp.bfloat16)
    acc = None
    for k in range(K):
        h = jnp.maximum(A[:, k * S:(k + 1) * S] + M, 0.0)
        h2 = lax.dot_general(w2, h.astype(jnp.bfloat16),
                             (((1,), (0,)), ((), ())),
                             preferred_element_type=jnp.float32)
        acc = h2 if acc is None else jnp.maximum(acc, h2)
    out_ref[0] = acc + b2_ref[...]


def _run_mlp(gx3, gy3, gz3, cx3, cy3, cz3, W1g, W1c, b1r, W2, b2r):
    row = pl.BlockSpec((1, 1, S * K), lambda b: (b, 0, 0))
    crow = pl.BlockSpec((1, 1, S), lambda b: (b, 0, 0))
    return pl.pallas_call(
        _mlp_body,
        grid=(B,),
        in_specs=[row, row, row, crow, crow, crow,
                  pl.BlockSpec((64, 3), lambda b: (0, 0)),
                  pl.BlockSpec((64, 3), lambda b: (0, 0)),
                  pl.BlockSpec((64, 1), lambda b: (0, 0)),
                  pl.BlockSpec((128, 64), lambda b: (0, 0)),
                  pl.BlockSpec((128, 1), lambda b: (0, 0))],
        out_specs=pl.BlockSpec((1, 128, S), lambda b: (b, 0, 0)),
        out_shape=jax.ShapeDtypeStruct((B, 128, S), jnp.float32),
    )(gx3, gy3, gz3, cx3, cy3, cz3, W1g, W1c, b1r, W2, b2r)


def kernel(partial_cloud, kp, W1, b1, W2, b2):
    xyz = jnp.concatenate([partial_cloud, kp], axis=2)
    x = xyz[:, 0, :]
    y = xyz[:, 1, :]
    z = xyz[:, 2, :]

    cx, cy, cz, bn, xb, yb, zb = _run_fps(x, y, z)

    idx = _run_knn(
        xb.reshape(B, 1, N), yb.reshape(B, 1, N), zb.reshape(B, 1, N),
        bn.reshape(B, 1, N),
        cx.reshape(B * NQC, 1, QCHUNK), cy.reshape(B * NQC, 1, QCHUNK),
        cz.reshape(B * NQC, 1, QCHUNK))

    idx_sc = (idx.reshape(B, NQC, QCHUNK, K)
              .transpose(0, 3, 1, 2)
              .reshape(NW, NCH, GW))

    gx, gy, gz = _run_sc_gather(
        x.reshape(B * N), y.reshape(B * N), z.reshape(B * N), idx_sc)

    W1a = W1[:, :3]
    out = _run_mlp(
        gx.reshape(B, 1, S * K), gy.reshape(B, 1, S * K),
        gz.reshape(B, 1, S * K),
        cx.reshape(B, 1, S), cy.reshape(B, 1, S), cz.reshape(B, 1, S),
        W1a + W1[:, 3:], W1a, b1.reshape(64, 1), W2, b2.reshape(128, 1))
    return out

# --- scband reference (transcript-rebuilt; emitter-appended) ---
"""Pipeline reference for scband-seed-former-88038239634151 (READ-ONLY COPY).

The authoritative reference and input builder live on the scoring server;
editing this copy changes nothing except your own understanding.
"""

import jax, jax.numpy as jnp
import numpy as np

NPOINT = 512
K = 16

def farthest_point_sample(xyz, npoint):
    # xyz: (B, N, 3) -> (B, npoint) int32 indices
    B, N, _ = xyz.shape
    def body(i, state):
        idx, dist, far = state
        idx = idx.at[:, i].set(far)
        centroid = jnp.take_along_axis(xyz, far[:, None, None], axis=1)  # (B,1,3)
        d = jnp.sum((xyz - centroid) ** 2, axis=-1)  # (B,N)
        dist = jnp.minimum(dist, d)
        far = jnp.argmax(dist, axis=-1).astype(jnp.int32)
        return idx, dist, far
    idx0 = jnp.zeros((B, npoint), dtype=jnp.int32)
    dist0 = jnp.full((B, N), 1e10, dtype=xyz.dtype)
    far0 = jnp.zeros((B,), dtype=jnp.int32)
    idx, _, _ = jax.lax.fori_loop(0, npoint, body, (idx0, dist0, far0))
    return idx

def query_knn(k, xyz, new_xyz):
    # xyz: (B,N,3) support; new_xyz: (B,S,3) queries -> (B,S,k) indices of k nearest supports
    dist = (jnp.sum(new_xyz ** 2, -1, keepdims=True)
            + jnp.sum(xyz ** 2, -1)[:, None, :]
            - 2.0 * jnp.einsum('bsd,bnd->bsn', new_xyz, xyz))
    _, idx = jax.lax.top_k(-dist, k)
    return idx

def grouping_operation(feat, idx):
    # feat: (B,C,N), idx: (B,S,k) -> (B,C,S,k)
    B, C, N = feat.shape
    S, k = idx.shape[1], idx.shape[2]
    def one(f, i):
        return f[:, i.reshape(-1)].reshape(C, S, k)
    return jax.vmap(one)(feat, idx)

def setup_inputs(seed: int = 0):
    key = jax.random.key(seed)
    k1, k2, k3, k4 = jax.random.split(key, 4)
    partial_cloud = jax.random.normal(k1, (8, 3, 8192), dtype=jnp.float32)
    kp = jax.random.normal(k2, (8, 3, 128), dtype=jnp.float32)
    W1 = jax.random.normal(k3, (64, 6), dtype=jnp.float32) * 0.1
    b1 = jnp.zeros((64,), dtype=jnp.float32)
    W2 = jax.random.normal(k4, (128, 64), dtype=jnp.float32) * 0.1
    b2 = jnp.zeros((128,), dtype=jnp.float32)
    return {"partial_cloud": partial_cloud, "kp": kp, "W1": W1, "b1": b1, "W2": W2, "b2": b2}

def reference(partial_cloud, kp, W1, b1, W2, b2):
    # SeedFormer encoder front-end (FeatureExtractor_force entry + sa_module_1 core):
    # mix partial cloud with keypoints, FPS-sample seeds, kNN-group, shared MLP, max-pool.
    xyz = jnp.concatenate([partial_cloud, kp], axis=2)  # (B,3,N)
    points = xyz
    xyz_t = jnp.transpose(xyz, (0, 2, 1))  # (B,N,3)
    fps_idx = farthest_point_sample(xyz_t, NPOINT)  # (B,512)
    new_xyz = jnp.take_along_axis(xyz_t, fps_idx[:, :, None].astype(jnp.int32), axis=1)  # (B,512,3)
    idx_knn = query_knn(K, xyz_t, new_xyz)  # (B,512,K)
    grouped_xyz = grouping_operation(xyz, idx_knn)  # (B,3,512,K)
    grouped_xyz = grouped_xyz - jnp.transpose(new_xyz, (0, 2, 1))[:, :, :, None]
    grouped_points = grouping_operation(points, idx_knn)  # (B,3,512,K)
    new_points = jnp.concatenate([grouped_xyz, grouped_points], axis=1)  # (B,6,512,K)
    h = jnp.einsum('oc,bcsk->bosk', W1, new_points) + b1[None, :, None, None]
    h = jax.nn.relu(h)
    h = jnp.einsum('oc,bcsk->bosk', W2, h) + b2[None, :, None, None]
    out = jnp.max(h, axis=-1)  # (B,128,512) seed features
    return out

if __name__ == "__main__":
    import jax
    _d = setup_inputs()
    print(jax.jit(kernel)(*tuple(_d.values())))

</pallas_src>

<mosaic_0001>
#map = affine_map<(d0, d1) -> (0)>
#map1 = affine_map<(d0, d1) -> (0, 0, 0)>
#map2 = affine_map<(d0, d1) -> (0, 0)>
module attributes {stable_mosaic.version = 14 : i64} {
  func.func @_sc_gather_body(%arg0: i32, %arg1: i32, %arg2: memref<66560xf32, #tpu.memory_space<hbm>>, %arg3: memref<66560xf32, #tpu.memory_space<hbm>>, %arg4: memref<66560xf32, #tpu.memory_space<hbm>>, %arg5: memref<32x16x128xi32, #tpu.memory_space<hbm>>, %arg6: memref<32x2048xf32, #tpu.memory_space<hbm>>, %arg7: memref<32x2048xf32, #tpu.memory_space<hbm>>, %arg8: memref<32x2048xf32, #tpu.memory_space<hbm>>, %arg9: memref<16x128xi32, #tpu.memory_space<vmem>>, %arg10: memref<2048xf32, #tpu.memory_space<vmem>>, %arg11: memref<2048xf32, #tpu.memory_space<vmem>>, %arg12: memref<2048xf32, #tpu.memory_space<vmem>>, %arg13: memref<!tpu.dma_semaphore, #tpu.memory_space<semaphore_mem>>) attributes {dimension_semantics = [#tpu.dimension_semantics<core_parallel>, #tpu.dimension_semantics<subcore_parallel>], iteration_bounds = array<i64: 2, 16>, scalar_prefetch = 0 : i64, scratch_operands = 5 : i64, tpu.core_type = #tpu.core_type<sc_vector_subcore>, window_params = [{transform_indices = #map}, {transform_indices = #map}, {transform_indices = #map}, {transform_indices = #map1}, {transform_indices = #map2}, {transform_indices = #map2}, {transform_indices = #map2}]} {
    %mul3A = arith.constant 2 : i32
    %mul3A_0 = arith.muli %arg1, %mul3A : i32
    %add3A = arith.addi %mul3A_0, %arg0 : i32
    "tpu.region"() ({
      %run_scoped3A = tpu.sem_alloc : memref<!tpu.dma_semaphore, #tpu.memory_space<semaphore_mem>>
      %dma_start3A_767 = arith.constant 0 : i32
      %dma_start3A_768 = arith.constant 0 : i32
      %dma_start3A_769 = tpu.memref_slice %arg5[%add3A, %dma_start3A_767, %dma_start3A_768] : memref<32x16x128xi32, #tpu.memory_space<hbm>> -> memref<1x16x128xi32, #tpu.memory_space<hbm>>
      %dma_start3A_770 = tpu.memref_squeeze %dma_start3A_769 : memref<1x16x128xi32, #tpu.memory_space<hbm>> -> memref<16x128xi32, #tpu.memory_space<hbm>>
      %dma_start3A_771 = arith.constant 0 : i32
      %dma_start3A_772 = arith.constant 0 : i32
      %dma_start3A_773 = tpu.memref_slice %arg5[%add3A, %dma_start3A_771, %dma_start3A_772] : memref<32x16x128xi32, #tpu.memory_space<hbm>> -> memref<1x16x128xi32, #tpu.memory_space<hbm>>
      %dma_start3A_774 = tpu.memref_squeeze %dma_start3A_773 : memref<1x16x128xi32, #tpu.memory_space<hbm>> -> memref<16x128xi32, #tpu.memory_space<hbm>>
      tpu.enqueue_dma source(%dma_start3A_774 : memref<16x128xi32, #tpu.memory_space<hbm>>) target(%arg9 : memref<16x128xi32, #tpu.memory_space<vmem>>) target_semaphore(%run_scoped3A : memref<!tpu.dma_semaphore, #tpu.memory_space<semaphore_mem>>)
      %dma_wait3A_775 = arith.constant 0 : i32
      %dma_wait3A_776 = arith.constant 0 : i32
      %dma_wait3A_777 = tpu.memref_slice %arg5[%add3A, %dma_wait3A_775, %dma_wait3A_776] : memref<32x16x128xi32, #tpu.memory_space<hbm>> -> memref<1x16x128xi32, #tpu.memory_space<hbm>>
      %dma_wait3A_778 = tpu.memref_squeeze %dma_wait3A_777 : memref<1x16x128xi32, #tpu.memory_space<hbm>> -> memref<16x128xi32, #tpu.memory_space<hbm>>
      %dma_wait3A_779 = arith.constant 0 : i32
      %dma_wait3A_780 = arith.constant 0 : i32
      %dma_wait3A_781 = tpu.memref_slice %arg5[%add3A, %dma_wait3A_779, %dma_wait3A_780] : memref<32x16x128xi32, #tpu.memory_space<hbm>> -> memref<1x16x128xi32, #tpu.memory_space<hbm>>
      %dma_wait3A_782 = tpu.memref_squeeze %dma_wait3A_781 : memref<1x16x128xi32, #tpu.memory_space<hbm>> -> memref<16x128xi32, #tpu.memory_space<hbm>>
      tpu.wait_dma2 semaphore(%run_scoped3A : memref<!tpu.dma_semaphore, #tpu.memory_space<semaphore_mem>>) src(%dma_wait3A_782 : memref<16x128xi32, #tpu.memory_space<hbm>>) dst(%arg9 : memref<16x128xi32, #tpu.memory_space<vmem>>)
      tpu.yield
    }) : () -> ()
    %dma_start3A = arith.constant 0 : i32
    %dma_start3A_1 = arith.constant 0 : i32
    %dma_start3A_2 = tpu.memref_slice %arg10[%dma_start3A_1] : memref<2048xf32, #tpu.memory_space<vmem>> -> memref<128xf32, #tpu.memory_space<vmem>>
    %dma_start3A_3 = arith.constant 0 : i32
    %dma_start3A_4 = tpu.memref_slice %arg9[%dma_start3A, %dma_start3A_3] : memref<16x128xi32, #tpu.memory_space<vmem>> -> memref<1x128xi32, #tpu.memory_space<vmem>>
    %dma_start3A_5 = tpu.memref_squeeze %dma_start3A_4 : memref<1x128xi32, #tpu.memory_space<vmem>> -> memref<128xi32, #tpu.memory_space<vmem>>
    %dma_start3A_6 = arith.constant 0 : i32
    %dma_start3A_7 = tpu.memref_slice %arg2[%dma_start3A_6] : memref<66560xf32, #tpu.memory_space<hbm>> -> memref<66560xf32, #tpu.memory_space<hbm>>
    tpu.enqueue_indirect_dma source(%dma_start3A_7 : memref<66560xf32, #tpu.memory_space<hbm>>) target(%dma_start3A_2 : memref<128xf32, #tpu.memory_space<vmem>>) offsets(%dma_start3A_5 : memref<128xi32, #tpu.memory_space<vmem>>) semaphore(%arg13 : memref<!tpu.dma_semaphore, #tpu.memory_space<semaphore_mem>>)
    %dma_start3A_8 = arith.constant 0 : i32
    %dma_start3A_9 = arith.constant 0 : i32
    %dma_start3A_10 = tpu.memref_slice %arg11[%dma_start3A_9] : memref<2048xf32, #tpu.memory_space<vmem>> -> memref<128xf32, #tpu.memory_space<vmem>>
    %dma_start3A_11 = arith.constant 0 : i32
    %dma_start3A_12 = tpu.memref_slice %arg9[%dma_start3A_8, %dma_start3A_11] : memref<16x128xi32, #tpu.memory_space<vmem>> -> memref<1x128xi32, #tpu.memory_space<vmem>>
    %dma_start3A_13 = tpu.memref_squeeze %dma_start3A_12 : memref<1x128xi32, #tpu.memory_space<vmem>> -> memref<128xi32, #tpu.memory_space<vmem>>
    %dma_start3A_14 = arith.constant 0 : i32
    %dma_start3A_15 = tpu.memref_slice %arg3[%dma_start3A_14] : memref<66560xf32, #tpu.memory_space<hbm>> -> memref<66560xf32, #tpu.memory_space<hbm>>
    tpu.enqueue_indirect_dma source(%dma_start3A_15 : memref<66560xf32, #tpu.memory_space<hbm>>) target(%dma_start3A_10 : memref<128xf32, #tpu.memory_space<vmem>>) offsets(%dma_start3A_13 : memref<128xi32, #tpu.memory_space<vmem>>) semaphore(%arg13 : memref<!tpu.dma_semaphore, #tpu.memory_space<semaphore_mem>>)
    %dma_start3A_16 = arith.constant 0 : i32
    %dma_start3A_17 = arith.constant 0 : i32
    %dma_start3A_18 = tpu.memref_slice %arg12[%dma_start3A_17] : memref<2048xf32, #tpu.memory_space<vmem>> -> memref<128xf32, #tpu.memory_space<vmem>>
    %dma_start3A_19 = arith.constant 0 : i32
    %dma_start3A_20 = tpu.memref_slice %arg9[%dma_start3A_16, %dma_start3A_19] : memref<16x128xi32, #tpu.memory_space<vmem>> -> memref<1x128xi32, #tpu.memory_space<vmem>>
    %dma_start3A_21 = tpu.memref_squeeze %dma_start3A_20 : memref<1x128xi32, #tpu.memory_space<vmem>> -> memref<128xi32, #tpu.memory_space<vmem>>
    %dma_start3A_22 = arith.constant 0 : i32
    %dma_start3A_23 = tpu.memref_slice %arg4[%dma_start3A_22] : memref<66560xf32, #tpu.memory_space<hbm>> -> memref<66560xf32, #tpu.memory_space<hbm>>
    tpu.enqueue_indirect_dma source(%dma_start3A_23 : memref<66560xf32, #tpu.memory_space<hbm>>) target(%dma_start3A_18 : memref<128xf32, #tpu.memory_space<vmem>>) offsets(%dma_start3A_21 : memref<128xi32, #tpu.memory_space<vmem>>) semaphore(%arg13 : memref<!tpu.dma_semaphore, #tpu.memory_space<semaphore_mem>>)
    %dma_start3A_24 = arith.constant 1 : i32
    %dma_start3A_25 = arith.constant 128 : i32
    %dma_start3A_26 = tpu.memref_slice %arg10[%dma_start3A_25] : memref<2048xf32, #tpu.memory_space<vmem>> -> memref<128xf32, #tpu.memory_space<vmem>>
    %dma_start3A_27 = arith.constant 0 : i32
    %dma_start3A_28 = tpu.memref_slice %arg9[%dma_start3A_24, %dma_start3A_27] : memref<16x128xi32, #tpu.memory_space<vmem>> -> memref<1x128xi32, #tpu.memory_space<vmem>>
    %dma_start3A_29 = tpu.memref_squeeze %dma_start3A_28 : memref<1x128xi32, #tpu.memory_space<vmem>> -> memref<128xi32, #tpu.memory_space<vmem>>
    %dma_start3A_30 = arith.constant 0 : i32
    %dma_start3A_31 = tpu.memref_slice %arg2[%dma_start3A_30] : memref<66560xf32, #tpu.memory_space<hbm>> -> memref<66560xf32, #tpu.memory_space<hbm>>
    tpu.enqueue_indirect_dma source(%dma_start3A_31 : memref<66560xf32, #tpu.memory_space<hbm>>) target(%dma_start3A_26 : memref<128xf32, #tpu.memory_space<vmem>>) offsets(%dma_start3A_29 : memref<128xi32, #tpu.memory_space<vmem>>) semaphore(%arg13 : memref<!tpu.dma_semaphore, #tpu.memory_space<semaphore_mem>>)
    %dma_start3A_32 = arith.constant 1 : i32
    %dma_start3A_33 = arith.constant 128 : i32
    %dma_start3A_34 = tpu.memref_slice %arg11[%dma_start3A_33] : memref<2048xf32, #tpu.memory_space<vmem>> -> memref<128xf32, #tpu.memory_space<vmem>>
    %dma_start3A_35 = arith.constant 0 : i32
    %dma_start3A_36 = tpu.memref_slice %arg9[%dma_start3A_32, %dma_start3A_35] : memref<16x128xi32, #tpu.memory_space<vmem>> -> memref<1x128xi32, #tpu.memory_space<vmem>>
    %dma_start3A_37 = tpu.memref_squeeze %dma_start3A_36 : memref<1x128xi32, #tpu.memory_space<vmem>> -> memref<128xi32, #tpu.memory_space<vmem>>
    %dma_start3A_38 = arith.constant 0 : i32
    %dma_start3A_39 = tpu.memref_slice %arg3[%dma_start3A_38] : memref<66560xf32, #tpu.memory_space<hbm>> -> memref<66560xf32, #tpu.memory_space<hbm>>
    tpu.enqueue_indirect_dma source(%dma_start3A_39 : memref<66560xf32, #tpu.memory_space<hbm>>) target(%dma_start3A_34 : memref<128xf32, #tpu.memory_space<vmem>>) offsets(%dma_start3A_37 : memref<128xi32, #tpu.memory_space<vmem>>) semaphore(%arg13 : memref<!tpu.dma_semaphore, #tpu.memory_space<semaphore_mem>>)
    %dma_start3A_40 = arith.constant 1 : i32
    %dma_start3A_41 = arith.constant 128 : i32
    %dma_start3A_42 = tpu.memref_slice %arg12[%dma_start3A_41] : memref<2048xf32, #tpu.memory_space<vmem>> -> memref<128xf32, #tpu.memory_space<vmem>>
    %dma_start3A_43 = arith.constant 0 : i32
    %dma_start3A_44 = tpu.memref_slice %arg9[%dma_start3A_40, %dma_start3A_43] : memref<16x128xi32, #tpu.memory_space<vmem>> -> memref<1x128xi32, #tpu.memory_space<vmem>>
    %dma_start3A_45 = tpu.memref_squeeze %dma_start3A_44 : memref<1x128xi32, #tpu.memory_space<vmem>> -> memref<128xi32, #tpu.memory_space<vmem>>
    %dma_start3A_46 = arith.constant 0 : i32
    %dma_start3A_47 = tpu.memref_slice %arg4[%dma_start3A_46] : memref<66560xf32, #tpu.memory_space<hbm>> -> memref<66560xf32, #tpu.memory_space<hbm>>
    tpu.enqueue_indirect_dma source(%dma_start3A_47 : memref<66560xf32, #tpu.memory_space<hbm>>) target(%dma_start3A_42 : memref<128xf32, #tpu.memory_space<vmem>>) offsets(%dma_start3A_45 : memref<128xi32, #tpu.memory_space<vmem>>) semaphore(%arg13 : memref<!tpu.dma_semaphore, #tpu.memory_space<semaphore_mem>>)
    %dma_start3A_48 = arith.constant 2 : i32
    %dma_start3A_49 = arith.constant 256 : i32
    %dma_start3A_50 = tpu.memref_slice %arg10[%dma_start3A_49] : memref<2048xf32, #tpu.memory_space<vmem>> -> memref<128xf32, #tpu.memory_space<vmem>>
    %dma_start3A_51 = arith.constant 0 : i32
    %dma_start3A_52 = tpu.memref_slice %arg9[%dma_start3A_48, %dma_start3A_51] : memref<16x128xi32, #tpu.memory_space<vmem>> -> memref<1x128xi32, #tpu.memory_space<vmem>>
    %dma_start3A_53 = tpu.memref_squeeze %dma_start3A_52 : memref<1x128xi32, #tpu.memory_space<vmem>> -> memref<128xi32, #tpu.memory_space<vmem>>
    %dma_start3A_54 = arith.constant 0 : i32
    %dma_start3A_55 = tpu.memref_slice %arg2[%dma_start3A_54] : memref<66560xf32, #tpu.memory_space<hbm>> -> memref<66560xf32, #tpu.memory_space<hbm>>
    tpu.enqueue_indirect_dma source(%dma_start3A_55 : memref<66560xf32, #tpu.memory_space<hbm>>) target(%dma_start3A_50 : memref<128xf32, #tpu.memory_space<vmem>>) offsets(%dma_start3A_53 : memref<128xi32, #tpu.memory_space<vmem>>) semaphore(%arg13 : memref<!tpu.dma_semaphore, #tpu.memory_space<semaphore_mem>>)
    %dma_start3A_56 = arith.constant 2 : i32
    %dma_start3A_57 = arith.constant 256 : i32
    %dma_start3A_58 = tpu.memref_slice %arg11[%dma_start3A_57] : memref<2048xf32, #tpu.memory_space<vmem>> -> memref<128xf32, #tpu.memory_space<vmem>>
    %dma_start3A_59 = arith.constant 0 : i32
    %dma_start3A_60 = tpu.memref_slice %arg9[%dma_start3A_56, %dma_start3A_59] : memref<16x128xi32, #tpu.memory_space<vmem>> -> memref<1x128xi32, #tpu.memory_space<vmem>>
    %dma_start3A_61 = tpu.memref_squeeze %dma_start3A_60 : memref<1x128xi32, #tpu.memory_space<vmem>> -> memref<128xi32, #tpu.memory_space<vmem>>
    %dma_start3A_62 = arith.constant 0 : i32
    %dma_start3A_63 = tpu.memref_slice %arg3[%dma_start3A_62] : memref<66560xf32, #tpu.memory_space<hbm>> -> memref<66560xf32, #tpu.memory_space<hbm>>
    tpu.enqueue_indirect_dma source(%dma_start3A_63 : memref<66560xf32, #tpu.memory_space<hbm>>) target(%dma_start3A_58 : memref<128xf32, #tpu.memory_space<vmem>>) offsets(%dma_start3A_61 : memref<128xi32, #tpu.memory_space<vmem>>) semaphore(%arg13 : memref<!tpu.dma_semaphore, #tpu.memory_space<semaphore_mem>>)
    %dma_start3A_64 = arith.constant 2 : i32
    %dma_start3A_65 = arith.constant 256 : i32
    %dma_start3A_66 = tpu.memref_slice %arg12[%dma_start3A_65] : memref<2048xf32, #tpu.memory_space<vmem>> -> memref<128xf32, #tpu.memory_space<vmem>>
    %dma_start3A_67 = arith.constant 0 : i32
    %dma_start3A_68 = tpu.memref_slice %arg9[%dma_start3A_64, %dma_start3A_67] : memref<16x128xi32, #tpu.memory_space<vmem>> -> memref<1x128xi32, #tpu.memory_space<vmem>>
    %dma_start3A_69 = tpu.memref_squeeze %dma_start3A_68 : memref<1x128xi32, #tpu.memory_space<vmem>> -> memref<128xi32, #tpu.memory_space<vmem>>
    %dma_start3A_70 = arith.constant 0 : i32
    %dma_start3A_71 = tpu.memref_slice %arg4[%dma_start3A_70] : memref<66560xf32, #tpu.memory_space<hbm>> -> memref<66560xf32, #tpu.memory_space<hbm>>
    tpu.enqueue_indirect_dma source(%dma_start3A_71 : memref<66560xf32, #tpu.memory_space<hbm>>) target(%dma_start3A_66 : memref<128xf32, #tpu.memory_space<vmem>>) offsets(%dma_start3A_69 : memref<128xi32, #tpu.memory_space<vmem>>) semaphore(%arg13 : memref<!tpu.dma_semaphore, #tpu.memory_space<semaphore_mem>>)
    %dma_start3A_72 = arith.constant 3 : i32
    %dma_start3A_73 = arith.constant 384 : i32
    %dma_start3A_74 = tpu.memref_slice %arg10[%dma_start3A_73] : memref<2048xf32, #tpu.memory_space<vmem>> -> memref<128xf32, #tpu.memory_space<vmem>>
    %dma_start3A_75 = arith.constant 0 : i32
    %dma_start3A_76 = tpu.memref_slice %arg9[%dma_start3A_72, %dma_start3A_75] : memref<16x128xi32, #tpu.memory_space<vmem>> -> memref<1x128xi32, #tpu.memory_space<vmem>>
    %dma_start3A_77 = tpu.memref_squeeze %dma_start3A_76 : memref<1x128xi32, #tpu.memory_space<vmem>> -> memref<128xi32, #tpu.memory_space<vmem>>
    %dma_start3A_78 = arith.constant 0 : i32
    %dma_start3A_79 = tpu.memref_slice %arg2[%dma_start3A_78] : memref<66560xf32, #tpu.memory_space<hbm>> -> memref<66560xf32, #tpu.memory_space<hbm>>
    tpu.enqueue_indirect_dma source(%dma_start3A_79 : memref<66560xf32, #tpu.memory_space<hbm>>) target(%dma_start3A_74 : memref<128xf32, #tpu.memory_space<vmem>>) offsets(%dma_start3A_77 : memref<128xi32, #tpu.memory_space<vmem>>) semaphore(%arg13 : memref<!tpu.dma_semaphore, #tpu.memory_space<semaphore_mem>>)
    %dma_start3A_80 = arith.constant 3 : i32
    %dma_start3A_81 = arith.constant 384 : i32
    %dma_start3A_82 = tpu.memref_slice %arg11[%dma_start3A_81] : memref<2048xf32, #tpu.memory_space<vmem>> -> memref<128xf32, #tpu.memory_space<vmem>>
    %dma_start3A_83 = arith.constant 0 : i32
    %dma_start3A_84 = tpu.memref_slice %arg9[%dma_start3A_80, %dma_start3A_83] : memref<16x128xi32, #tpu.memory_space<vmem>> -> memref<1x128xi32, #tpu.memory_space<vmem>>
    %dma_start3A_85 = tpu.memref_squeeze %dma_start3A_84 : memref<1x128xi32, #tpu.memory_space<vmem>> -> memref<128xi32, #tpu.memory_space<vmem>>
    %dma_start3A_86 = arith.constant 0 : i32
    %dma_start3A_87 = tpu.memref_slice %arg3[%dma_start3A_86] : memref<66560xf32, #tpu.memory_space<hbm>> -> memref<66560xf32, #tpu.memory_space<hbm>>
    tpu.enqueue_indirect_dma source(%dma_start3A_87 : memref<66560xf32, #tpu.memory_space<hbm>>) target(%dma_start3A_82 : memref<128xf32, #tpu.memory_space<vmem>>) offsets(%dma_start3A_85 : memref<128xi32, #tpu.memory_space<vmem>>) semaphore(%arg13 : memref<!tpu.dma_semaphore, #tpu.memory_space<semaphore_mem>>)
    %dma_start3A_88 = arith.constant 3 : i32
    %dma_start3A_89 = arith.constant 384 : i32
    %dma_start3A_90 = tpu.memref_slice %arg12[%dma_start3A_89] : memref<2048xf32, #tpu.memory_space<vmem>> -> memref<128xf32, #tpu.memory_space<vmem>>
    %dma_start3A_91 = arith.constant 0 : i32
    %dma_start3A_92 = tpu.memref_slice %arg9[%dma_start3A_88, %dma_start3A_91] : memref<16x128xi32, #tpu.memory_space<vmem>> -> memref<1x128xi32, #tpu.memory_space<vmem>>
    %dma_start3A_93 = tpu.memref_squeeze %dma_start3A_92 : memref<1x128xi32, #tpu.memory_space<vmem>> -> memref<128xi32, #tpu.memory_space<vmem>>
    %dma_start3A_94 = arith.constant 0 : i32
    %dma_start3A_95 = tpu.memref_slice %arg4[%dma_start3A_94] : memref<66560xf32, #tpu.memory_space<hbm>> -> memref<66560xf32, #tpu.memory_space<hbm>>
    tpu.enqueue_indirect_dma source(%dma_start3A_95 : memref<66560xf32, #tpu.memory_space<hbm>>) target(%dma_start3A_90 : memref<128xf32, #tpu.memory_space<vmem>>) offsets(%dma_start3A_93 : memref<128xi32, #tpu.memory_space<vmem>>) semaphore(%arg13 : memref<!tpu.dma_semaphore, #tpu.memory_space<semaphore_mem>>)
    %dma_start3A_96 = arith.constant 4 : i32
    %dma_start3A_97 = arith.constant 512 : i32
    %dma_start3A_98 = tpu.memref_slice %arg10[%dma_start3A_97] : memref<2048xf32, #tpu.memory_space<vmem>> -> memref<128xf32, #tpu.memory_space<vmem>>
    %dma_start3A_99 = arith.constant 0 : i32
    %dma_start3A_100 = tpu.memref_slice %arg9[%dma_start3A_96, %dma_start3A_99] : memref<16x128xi32, #tpu.memory_space<vmem>> -> memref<1x128xi32, #tpu.memory_space<vmem>>
    %dma_start3A_101 = tpu.memref_squeeze %dma_start3A_100 : memref<1x128xi32, #tpu.memory_space<vmem>> -> memref<128xi32, #tpu.memory_space<vmem>>
    %dma_start3A_102 = arith.constant 0 : i32
    %dma_start3A_103 = tpu.memref_slice %arg2[%dma_start3A_102] : memref<66560xf32, #tpu.memory_space<hbm>> -> memref<66560xf32, #tpu.memory_space<hbm>>
    tpu.enqueue_indirect_dma source(%dma_start3A_103 : memref<66560xf32, #tpu.memory_space<hbm>>) target(%dma_start3A_98 : memref<128xf32, #tpu.memory_space<vmem>>) offsets(%dma_start3A_101 : memref<128xi32, #tpu.memory_space<vmem>>) semaphore(%arg13 : memref<!tpu.dma_semaphore, #tpu.memory_space<semaphore_mem>>)
    %dma_start3A_104 = arith.constant 4 : i32
    %dma_start3A_105 = arith.constant 512 : i32
    %dma_start3A_106 = tpu.memref_slice %arg11[%dma_start3A_105] : memref<2048xf32, #tpu.memory_space<vmem>> -> memref<128xf32, #tpu.memory_space<vmem>>
    %dma_start3A_107 = arith.constant 0 : i32
    %dma_start3A_108 = tpu.memref_slice %arg9[%dma_start3A_104, %dma_start3A_107] : memref<16x128xi32, #tpu.memory_space<vmem>> -> memref<1x128xi32, #tpu.memory_space<vmem>>
    %dma_start3A_109 = tpu.memref_squeeze %dma_start3A_108 : memref<1x128xi32, #tpu.memory_space<vmem>> -> memref<128xi32, #tpu.memory_space<vmem>>
    %dma_start3A_110 = arith.constant 0 : i32
    %dma_start3A_111 = tpu.memref_slice %arg3[%dma_start3A_110] : memref<66560xf32, #tpu.memory_space<hbm>> -> memref<66560xf32, #tpu.memory_space<hbm>>
    tpu.enqueue_indirect_dma source(%dma_start3A_111 : memref<66560xf32, #tpu.memory_space<hbm>>) target(%dma_start3A_106 : memref<128xf32, #tpu.memory_space<vmem>>) offsets(%dma_start3A_109 : memref<128xi32, #tpu.memory_space<vmem>>) semaphore(%arg13 : memref<!tpu.dma_semaphore, #tpu.memory_space<semaphore_mem>>)
    %dma_start3A_112 = arith.constant 4 : i32
    %dma_start3A_113 = arith.constant 512 : i32
    %dma_start3A_114 = tpu.memref_slice %arg12[%dma_start3A_113] : memref<2048xf32, #tpu.memory_space<vmem>> -> memref<128xf32, #tpu.memory_space<vmem>>
    %dma_start3A_115 = arith.constant 0 : i32
    %dma_start3A_116 = tpu.memref_slice %arg9[%dma_start3A_112, %dma_start3A_115] : memref<16x128xi32, #tpu.memory_space<vmem>> -> memref<1x128xi32, #tpu.memory_space<vmem>>
    %dma_start3A_117 = tpu.memref_squeeze %dma_start3A_116 : memref<1x128xi32, #tpu.memory_space<vmem>> -> memref<128xi32, #tpu.memory_space<vmem>>
    %dma_start3A_118 = arith.constant 0 : i32
    %dma_start3A_119 = tpu.memref_slice %arg4[%dma_start3A_118] : memref<66560xf32, #tpu.memory_space<hbm>> -> memref<66560xf32, #tpu.memory_space<hbm>>
    tpu.enqueue_indirect_dma source(%dma_start3A_119 : memref<66560xf32, #tpu.memory_space<hbm>>) target(%dma_start3A_114 : memref<128xf32, #tpu.memory_space<vmem>>) offsets(%dma_start3A_117 : memref<128xi32, #tpu.memory_space<vmem>>) semaphore(%arg13 : memref<!tpu.dma_semaphore, #tpu.memory_space<semaphore_mem>>)
    %dma_start3A_120 = arith.constant 5 : i32
    %dma_start3A_121 = arith.constant 640 : i32
    %dma_start3A_122 = tpu.memref_slice %arg10[%dma_start3A_121] : memref<2048xf32, #tpu.memory_space<vmem>> -> memref<128xf32, #tpu.memory_space<vmem>>
    %dma_start3A_123 = arith.constant 0 : i32
    %dma_start3A_124 = tpu.memref_slice %arg9[%dma_start3A_120, %dma_start3A_123] : memref<16x128xi32, #tpu.memory_space<vmem>> -> memref<1x128xi32, #tpu.memory_space<vmem>>
    %dma_start3A_125 = tpu.memref_squeeze %dma_start3A_124 : memref<1x128xi32, #tpu.memory_space<vmem>> -> memref<128xi32, #tpu.memory_space<vmem>>
    %dma_start3A_126 = arith.constant 0 : i32
    %dma_start3A_127 = tpu.memref_slice %arg2[%dma_start3A_126] : memref<66560xf32, #tpu.memory_space<hbm>> -> memref<66560xf32, #tpu.memory_space<hbm>>
    tpu.enqueue_indirect_dma source(%dma_start3A_127 : memref<66560xf32, #tpu.memory_space<hbm>>) target(%dma_start3A_122 : memref<128xf32, #tpu.memory_space<vmem>>) offsets(%dma_start3A_125 : memref<128xi32, #tpu.memory_space<vmem>>) semaphore(%arg13 : memref<!tpu.dma_semaphore, #tpu.memory_space<semaphore_mem>>)
    %dma_start3A_128 = arith.constant 5 : i32
    %dma_start3A_129 = arith.constant 640 : i32
    %dma_start3A_130 = tpu.memref_slice %arg11[%dma_start3A_129] : memref<2048xf32, #tpu.memory_space<vmem>> -> memref<128xf32, #tpu.memory_space<vmem>>
    %dma_start3A_131 = arith.constant 0 : i32
    %dma_start3A_132 = tpu.memref_slice %arg9[%dma_start3A_128, %dma_start3A_131] : memref<16x128xi32, #tpu.memory_space<vmem>> -> memref<1x128xi32, #tpu.memory_space<vmem>>
    %dma_start3A_133 = tpu.memref_squeeze %dma_start3A_132 : memref<1x128xi32, #tpu.memory_space<vmem>> -> memref<128xi32, #tpu.memory_space<vmem>>
    %dma_start3A_134 = arith.constant 0 : i32
    %dma_start3A_135 = tpu.memref_slice %arg3[%dma_start3A_134] : memref<66560xf32, #tpu.memory_space<hbm>> -> memref<66560xf32, #tpu.memory_space<hbm>>
    tpu.enqueue_indirect_dma source(%dma_start3A_135 : memref<66560xf32, #tpu.memory_space<hbm>>) target(%dma_start3A_130 : memref<128xf32, #tpu.memory_space<vmem>>) offsets(%dma_start3A_133 : memref<128xi32, #tpu.memory_space<vmem>>) semaphore(%arg13 : memref<!tpu.dma_semaphore, #tpu.memory_space<semaphore_mem>>)
    %dma_start3A_136 = arith.constant 5 : i32
    %dma_start3A_137 = arith.constant 640 : i32
    %dma_start3A_138 = tpu.memref_slice %arg12[%dma_start3A_137] : memref<2048xf32, #tpu.memory_space<vmem>> -> memref<128xf32, #tpu.memory_space<vmem>>
    %dma_start3A_139 = arith.constant 0 : i32
    %dma_start3A_140 = tpu.memref_slice %arg9[%dma_start3A_136, %dma_start3A_139] : memref<16x128xi32, #tpu.memory_space<vmem>> -> memref<1x128xi32, #tpu.memory_space<vmem>>
    %dma_start3A_141 = tpu.memref_squeeze %dma_start3A_140 : memref<1x128xi32, #tpu.memory_space<vmem>> -> memref<128xi32, #tpu.memory_space<vmem>>
    %dma_start3A_142 = arith.constant 0 : i32
    %dma_start3A_143 = tpu.memref_slice %arg4[%dma_start3A_142] : memref<66560xf32, #tpu.memory_space<hbm>> -> memref<66560xf32, #tpu.memory_space<hbm>>
    tpu.enqueue_indirect_dma source(%dma_start3A_143 : memref<66560xf32, #tpu.memory_space<hbm>>) target(%dma_start3A_138 : memref<128xf32, #tpu.memory_space<vmem>>) offsets(%dma_start3A_141 : memref<128xi32, #tpu.memory_space<vmem>>) semaphore(%arg13 : memref<!tpu.dma_semaphore, #tpu.memory_space<semaphore_mem>>)
    %dma_start3A_144 = arith.constant 6 : i32
    %dma_start3A_145 = arith.constant 768 : i32
    %dma_start3A_146 = tpu.memref_slice %arg10[%dma_start3A_145] : memref<2048xf32, #tpu.memory_space<vmem>> -> memref<128xf32, #tpu.memory_space<vmem>>
    %dma_start3A_147 = arith.constant 0 : i32
    %dma_start3A_148 = tpu.memref_slice %arg9[%dma_start3A_144, %dma_start3A_147] : memref<16x128xi32, #tpu.memory_space<vmem>> -> memref<1x128xi32, #tpu.memory_space<vmem>>
    %dma_start3A_149 = tpu.memref_squeeze %dma_start3A_148 : memref<1x128xi32, #tpu.memory_space<vmem>> -> memref<128xi32, #tpu.memory_space<vmem>>
    %dma_start3A_150 = arith.constant 0 : i32
    %dma_start3A_151 = tpu.memref_slice %arg2[%dma_start3A_150] : memref<66560xf32, #tpu.memory_space<hbm>> -> memref<66560xf32, #tpu.memory_space<hbm>>
    tpu.enqueue_indirect_dma source(%dma_start3A_151 : memref<66560xf32, #tpu.memory_space<hbm>>) target(%dma_start3A_146 : memref<128xf32, #tpu.memory_space<vmem>>) offsets(%dma_start3A_149 : memref<128xi32, #tpu.memory_space<vmem>>) semaphore(%arg13 : memref<!tpu.dma_semaphore, #tpu.memory_space<semaphore_mem>>)
    %dma_start3A_152 = arith.constant 6 : i32
    %dma_start3A_153 = arith.constant 768 : i32
    %dma_start3A_154 = tpu.memref_slice %arg11[%dma_start3A_153] : memref<2048xf32, #tpu.memory_space<vmem>> -> memref<128xf32, #tpu.memory_space<vmem>>
    %dma_start3A_155 = arith.constant 0 : i32
    %dma_start3A_156 = tpu.memref_slice %arg9[%dma_start3A_152, %dma_start3A_155] : memref<16x128xi32, #tpu.memory_space<vmem>> -> memref<1x128xi32, #tpu.memory_space<vmem>>
    %dma_start3A_157 = tpu.memref_squeeze %dma_start3A_156 : memref<1x128xi32, #tpu.memory_space<vmem>> -> memref<128xi32, #tpu.memory_space<vmem>>
    %dma_start3A_158 = arith.constant 0 : i32
    %dma_start3A_159 = tpu.memref_slice %arg3[%dma_start3A_158] : memref<66560xf32, #tpu.memory_space<hbm>> -> memref<66560xf32, #tpu.memory_space<hbm>>
    tpu.enqueue_indirect_dma source(%dma_start3A_159 : memref<66560xf32, #tpu.memory_space<hbm>>) target(%dma_start3A_154 : memref<128xf32, #tpu.memory_space<vmem>>) offsets(%dma_start3A_157 : memref<128xi32, #tpu.memory_space<vmem>>) semaphore(%arg13 : memref<!tpu.dma_semaphore, #tpu.memory_space<semaphore_mem>>)
    %dma_start3A_160 = arith.constant 6 : i32
    %dma_start3A_161 = arith.constant 768 : i32
    %dma_start3A_162 = tpu.memref_slice %arg12[%dma_start3A_161] : memref<2048xf32, #tpu.memory_space<vmem>> -> memref<128xf32, #tpu.memory_space<vmem>>
    %dma_start3A_163 = arith.constant 0 : i32
    %dma_start3A_164 = tpu.memref_slice %arg9[%dma_start3A_160, %dma_start3A_163] : memref<16x128xi32, #tpu.memory_space<vmem>> -> memref<1x128xi32, #tpu.memory_space<vmem>>
    %dma_start3A_165 = tpu.memref_squeeze %dma_start3A_164 : memref<1x128xi32, #tpu.memory_space<vmem>> -> memref<128xi32, #tpu.memory_space<vmem>>
    %dma_start3A_166 = arith.constant 0 : i32
    %dma_start3A_167 = tpu.memref_slice %arg4[%dma_start3A_166] : memref<66560xf32, #tpu.memory_space<hbm>> -> memref<66560xf32, #tpu.memory_space<hbm>>
    tpu.enqueue_indirect_dma source(%dma_start3A_167 : memref<66560xf32, #tpu.memory_space<hbm>>) target(%dma_start3A_162 : memref<128xf32, #tpu.memory_space<vmem>>) offsets(%dma_start3A_165 : memref<128xi32, #tpu.memory_space<vmem>>) semaphore(%arg13 : memref<!tpu.dma_semaphore, #tpu.memory_space<semaphore_mem>>)
    %dma_start3A_168 = arith.constant 7 : i32
    %dma_start3A_169 = arith.constant 896 : i32
    %dma_start3A_170 = tpu.memref_slice %arg10[%dma_start3A_169] : memref<2048xf32, #tpu.memory_space<vmem>> -> memref<128xf32, #tpu.memory_space<vmem>>
    %dma_start3A_171 = arith.constant 0 : i32
    %dma_start3A_172 = tpu.memref_slice %arg9[%dma_start3A_168, %dma_start3A_171] : memref<16x128xi32, #tpu.memory_space<vmem>> -> memref<1x128xi32, #tpu.memory_space<vmem>>
    %dma_start3A_173 = tpu.memref_squeeze %dma_start3A_172 : memref<1x128xi32, #tpu.memory_space<vmem>> -> memref<128xi32, #tpu.memory_space<vmem>>
    %dma_start3A_174 = arith.constant 0 : i32
    %dma_start3A_175 = tpu.memref_slice %arg2[%dma_start3A_174] : memref<66560xf32, #tpu.memory_space<hbm>> -> memref<66560xf32, #tpu.memory_space<hbm>>
    tpu.enqueue_indirect_dma source(%dma_start3A_175 : memref<66560xf32, #tpu.memory_space<hbm>>) target(%dma_start3A_170 : memref<128xf32, #tpu.memory_space<vmem>>) offsets(%dma_start3A_173 : memref<128xi32, #tpu.memory_space<vmem>>) semaphore(%arg13 : memref<!tpu.dma_semaphore, #tpu.memory_space<semaphore_mem>>)
    %dma_start3A_176 = arith.constant 7 : i32
    %dma_start3A_177 = arith.constant 896 : i32
    %dma_start3A_178 = tpu.memref_slice %arg11[%dma_start3A_177] : memref<2048xf32, #tpu.memory_space<vmem>> -> memref<128xf32, #tpu.memory_space<vmem>>
    %dma_start3A_179 = arith.constant 0 : i32
    %dma_start3A_180 = tpu.memref_slice %arg9[%dma_start3A_176, %dma_start3A_179] : memref<16x128xi32, #tpu.memory_space<vmem>> -> memref<1x128xi32, #tpu.memory_space<vmem>>
    %dma_start3A_181 = tpu.memref_squeeze %dma_start3A_180 : memref<1x128xi32, #tpu.memory_space<vmem>> -> memref<128xi32, #tpu.memory_space<vmem>>
    %dma_start3A_182 = arith.constant 0 : i32
    %dma_start3A_183 = tpu.memref_slice %arg3[%dma_start3A_182] : memref<66560xf32, #tpu.memory_space<hbm>> -> memref<66560xf32, #tpu.memory_space<hbm>>
    tpu.enqueue_indirect_dma source(%dma_start3A_183 : memref<66560xf32, #tpu.memory_space<hbm>>) target(%dma_start3A_178 : memref<128xf32, #tpu.memory_space<vmem>>) offsets(%dma_start3A_181 : memref<128xi32, #tpu.memory_space<vmem>>) semaphore(%arg13 : memref<!tpu.dma_semaphore, #tpu.memory_space<semaphore_mem>>)
    %dma_start3A_184 = arith.constant 7 : i32
    %dma_start3A_185 = arith.constant 896 : i32
    %dma_start3A_186 = tpu.memref_slice %arg12[%dma_start3A_185] : memref<2048xf32, #tpu.memory_space<vmem>> -> memref<128xf32, #tpu.memory_space<vmem>>
    %dma_start3A_187 = arith.constant 0 : i32
    %dma_start3A_188 = tpu.memref_slice %arg9[%dma_start3A_184, %dma_start3A_187] : memref<16x128xi32, #tpu.memory_space<vmem>> -> memref<1x128xi32, #tpu.memory_space<vmem>>
    %dma_start3A_189 = tpu.memref_squeeze %dma_start3A_188 : memref<1x128xi32, #tpu.memory_space<vmem>> -> memref<128xi32, #tpu.memory_space<vmem>>
    %dma_start3A_190 = arith.constant 0 : i32
    %dma_start3A_191 = tpu.memref_slice %arg4[%dma_start3A_190] : memref<66560xf32, #tpu.memory_space<hbm>> -> memref<66560xf32, #tpu.memory_space<hbm>>
    tpu.enqueue_indirect_dma source(%dma_start3A_191 : memref<66560xf32, #tpu.memory_space<hbm>>) target(%dma_start3A_186 : memref<128xf32, #tpu.memory_space<vmem>>) offsets(%dma_start3A_189 : memref<128xi32, #tpu.memory_space<vmem>>) semaphore(%arg13 : memref<!tpu.dma_semaphore, #tpu.memory_space<semaphore_mem>>)
    %dma_start3A_192 = arith.constant 8 : i32
    %dma_start3A_193 = arith.constant 1024 : i32
    %dma_start3A_194 = tpu.memref_slice %arg10[%dma_start3A_193] : memref<2048xf32, #tpu.memory_space<vmem>> -> memref<128xf32, #tpu.memory_space<vmem>>
    %dma_start3A_195 = arith.constant 0 : i32
    %dma_start3A_196 = tpu.memref_slice %arg9[%dma_start3A_192, %dma_start3A_195] : memref<16x128xi32, #tpu.memory_space<vmem>> -> memref<1x128xi32, #tpu.memory_space<vmem>>
    %dma_start3A_197 = tpu.memref_squeeze %dma_start3A_196 : memref<1x128xi32, #tpu.memory_space<vmem>> -> memref<128xi32, #tpu.memory_space<vmem>>
    %dma_start3A_198 = arith.constant 0 : i32
    %dma_start3A_199 = tpu.memref_slice %arg2[%dma_start3A_198] : memref<66560xf32, #tpu.memory_space<hbm>> -> memref<66560xf32, #tpu.memory_space<hbm>>
    tpu.enqueue_indirect_dma source(%dma_start3A_199 : memref<66560xf32, #tpu.memory_space<hbm>>) target(%dma_start3A_194 : memref<128xf32, #tpu.memory_space<vmem>>) offsets(%dma_start3A_197 : memref<128xi32, #tpu.memory_space<vmem>>) semaphore(%arg13 : memref<!tpu.dma_semaphore, #tpu.memory_space<semaphore_mem>>)
    %dma_start3A_200 = arith.constant 8 : i32
    %dma_start3A_201 = arith.constant 1024 : i32
    %dma_start3A_202 = tpu.memref_slice %arg11[%dma_start3A_201] : memref<2048xf32, #tpu.memory_space<vmem>> -> memref<128xf32, #tpu.memory_space<vmem>>
    %dma_start3A_203 = arith.constant 0 : i32
    %dma_start3A_204 = tpu.memref_slice %arg9[%dma_start3A_200, %dma_start3A_203] : memref<16x128xi32, #tpu.memory_space<vmem>> -> memref<1x128xi32, #tpu.memory_space<vmem>>
    %dma_start3A_205 = tpu.memref_squeeze %dma_start3A_204 : memref<1x128xi32, #tpu.memory_space<vmem>> -> memref<128xi32, #tpu.memory_space<vmem>>
    %dma_start3A_206 = arith.constant 0 : i32
    %dma_start3A_207 = tpu.memref_slice %arg3[%dma_start3A_206] : memref<66560xf32, #tpu.memory_space<hbm>> -> memref<66560xf32, #tpu.memory_space<hbm>>
    tpu.enqueue_indirect_dma source(%dma_start3A_207 : memref<66560xf32, #tpu.memory_space<hbm>>) target(%dma_start3A_202 : memref<128xf32, #tpu.memory_space<vmem>>) offsets(%dma_start3A_205 : memref<128xi32, #tpu.memory_space<vmem>>) semaphore(%arg13 : memref<!tpu.dma_semaphore, #tpu.memory_space<semaphore_mem>>)
    %dma_start3A_208 = arith.constant 8 : i32
    %dma_start3A_209 = arith.constant 1024 : i32
    %dma_start3A_210 = tpu.memref_slice %arg12[%dma_start3A_209] : memref<2048xf32, #tpu.memory_space<vmem>> -> memref<128xf32, #tpu.memory_space<vmem>>
    %dma_start3A_211 = arith.constant 0 : i32
    %dma_start3A_212 = tpu.memref_slice %arg9[%dma_start3A_208, %dma_start3A_211] : memref<16x128xi32, #tpu.memory_space<vmem>> -> memref<1x128xi32, #tpu.memory_space<vmem>>
    %dma_start3A_213 = tpu.memref_squeeze %dma_start3A_212 : memref<1x128xi32, #tpu.memory_space<vmem>> -> memref<128xi32, #tpu.memory_space<vmem>>
    %dma_start3A_214 = arith.constant 0 : i32
    %dma_start3A_215 = tpu.memref_slice %arg4[%dma_start3A_214] : memref<66560xf32, #tpu.memory_space<hbm>> -> memref<66560xf32, #tpu.memory_space<hbm>>
    tpu.enqueue_indirect_dma source(%dma_start3A_215 : memref<66560xf32, #tpu.memory_space<hbm>>) target(%dma_start3A_210 : memref<128xf32, #tpu.memory_space<vmem>>) offsets(%dma_start3A_213 : memref<128xi32, #tpu.memory_space<vmem>>) semaphore(%arg13 : memref<!tpu.dma_semaphore, #tpu.memory_space<semaphore_mem>>)
    %dma_start3A_216 = arith.constant 9 : i32
    %dma_start3A_217 = arith.constant 1152 : i32
    %dma_start3A_218 = tpu.memref_slice %arg10[%dma_start3A_217] : memref<2048xf32, #tpu.memory_space<vmem>> -> memref<128xf32, #tpu.memory_space<vmem>>
    %dma_start3A_219 = arith.constant 0 : i32
    %dma_start3A_220 = tpu.memref_slice %arg9[%dma_start3A_216, %dma_start3A_219] : memref<16x128xi32, #tpu.memory_space<vmem>> -> memref<1x128xi32, #tpu.memory_space<vmem>>
    %dma_start3A_221 = tpu.memref_squeeze %dma_start3A_220 : memref<1x128xi32, #tpu.memory_space<vmem>> -> memref<128xi32, #tpu.memory_space<vmem>>
    %dma_start3A_222 = arith.constant 0 : i32
    %dma_start3A_223 = tpu.memref_slice %arg2[%dma_start3A_222] : memref<66560xf32, #tpu.memory_space<hbm>> -> memref<66560xf32, #tpu.memory_space<hbm>>
    tpu.enqueue_indirect_dma source(%dma_start3A_223 : memref<66560xf32, #tpu.memory_space<hbm>>) target(%dma_start3A_218 : memref<128xf32, #tpu.memory_space<vmem>>) offsets(%dma_start3A_221 : memref<128xi32, #tpu.memory_space<vmem>>) semaphore(%arg13 : memref<!tpu.dma_semaphore, #tpu.memory_space<semaphore_mem>>)
    %dma_start3A_224 = arith.constant 9 : i32
    %dma_start3A_225 = arith.constant 1152 : i32
    %dma_start3A_226 = tpu.memref_slice %arg11[%dma_start3A_225] : memref<2048xf32, #tpu.memory_space<vmem>> -> memref<128xf32, #tpu.memory_space<vmem>>
    %dma_start3A_227 = arith.constant 0 : i32
    %dma_start3A_228 = tpu.memref_slice %arg9[%dma_start3A_224, %dma_start3A_227] : memref<16x128xi32, #tpu.memory_space<vmem>> -> memref<1x128xi32, #tpu.memory_space<vmem>>
    %dma_start3A_229 = tpu.memref_squeeze %dma_start3A_228 : memref<1x128xi32, #tpu.memory_space<vmem>> -> memref<128xi32, #tpu.memory_space<vmem>>
    %dma_start3A_230 = arith.constant 0 : i32
    %dma_start3A_231 = tpu.memref_slice %arg3[%dma_start3A_230] : memref<66560xf32, #tpu.memory_space<hbm>> -> memref<66560xf32, #tpu.memory_space<hbm>>
    tpu.enqueue_indirect_dma source(%dma_start3A_231 : memref<66560xf32, #tpu.memory_space<hbm>>) target(%dma_start3A_226 : memref<128xf32, #tpu.memory_space<vmem>>) offsets(%dma_start3A_229 : memref<128xi32, #tpu.memory_space<vmem>>) semaphore(%arg13 : memref<!tpu.dma_semaphore, #tpu.memory_space<semaphore_mem>>)
    %dma_start3A_232 = arith.constant 9 : i32
    %dma_start3A_233 = arith.constant 1152 : i32
    %dma_start3A_234 = tpu.memref_slice %arg12[%dma_start3A_233] : memref<2048xf32, #tpu.memory_space<vmem>> -> memref<128xf32, #tpu.memory_space<vmem>>
    %dma_start3A_235 = arith.constant 0 : i32
    %dma_start3A_236 = tpu.memref_slice %arg9[%dma_start3A_232, %dma_start3A_235] : memref<16x128xi32, #tpu.memory_space<vmem>> -> memref<1x128xi32, #tpu.memory_space<vmem>>
    %dma_start3A_237 = tpu.memref_squeeze %dma_start3A_236 : memref<1x128xi32, #tpu.memory_space<vmem>> -> memref<128xi32, #tpu.memory_space<vmem>>
    %dma_start3A_238 = arith.constant 0 : i32
    %dma_start3A_239 = tpu.memref_slice %arg4[%dma_start3A_238] : memref<66560xf32, #tpu.memory_space<hbm>> -> memref<66560xf32, #tpu.memory_space<hbm>>
    tpu.enqueue_indirect_dma source(%dma_start3A_239 : memref<66560xf32, #tpu.memory_space<hbm>>) target(%dma_start3A_234 : memref<128xf32, #tpu.memory_space<vmem>>) offsets(%dma_start3A_237 : memref<128xi32, #tpu.memory_space<vmem>>) semaphore(%arg13 : memref<!tpu.dma_semaphore, #tpu.memory_space<semaphore_mem>>)
    %dma_start3A_240 = arith.constant 10 : i32
    %dma_start3A_241 = arith.constant 1280 : i32
    %dma_start3A_242 = tpu.memref_slice %arg10[%dma_start3A_241] : memref<2048xf32, #tpu.memory_space<vmem>> -> memref<128xf32, #tpu.memory_space<vmem>>
    %dma_start3A_243 = arith.constant 0 : i32
    %dma_start3A_244 = tpu.memref_slice %arg9[%dma_start3A_240, %dma_start3A_243] : memref<16x128xi32, #tpu.memory_space<vmem>> -> memref<1x128xi32, #tpu.memory_space<vmem>>
    %dma_start3A_245 = tpu.memref_squeeze %dma_start3A_244 : memref<1x128xi32, #tpu.memory_space<vmem>> -> memref<128xi32, #tpu.memory_space<vmem>>
    %dma_start3A_246 = arith.constant 0 : i32
    %dma_start3A_247 = tpu.memref_slice %arg2[%dma_start3A_246] : memref<66560xf32, #tpu.memory_space<hbm>> -> memref<66560xf32, #tpu.memory_space<hbm>>
    tpu.enqueue_indirect_dma source(%dma_start3A_247 : memref<66560xf32, #tpu.memory_space<hbm>>) target(%dma_start3A_242 : memref<128xf32, #tpu.memory_space<vmem>>) offsets(%dma_start3A_245 : memref<128xi32, #tpu.memory_space<vmem>>) semaphore(%arg13 : memref<!tpu.dma_semaphore, #tpu.memory_space<semaphore_mem>>)
    %dma_start3A_248 = arith.constant 10 : i32
    %dma_start3A_249 = arith.constant 1280 : i32
    %dma_start3A_250 = tpu.memref_slice %arg11[%dma_start3A_249] : memref<2048xf32, #tpu.memory_space<vmem>> -> memref<128xf32, #tpu.memory_space<vmem>>
    %dma_start3A_251 = arith.constant 0 : i32
    %dma_start3A_252 = tpu.memref_slice %arg9[%dma_start3A_248, %dma_start3A_251] : memref<16x128xi32, #tpu.memory_space<vmem>> -> memref<1x128xi32, #tpu.memory_space<vmem>>
    %dma_start3A_253 = tpu.memref_squeeze %dma_start3A_252 : memref<1x128xi32, #tpu.memory_space<vmem>> -> memref<128xi32, #tpu.memory_space<vmem>>
    %dma_start3A_254 = arith.constant 0 : i32
    %dma_start3A_255 = tpu.memref_slice %arg3[%dma_start3A_254] : memref<66560xf32, #tpu.memory_space<hbm>> -> memref<66560xf32, #tpu.memory_space<hbm>>
    tpu.enqueue_indirect_dma source(%dma_start3A_255 : memref<66560xf32, #tpu.memory_space<hbm>>) target(%dma_start3A_250 : memref<128xf32, #tpu.memory_space<vmem>>) offsets(%dma_start3A_253 : memref<128xi32, #tpu.memory_space<vmem>>) semaphore(%arg13 : memref<!tpu.dma_semaphore, #tpu.memory_space<semaphore_mem>>)
    %dma_start3A_256 = arith.constant 10 : i32
    %dma_start3A_257 = arith.constant 1280 : i32
    %dma_start3A_258 = tpu.memref_slice %arg12[%dma_start3A_257] : memref<2048xf32, #tpu.memory_space<vmem>> -> memref<128xf32, #tpu.memory_space<vmem>>
    %dma_start3A_259 = arith.constant 0 : i32
    %dma_start3A_260 = tpu.memref_slice %arg9[%dma_start3A_256, %dma_start3A_259] : memref<16x128xi32, #tpu.memory_space<vmem>> -> memref<1x128xi32, #tpu.memory_space<vmem>>
    %dma_start3A_261 = tpu.memref_squeeze %dma_start3A_260 : memref<1x128xi32, #tpu.memory_space<vmem>> -> memref<128xi32, #tpu.memory_space<vmem>>
    %dma_start3A_262 = arith.constant 0 : i32
    %dma_start3A_263 = tpu.memref_slice %arg4[%dma_start3A_262] : memref<66560xf32, #tpu.memory_space<hbm>> -> memref<66560xf32, #tpu.memory_space<hbm>>
    tpu.enqueue_indirect_dma source(%dma_start3A_263 : memref<66560xf32, #tpu.memory_space<hbm>>) target(%dma_start3A_258 : memref<128xf32, #tpu.memory_space<vmem>>) offsets(%dma_start3A_261 : memref<128xi32, #tpu.memory_space<vmem>>) semaphore(%arg13 : memref<!tpu.dma_semaphore, #tpu.memory_space<semaphore_mem>>)
    %dma_start3A_264 = arith.constant 11 : i32
    %dma_start3A_265 = arith.constant 1408 : i32
    %dma_start3A_266 = tpu.memref_slice %arg10[%dma_start3A_265] : memref<2048xf32, #tpu.memory_space<vmem>> -> memref<128xf32, #tpu.memory_space<vmem>>
    %dma_start3A_267 = arith.constant 0 : i32
    %dma_start3A_268 = tpu.memref_slice %arg9[%dma_start3A_264, %dma_start3A_267] : memref<16x128xi32, #tpu.memory_space<vmem>> -> memref<1x128xi32, #tpu.memory_space<vmem>>
    %dma_start3A_269 = tpu.memref_squeeze %dma_start3A_268 : memref<1x128xi32, #tpu.memory_space<vmem>> -> memref<128xi32, #tpu.memory_space<vmem>>
    %dma_start3A_270 = arith.constant 0 : i32
    %dma_start3A_271 = tpu.memref_slice %arg2[%dma_start3A_270] : memref<66560xf32, #tpu.memory_space<hbm>> -> memref<66560xf32, #tpu.memory_space<hbm>>
    tpu.enqueue_indirect_dma source(%dma_start3A_271 : memref<66560xf32, #tpu.memory_space<hbm>>) target(%dma_start3A_266 : memref<128xf32, #tpu.memory_space<vmem>>) offsets(%dma_start3A_269 : memref<128xi32, #tpu.memory_space<vmem>>) semaphore(%arg13 : memref<!tpu.dma_semaphore, #tpu.memory_space<semaphore_mem>>)
    %dma_start3A_272 = arith.constant 11 : i32
    %dma_start3A_273 = arith.constant 1408 : i32
    %dma_start3A_274 = tpu.memref_slice %arg11[%dma_start3A_273] : memref<2048xf32, #tpu.memory_space<vmem>> -> memref<128xf32, #tpu.memory_space<vmem>>
    %dma_start3A_275 = arith.constant 0 : i32
    %dma_start3A_276 = tpu.memref_slice %arg9[%dma_start3A_272, %dma_start3A_275] : memref<16x128xi32, #tpu.memory_space<vmem>> -> memref<1x128xi32, #tpu.memory_space<vmem>>
    %dma_start3A_277 = tpu.memref_squeeze %dma_start3A_276 : memref<1x128xi32, #tpu.memory_space<vmem>> -> memref<128xi32, #tpu.memory_space<vmem>>
    %dma_start3A_278 = arith.constant 0 : i32
    %dma_start3A_279 = tpu.memref_slice %arg3[%dma_start3A_278] : memref<66560xf32, #tpu.memory_space<hbm>> -> memref<66560xf32, #tpu.memory_space<hbm>>
    tpu.enqueue_indirect_dma source(%dma_start3A_279 : memref<66560xf32, #tpu.memory_space<hbm>>) target(%dma_start3A_274 : memref<128xf32, #tpu.memory_space<vmem>>) offsets(%dma_start3A_277 : memref<128xi32, #tpu.memory_space<vmem>>) semaphore(%arg13 : memref<!tpu.dma_semaphore, #tpu.memory_space<semaphore_mem>>)
    %dma_start3A_280 = arith.constant 11 : i32
    %dma_start3A_281 = arith.constant 1408 : i32
    %dma_start3A_282 = tpu.memref_slice %arg12[%dma_start3A_281] : memref<2048xf32, #tpu.memory_space<vmem>> -> memref<128xf32, #tpu.memory_space<vmem>>
    %dma_start3A_283 = arith.constant 0 : i32
    %dma_start3A_284 = tpu.memref_slice %arg9[%dma_start3A_280, %dma_start3A_283] : memref<16x128xi32, #tpu.memory_space<vmem>> -> memref<1x128xi32, #tpu.memory_space<vmem>>
    %dma_start3A_285 = tpu.memref_squeeze %dma_start3A_284 : memref<1x128xi32, #tpu.memory_space<vmem>> -> memref<128xi32, #tpu.memory_space<vmem>>
    %dma_start3A_286 = arith.constant 0 : i32
    %dma_start3A_287 = tpu.memref_slice %arg4[%dma_start3A_286] : memref<66560xf32, #tpu.memory_space<hbm>> -> memref<66560xf32, #tpu.memory_space<hbm>>
    tpu.enqueue_indirect_dma source(%dma_start3A_287 : memref<66560xf32, #tpu.memory_space<hbm>>) target(%dma_start3A_282 : memref<128xf32, #tpu.memory_space<vmem>>) offsets(%dma_start3A_285 : memref<128xi32, #tpu.memory_space<vmem>>) semaphore(%arg13 : memref<!tpu.dma_semaphore, #tpu.memory_space<semaphore_mem>>)
    %dma_start3A_288 = arith.constant 12 : i32
    %dma_start3A_289 = arith.constant 1536 : i32
    %dma_start3A_290 = tpu.memref_slice %arg10[%dma_start3A_289] : memref<2048xf32, #tpu.memory_space<vmem>> -> memref<128xf32, #tpu.memory_space<vmem>>
    %dma_start3A_291 = arith.constant 0 : i32
    %dma_start3A_292 = tpu.memref_slice %arg9[%dma_start3A_288, %dma_start3A_291] : memref<16x128xi32, #tpu.memory_space<vmem>> -> memref<1x128xi32, #tpu.memory_space<vmem>>
    %dma_start3A_293 = tpu.memref_squeeze %dma_start3A_292 : memref<1x128xi32, #tpu.memory_space<vmem>> -> memref<128xi32, #tpu.memory_space<vmem>>
    %dma_start3A_294 = arith.constant 0 : i32
    %dma_start3A_295 = tpu.memref_slice %arg2[%dma_start3A_294] : memref<66560xf32, #tpu.memory_space<hbm>> -> memref<66560xf32, #tpu.memory_space<hbm>>
    tpu.enqueue_indirect_dma source(%dma_start3A_295 : memref<66560xf32, #tpu.memory_space<hbm>>) target(%dma_start3A_290 : memref<128xf32, #tpu.memory_space<vmem>>) offsets(%dma_start3A_293 : memref<128xi32, #tpu.memory_space<vmem>>) semaphore(%arg13 : memref<!tpu.dma_semaphore, #tpu.memory_space<semaphore_mem>>)
    %dma_start3A_296 = arith.constant 12 : i32
    %dma_start3A_297 = arith.constant 1536 : i32
    %dma_start3A_298 = tpu.memref_slice %arg11[%dma_start3A_297] : memref<2048xf32, #tpu.memory_space<vmem>> -> memref<128xf32, #tpu.memory_space<vmem>>
    %dma_start3A_299 = arith.constant 0 : i32
    %dma_start3A_300 = tpu.memref_slice %arg9[%dma_start3A_296, %dma_start3A_299] : memref<16x128xi32, #tpu.memory_space<vmem>> -> memref<1x128xi32, #tpu.memory_space<vmem>>
    %dma_start3A_301 = tpu.memref_squeeze %dma_start3A_300 : memref<1x128xi32, #tpu.memory_space<vmem>> -> memref<128xi32, #tpu.memory_space<vmem>>
    %dma_start3A_302 = arith.constant 0 : i32
    %dma_start3A_303 = tpu.memref_slice %arg3[%dma_start3A_302] : memref<66560xf32, #tpu.memory_space<hbm>> -> memref<66560xf32, #tpu.memory_space<hbm>>
    tpu.enqueue_indirect_dma source(%dma_start3A_303 : memref<66560xf32, #tpu.memory_space<hbm>>) target(%dma_start3A_298 : memref<128xf32, #tpu.memory_space<vmem>>) offsets(%dma_start3A_301 : memref<128xi32, #tpu.memory_space<vmem>>) semaphore(%arg13 : memref<!tpu.dma_semaphore, #tpu.memory_space<semaphore_mem>>)
    %dma_start3A_304 = arith.constant 12 : i32
    %dma_start3A_305 = arith.constant 1536 : i32
    %dma_start3A_306 = tpu.memref_slice %arg12[%dma_start3A_305] : memref<2048xf32, #tpu.memory_space<vmem>> -> memref<128xf32, #tpu.memory_space<vmem>>
    %dma_start3A_307 = arith.constant 0 : i32
    %dma_start3A_308 = tpu.memref_slice %arg9[%dma_start3A_304, %dma_start3A_307] : memref<16x128xi32, #tpu.memory_space<vmem>> -> memref<1x128xi32, #tpu.memory_space<vmem>>
    %dma_start3A_309 = tpu.memref_squeeze %dma_start3A_308 : memref<1x128xi32, #tpu.memory_space<vmem>> -> memref<128xi32, #tpu.memory_space<vmem>>
    %dma_start3A_310 = arith.constant 0 : i32
    %dma_start3A_311 = tpu.memref_slice %arg4[%dma_start3A_310] : memref<66560xf32, #tpu.memory_space<hbm>> -> memref<66560xf32, #tpu.memory_space<hbm>>
    tpu.enqueue_indirect_dma source(%dma_start3A_311 : memref<66560xf32, #tpu.memory_space<hbm>>) target(%dma_start3A_306 : memref<128xf32, #tpu.memory_space<vmem>>) offsets(%dma_start3A_309 : memref<128xi32, #tpu.memory_space<vmem>>) semaphore(%arg13 : memref<!tpu.dma_semaphore, #tpu.memory_space<semaphore_mem>>)
    %dma_start3A_312 = arith.constant 13 : i32
    %dma_start3A_313 = arith.constant 1664 : i32
    %dma_start3A_314 = tpu.memref_slice %arg10[%dma_start3A_313] : memref<2048xf32, #tpu.memory_space<vmem>> -> memref<128xf32, #tpu.memory_space<vmem>>
    %dma_start3A_315 = arith.constant 0 : i32
    %dma_start3A_316 = tpu.memref_slice %arg9[%dma_start3A_312, %dma_start3A_315] : memref<16x128xi32, #tpu.memory_space<vmem>> -> memref<1x128xi32, #tpu.memory_space<vmem>>
    %dma_start3A_317 = tpu.memref_squeeze %dma_start3A_316 : memref<1x128xi32, #tpu.memory_space<vmem>> -> memref<128xi32, #tpu.memory_space<vmem>>
    %dma_start3A_318 = arith.constant 0 : i32
    %dma_start3A_319 = tpu.memref_slice %arg2[%dma_start3A_318] : memref<66560xf32, #tpu.memory_space<hbm>> -> memref<66560xf32, #tpu.memory_space<hbm>>
    tpu.enqueue_indirect_dma source(%dma_start3A_319 : memref<66560xf32, #tpu.memory_space<hbm>>) target(%dma_start3A_314 : memref<128xf32, #tpu.memory_space<vmem>>) offsets(%dma_start3A_317 : memref<128xi32, #tpu.memory_space<vmem>>) semaphore(%arg13 : memref<!tpu.dma_semaphore, #tpu.memory_space<semaphore_mem>>)
    %dma_start3A_320 = arith.constant 13 : i32
    %dma_start3A_321 = arith.constant 1664 : i32
    %dma_start3A_322 = tpu.memref_slice %arg11[%dma_start3A_321] : memref<2048xf32, #tpu.memory_space<vmem>> -> memref<128xf32, #tpu.memory_space<vmem>>
    %dma_start3A_323 = arith.constant 0 : i32
    %dma_start3A_324 = tpu.memref_slice %arg9[%dma_start3A_320, %dma_start3A_323] : memref<16x128xi32, #tpu.memory_space<vmem>> -> memref<1x128xi32, #tpu.memory_space<vmem>>
    %dma_start3A_325 = tpu.memref_squeeze %dma_start3A_324 : memref<1x128xi32, #tpu.memory_space<vmem>> -> memref<128xi32, #tpu.memory_space<vmem>>
    %dma_start3A_326 = arith.constant 0 : i32
    %dma_start3A_327 = tpu.memref_slice %arg3[%dma_start3A_326] : memref<66560xf32, #tpu.memory_space<hbm>> -> memref<66560xf32, #tpu.memory_space<hbm>>
    tpu.enqueue_indirect_dma source(%dma_start3A_327 : memref<66560xf32, #tpu.memory_space<hbm>>) target(%dma_start3A_322 : memref<128xf32, #tpu.memory_space<vmem>>) offsets(%dma_start3A_325 : memref<128xi32, #tpu.memory_space<vmem>>) semaphore(%arg13 : memref<!tpu.dma_semaphore, #tpu.memory_space<semaphore_mem>>)
    %dma_start3A_328 = arith.constant 13 : i32
    %dma_start3A_329 = arith.constant 1664 : i32
    %dma_start3A_330 = tpu.memref_slice %arg12[%dma_start3A_329] : memref<2048xf32, #tpu.memory_space<vmem>> -> memref<128xf32, #tpu.memory_space<vmem>>
    %dma_start3A_331 = arith.constant 0 : i32
    %dma_start3A_332 = tpu.memref_slice %arg9[%dma_start3A_328, %dma_start3A_331] : memref<16x128xi32, #tpu.memory_space<vmem>> -> memref<1x128xi32, #tpu.memory_space<vmem>>
    %dma_start3A_333 = tpu.memref_squeeze %dma_start3A_332 : memref<1x128xi32, #tpu.memory_space<vmem>> -> memref<128xi32, #tpu.memory_space<vmem>>
    %dma_start3A_334 = arith.constant 0 : i32
    %dma_start3A_335 = tpu.memref_slice %arg4[%dma_start3A_334] : memref<66560xf32, #tpu.memory_space<hbm>> -> memref<66560xf32, #tpu.memory_space<hbm>>
    tpu.enqueue_indirect_dma source(%dma_start3A_335 : memref<66560xf32, #tpu.memory_space<hbm>>) target(%dma_start3A_330 : memref<128xf32, #tpu.memory_space<vmem>>) offsets(%dma_start3A_333 : memref<128xi32, #tpu.memory_space<vmem>>) semaphore(%arg13 : memref<!tpu.dma_semaphore, #tpu.memory_space<semaphore_mem>>)
    %dma_start3A_336 = arith.constant 14 : i32
    %dma_start3A_337 = arith.constant 1792 : i32
    %dma_start3A_338 = tpu.memref_slice %arg10[%dma_start3A_337] : memref<2048xf32, #tpu.memory_space<vmem>> -> memref<128xf32, #tpu.memory_space<vmem>>
    %dma_start3A_339 = arith.constant 0 : i32
    %dma_start3A_340 = tpu.memref_slice %arg9[%dma_start3A_336, %dma_start3A_339] : memref<16x128xi32, #tpu.memory_space<vmem>> -> memref<1x128xi32, #tpu.memory_space<vmem>>
    %dma_start3A_341 = tpu.memref_squeeze %dma_start3A_340 : memref<1x128xi32, #tpu.memory_space<vmem>> -> memref<128xi32, #tpu.memory_space<vmem>>
    %dma_start3A_342 = arith.constant 0 : i32
    %dma_start3A_343 = tpu.memref_slice %arg2[%dma_start3A_342] : memref<66560xf32, #tpu.memory_space<hbm>> -> memref<66560xf32, #tpu.memory_space<hbm>>
    tpu.enqueue_indirect_dma source(%dma_start3A_343 : memref<66560xf32, #tpu.memory_space<hbm>>) target(%dma_start3A_338 : memref<128xf32, #tpu.memory_space<vmem>>) offsets(%dma_start3A_341 : memref<128xi32, #tpu.memory_space<vmem>>) semaphore(%arg13 : memref<!tpu.dma_semaphore, #tpu.memory_space<semaphore_mem>>)
    %dma_start3A_344 = arith.constant 14 : i32
    %dma_start3A_345 = arith.constant 1792 : i32
    %dma_start3A_346 = tpu.memref_slice %arg11[%dma_start3A_345] : memref<2048xf32, #tpu.memory_space<vmem>> -> memref<128xf32, #tpu.memory_space<vmem>>
    %dma_start3A_347 = arith.constant 0 : i32
    %dma_start3A_348 = tpu.memref_slice %arg9[%dma_start3A_344, %dma_start3A_347] : memref<16x128xi32, #tpu.memory_space<vmem>> -> memref<1x128xi32, #tpu.memory_space<vmem>>
    %dma_start3A_349 = tpu.memref_squeeze %dma_start3A_348 : memref<1x128xi32, #tpu.memory_space<vmem>> -> memref<128xi32, #tpu.memory_space<vmem>>
    %dma_start3A_350 = arith.constant 0 : i32
    %dma_start3A_351 = tpu.memref_slice %arg3[%dma_start3A_350] : memref<66560xf32, #tpu.memory_space<hbm>> -> memref<66560xf32, #tpu.memory_space<hbm>>
    tpu.enqueue_indirect_dma source(%dma_start3A_351 : memref<66560xf32, #tpu.memory_space<hbm>>) target(%dma_start3A_346 : memref<128xf32, #tpu.memory_space<vmem>>) offsets(%dma_start3A_349 : memref<128xi32, #tpu.memory_space<vmem>>) semaphore(%arg13 : memref<!tpu.dma_semaphore, #tpu.memory_space<semaphore_mem>>)
    %dma_start3A_352 = arith.constant 14 : i32
    %dma_start3A_353 = arith.constant 1792 : i32
    %dma_start3A_354 = tpu.memref_slice %arg12[%dma_start3A_353] : memref<2048xf32, #tpu.memory_space<vmem>> -> memref<128xf32, #tpu.memory_space<vmem>>
    %dma_start3A_355 = arith.constant 0 : i32
    %dma_start3A_356 = tpu.memref_slice %arg9[%dma_start3A_352, %dma_start3A_355] : memref<16x128xi32, #tpu.memory_space<vmem>> -> memref<1x128xi32, #tpu.memory_space<vmem>>
    %dma_start3A_357 = tpu.memref_squeeze %dma_start3A_356 : memref<1x128xi32, #tpu.memory_space<vmem>> -> memref<128xi32, #tpu.memory_space<vmem>>
    %dma_start3A_358 = arith.constant 0 : i32
    %dma_start3A_359 = tpu.memref_slice %arg4[%dma_start3A_358] : memref<66560xf32, #tpu.memory_space<hbm>> -> memref<66560xf32, #tpu.memory_space<hbm>>
    tpu.enqueue_indirect_dma source(%dma_start3A_359 : memref<66560xf32, #tpu.memory_space<hbm>>) target(%dma_start3A_354 : memref<128xf32, #tpu.memory_space<vmem>>) offsets(%dma_start3A_357 : memref<128xi32, #tpu.memory_space<vmem>>) semaphore(%arg13 : memref<!tpu.dma_semaphore, #tpu.memory_space<semaphore_mem>>)
    %dma_start3A_360 = arith.constant 15 : i32
    %dma_start3A_361 = arith.constant 1920 : i32
    %dma_start3A_362 = tpu.memref_slice %arg10[%dma_start3A_361] : memref<2048xf32, #tpu.memory_space<vmem>> -> memref<128xf32, #tpu.memory_space<vmem>>
    %dma_start3A_363 = arith.constant 0 : i32
    %dma_start3A_364 = tpu.memref_slice %arg9[%dma_start3A_360, %dma_start3A_363] : memref<16x128xi32, #tpu.memory_space<vmem>> -> memref<1x128xi32, #tpu.memory_space<vmem>>
    %dma_start3A_365 = tpu.memref_squeeze %dma_start3A_364 : memref<1x128xi32, #tpu.memory_space<vmem>> -> memref<128xi32, #tpu.memory_space<vmem>>
    %dma_start3A_366 = arith.constant 0 : i32
    %dma_start3A_367 = tpu.memref_slice %arg2[%dma_start3A_366] : memref<66560xf32, #tpu.memory_space<hbm>> -> memref<66560xf32, #tpu.memory_space<hbm>>
    tpu.enqueue_indirect_dma source(%dma_start3A_367 : memref<66560xf32, #tpu.memory_space<hbm>>) target(%dma_start3A_362 : memref<128xf32, #tpu.memory_space<vmem>>) offsets(%dma_start3A_365 : memref<128xi32, #tpu.memory_space<vmem>>) semaphore(%arg13 : memref<!tpu.dma_semaphore, #tpu.memory_space<semaphore_mem>>)
    %dma_start3A_368 = arith.constant 15 : i32
    %dma_start3A_369 = arith.constant 1920 : i32
    %dma_start3A_370 = tpu.memref_slice %arg11[%dma_start3A_369] : memref<2048xf32, #tpu.memory_space<vmem>> -> memref<128xf32, #tpu.memory_space<vmem>>
    %dma_start3A_371 = arith.constant 0 : i32
    %dma_start3A_372 = tpu.memref_slice %arg9[%dma_start3A_368, %dma_start3A_371] : memref<16x128xi32, #tpu.memory_space<vmem>> -> memref<1x128xi32, #tpu.memory_space<vmem>>
    %dma_start3A_373 = tpu.memref_squeeze %dma_start3A_372 : memref<1x128xi32, #tpu.memory_space<vmem>> -> memref<128xi32, #tpu.memory_space<vmem>>
    %dma_start3A_374 = arith.constant 0 : i32
    %dma_start3A_375 = tpu.memref_slice %arg3[%dma_start3A_374] : memref<66560xf32, #tpu.memory_space<hbm>> -> memref<66560xf32, #tpu.memory_space<hbm>>
    tpu.enqueue_indirect_dma source(%dma_start3A_375 : memref<66560xf32, #tpu.memory_space<hbm>>) target(%dma_start3A_370 : memref<128xf32, #tpu.memory_space<vmem>>) offsets(%dma_start3A_373 : memref<128xi32, #tpu.memory_space<vmem>>) semaphore(%arg13 : memref<!tpu.dma_semaphore, #tpu.memory_space<semaphore_mem>>)
    %dma_start3A_376 = arith.constant 15 : i32
    %dma_start3A_377 = arith.constant 1920 : i32
    %dma_start3A_378 = tpu.memref_slice %arg12[%dma_start3A_377] : memref<2048xf32, #tpu.memory_space<vmem>> -> memref<128xf32, #tpu.memory_space<vmem>>
    %dma_start3A_379 = arith.constant 0 : i32
    %dma_start3A_380 = tpu.memref_slice %arg9[%dma_start3A_376, %dma_start3A_379] : memref<16x128xi32, #tpu.memory_space<vmem>> -> memref<1x128xi32, #tpu.memory_space<vmem>>
    %dma_start3A_381 = tpu.memref_squeeze %dma_start3A_380 : memref<1x128xi32, #tpu.memory_space<vmem>> -> memref<128xi32, #tpu.memory_space<vmem>>
    %dma_start3A_382 = arith.constant 0 : i32
    %dma_start3A_383 = tpu.memref_slice %arg4[%dma_start3A_382] : memref<66560xf32, #tpu.memory_space<hbm>> -> memref<66560xf32, #tpu.memory_space<hbm>>
    tpu.enqueue_indirect_dma source(%dma_start3A_383 : memref<66560xf32, #tpu.memory_space<hbm>>) target(%dma_start3A_378 : memref<128xf32, #tpu.memory_space<vmem>>) offsets(%dma_start3A_381 : memref<128xi32, #tpu.memory_space<vmem>>) semaphore(%arg13 : memref<!tpu.dma_semaphore, #tpu.memory_space<semaphore_mem>>)
    %dma_wait3A = arith.constant 0 : i32
    %dma_wait3A_384 = arith.constant 0 : i32
    %dma_wait3A_385 = tpu.memref_slice %arg10[%dma_wait3A_384] : memref<2048xf32, #tpu.memory_space<vmem>> -> memref<128xf32, #tpu.memory_space<vmem>>
    %dma_wait3A_386 = arith.constant 0 : i32
    %dma_wait3A_387 = tpu.memref_slice %arg9[%dma_wait3A, %dma_wait3A_386] : memref<16x128xi32, #tpu.memory_space<vmem>> -> memref<1x128xi32, #tpu.memory_space<vmem>>
    %dma_wait3A_388 = tpu.memref_squeeze %dma_wait3A_387 : memref<1x128xi32, #tpu.memory_space<vmem>> -> memref<128xi32, #tpu.memory_space<vmem>>
    %dma_wait3A_389 = arith.constant 0 : i32
    %dma_wait3A_390 = tpu.memref_slice %arg2[%dma_wait3A_389] : memref<66560xf32, #tpu.memory_space<hbm>> -> memref<66560xf32, #tpu.memory_space<hbm>>
    tpu.wait_indirect_dma semaphore(%arg13 : memref<!tpu.dma_semaphore, #tpu.memory_space<semaphore_mem>>) src(%dma_wait3A_390 : memref<66560xf32, #tpu.memory_space<hbm>>) dst(%dma_wait3A_385 : memref<128xf32, #tpu.memory_space<vmem>>)
    %dma_wait3A_391 = arith.constant 0 : i32
    %dma_wait3A_392 = arith.constant 0 : i32
    %dma_wait3A_393 = tpu.memref_slice %arg11[%dma_wait3A_392] : memref<2048xf32, #tpu.memory_space<vmem>> -> memref<128xf32, #tpu.memory_space<vmem>>
    %dma_wait3A_394 = arith.constant 0 : i32
    %dma_wait3A_395 = tpu.memref_slice %arg9[%dma_wait3A_391, %dma_wait3A_394] : memref<16x128xi32, #tpu.memory_space<vmem>> -> memref<1x128xi32, #tpu.memory_space<vmem>>
    %dma_wait3A_396 = tpu.memref_squeeze %dma_wait3A_395 : memref<1x128xi32, #tpu.memory_space<vmem>> -> memref<128xi32, #tpu.memory_space<vmem>>
    %dma_wait3A_397 = arith.constant 0 : i32
    %dma_wait3A_398 = tpu.memref_slice %arg3[%dma_wait3A_397] : memref<66560xf32, #tpu.memory_space<hbm>> -> memref<66560xf32, #tpu.memory_space<hbm>>
    tpu.wait_indirect_dma semaphore(%arg13 : memref<!tpu.dma_semaphore, #tpu.memory_space<semaphore_mem>>) src(%dma_wait3A_398 : memref<66560xf32, #tpu.memory_space<hbm>>) dst(%dma_wait3A_393 : memref<128xf32, #tpu.memory_space<vmem>>)
    %dma_wait3A_399 = arith.constant 0 : i32
    %dma_wait3A_400 = arith.constant 0 : i32
    %dma_wait3A_401 = tpu.memref_slice %arg12[%dma_wait3A_400] : memref<2048xf32, #tpu.memory_space<vmem>> -> memref<128xf32, #tpu.memory_space<vmem>>
    %dma_wait3A_402 = arith.constant 0 : i32
    %dma_wait3A_403 = tpu.memref_slice %arg9[%dma_wait3A_399, %dma_wait3A_402] : memref<16x128xi32, #tpu.memory_space<vmem>> -> memref<1x128xi32, #tpu.memory_space<vmem>>
    %dma_wait3A_404 = tpu.memref_squeeze %dma_wait3A_403 : memref<1x128xi32, #tpu.memory_space<vmem>> -> memref<128xi32, #tpu.memory_space<vmem>>
    %dma_wait3A_405 = arith.constant 0 : i32
    %dma_wait3A_406 = tpu.memref_slice %arg4[%dma_wait3A_405] : memref<66560xf32, #tpu.memory_space<hbm>> -> memref<66560xf32, #tpu.memory_space<hbm>>
    tpu.wait_indirect_dma semaphore(%arg13 : memref<!tpu.dma_semaphore, #tpu.memory_space<semaphore_mem>>) src(%dma_wait3A_406 : memref<66560xf32, #tpu.memory_space<hbm>>) dst(%dma_wait3A_401 : memref<128xf32, #tpu.memory_space<vmem>>)
    %dma_wait3A_407 = arith.constant 1 : i32
    %dma_wait3A_408 = arith.constant 128 : i32
    %dma_wait3A_409 = tpu.memref_slice %arg10[%dma_wait3A_408] : memref<2048xf32, #tpu.memory_space<vmem>> -> memref<128xf32, #tpu.memory_space<vmem>>
    %dma_wait3A_410 = arith.constant 0 : i32
    %dma_wait3A_411 = tpu.memref_slice %arg9[%dma_wait3A_407, %dma_wait3A_410] : memref<16x128xi32, #tpu.memory_space<vmem>> -> memref<1x128xi32, #tpu.memory_space<vmem>>
    %dma_wait3A_412 = tpu.memref_squeeze %dma_wait3A_411 : memref<1x128xi32, #tpu.memory_space<vmem>> -> memref<128xi32, #tpu.memory_space<vmem>>
    %dma_wait3A_413 = arith.constant 0 : i32
    %dma_wait3A_414 = tpu.memref_slice %arg2[%dma_wait3A_413] : memref<66560xf32, #tpu.memory_space<hbm>> -> memref<66560xf32, #tpu.memory_space<hbm>>
    tpu.wait_indirect_dma semaphore(%arg13 : memref<!tpu.dma_semaphore, #tpu.memory_space<semaphore_mem>>) src(%dma_wait3A_414 : memref<66560xf32, #tpu.memory_space<hbm>>) dst(%dma_wait3A_409 : memref<128xf32, #tpu.memory_space<vmem>>)
    %dma_wait3A_415 = arith.constant 1 : i32
    %dma_wait3A_416 = arith.constant 128 : i32
    %dma_wait3A_417 = tpu.memref_slice %arg11[%dma_wait3A_416] : memref<2048xf32, #tpu.memory_space<vmem>> -> memref<128xf32, #tpu.memory_space<vmem>>
    %dma_wait3A_418 = arith.constant 0 : i32
    %dma_wait3A_419 = tpu.memref_slice %arg9[%dma_wait3A_415, %dma_wait3A_418] : memref<16x128xi32, #tpu.memory_space<vmem>> -> memref<1x128xi32, #tpu.memory_space<vmem>>
    %dma_wait3A_420 = tpu.memref_squeeze %dma_wait3A_419 : memref<1x128xi32, #tpu.memory_space<vmem>> -> memref<128xi32, #tpu.memory_space<vmem>>
    %dma_wait3A_421 = arith.constant 0 : i32
    %dma_wait3A_422 = tpu.memref_slice %arg3[%dma_wait3A_421] : memref<66560xf32, #tpu.memory_space<hbm>> -> memref<66560xf32, #tpu.memory_space<hbm>>
    tpu.wait_indirect_dma semaphore(%arg13 : memref<!tpu.dma_semaphore, #tpu.memory_space<semaphore_mem>>) src(%dma_wait3A_422 : memref<66560xf32, #tpu.memory_space<hbm>>) dst(%dma_wait3A_417 : memref<128xf32, #tpu.memory_space<vmem>>)
    %dma_wait3A_423 = arith.constant 1 : i32
    %dma_wait3A_424 = arith.constant 128 : i32
    %dma_wait3A_425 = tpu.memref_slice %arg12[%dma_wait3A_424] : memref<2048xf32, #tpu.memory_space<vmem>> -> memref<128xf32, #tpu.memory_space<vmem>>
    %dma_wait3A_426 = arith.constant 0 : i32
    %dma_wait3A_427 = tpu.memref_slice %arg9[%dma_wait3A_423, %dma_wait3A_426] : memref<16x128xi32, #tpu.memory_space<vmem>> -> memref<1x128xi32, #tpu.memory_space<vmem>>
    %dma_wait3A_428 = tpu.memref_squeeze %dma_wait3A_427 : memref<1x128xi32, #tpu.memory_space<vmem>> -> memref<128xi32, #tpu.memory_space<vmem>>
    %dma_wait3A_429 = arith.constant 0 : i32
    %dma_wait3A_430 = tpu.memref_slice %arg4[%dma_wait3A_429] : memref<66560xf32, #tpu.memory_space<hbm>> -> memref<66560xf32, #tpu.memory_space<hbm>>
    tpu.wait_indirect_dma semaphore(%arg13 : memref<!tpu.dma_semaphore, #tpu.memory_space<semaphore_mem>>) src(%dma_wait3A_430 : memref<66560xf32, #tpu.memory_space<hbm>>) dst(%dma_wait3A_425 : memref<128xf32, #tpu.memory_space<vmem>>)
    %dma_wait3A_431 = arith.constant 2 : i32
    %dma_wait3A_432 = arith.constant 256 : i32
    %dma_wait3A_433 = tpu.memref_slice %arg10[%dma_wait3A_432] : memref<2048xf32, #tpu.memory_space<vmem>> -> memref<128xf32, #tpu.memory_space<vmem>>
    %dma_wait3A_434 = arith.constant 0 : i32
    %dma_wait3A_435 = tpu.memref_slice %arg9[%dma_wait3A_431, %dma_wait3A_434] : memref<16x128xi32, #tpu.memory_space<vmem>> -> memref<1x128xi32, #tpu.memory_space<vmem>>
    %dma_wait3A_436 = tpu.memref_squeeze %dma_wait3A_435 : memref<1x128xi32, #tpu.memory_space<vmem>> -> memref<128xi32, #tpu.memory_space<vmem>>
    %dma_wait3A_437 = arith.constant 0 : i32
    %dma_wait3A_438 = tpu.memref_slice %arg2[%dma_wait3A_437] : memref<66560xf32, #tpu.memory_space<hbm>> -> memref<66560xf32, #tpu.memory_space<hbm>>
    tpu.wait_indirect_dma semaphore(%arg13 : memref<!tpu.dma_semaphore, #tpu.memory_space<semaphore_mem>>) src(%dma_wait3A_438 : memref<66560xf32, #tpu.memory_space<hbm>>) dst(%dma_wait3A_433 : memref<128xf32, #tpu.memory_space<vmem>>)
    %dma_wait3A_439 = arith.constant 2 : i32
    %dma_wait3A_440 = arith.constant 256 : i32
    %dma_wait3A_441 = tpu.memref_slice %arg11[%dma_wait3A_440] : memref<2048xf32, #tpu.memory_space<vmem>> -> memref<128xf32, #tpu.memory_space<vmem>>
    %dma_wait3A_442 = arith.constant 0 : i32
    %dma_wait3A_443 = tpu.memref_slice %arg9[%dma_wait3A_439, %dma_wait3A_442] : memref<16x128xi32, #tpu.memory_space<vmem>> -> memref<1x128xi32, #tpu.memory_space<vmem>>
    %dma_wait3A_444 = tpu.memref_squeeze %dma_wait3A_443 : memref<1x128xi32, #tpu.memory_space<vmem>> -> memref<128xi32, #tpu.memory_space<vmem>>
    %dma_wait3A_445 = arith.constant 0 : i32
    %dma_wait3A_446 = tpu.memref_slice %arg3[%dma_wait3A_445] : memref<66560xf32, #tpu.memory_space<hbm>> -> memref<66560xf32, #tpu.memory_space<hbm>>
    tpu.wait_indirect_dma semaphore(%arg13 : memref<!tpu.dma_semaphore, #tpu.memory_space<semaphore_mem>>) src(%dma_wait3A_446 : memref<66560xf32, #tpu.memory_space<hbm>>) dst(%dma_wait3A_441 : memref<128xf32, #tpu.memory_space<vmem>>)
    %dma_wait3A_447 = arith.constant 2 : i32
    %dma_wait3A_448 = arith.constant 256 : i32
    %dma_wait3A_449 = tpu.memref_slice %arg12[%dma_wait3A_448] : memref<2048xf32, #tpu.memory_space<vmem>> -> memref<128xf32, #tpu.memory_space<vmem>>
    %dma_wait3A_450 = arith.constant 0 : i32
    %dma_wait3A_451 = tpu.memref_slice %arg9[%dma_wait3A_447, %dma_wait3A_450] : memref<16x128xi32, #tpu.memory_space<vmem>> -> memref<1x128xi32, #tpu.memory_space<vmem>>
    %dma_wait3A_452 = tpu.memref_squeeze %dma_wait3A_451 : memref<1x128xi32, #tpu.memory_space<vmem>> -> memref<128xi32, #tpu.memory_space<vmem>>
    %dma_wait3A_453 = arith.constant 0 : i32
    %dma_wait3A_454 = tpu.memref_slice %arg4[%dma_wait3A_453] : memref<66560xf32, #tpu.memory_space<hbm>> -> memref<66560xf32, #tpu.memory_space<hbm>>
    tpu.wait_indirect_dma semaphore(%arg13 : memref<!tpu.dma_semaphore, #tpu.memory_space<semaphore_mem>>) src(%dma_wait3A_454 : memref<66560xf32, #tpu.memory_space<hbm>>) dst(%dma_wait3A_449 : memref<128xf32, #tpu.memory_space<vmem>>)
    %dma_wait3A_455 = arith.constant 3 : i32
    %dma_wait3A_456 = arith.constant 384 : i32
    %dma_wait3A_457 = tpu.memref_slice %arg10[%dma_wait3A_456] : memref<2048xf32, #tpu.memory_space<vmem>> -> memref<128xf32, #tpu.memory_space<vmem>>
    %dma_wait3A_458 = arith.constant 0 : i32
    %dma_wait3A_459 = tpu.memref_slice %arg9[%dma_wait3A_455, %dma_wait3A_458] : memref<16x128xi32, #tpu.memory_space<vmem>> -> memref<1x128xi32, #tpu.memory_space<vmem>>
    %dma_wait3A_460 = tpu.memref_squeeze %dma_wait3A_459 : memref<1x128xi32, #tpu.memory_space<vmem>> -> memref<128xi32, #tpu.memory_space<vmem>>
    %dma_wait3A_461 = arith.constant 0 : i32
    %dma_wait3A_462 = tpu.memref_slice %arg2[%dma_wait3A_461] : memref<66560xf32, #tpu.memory_space<hbm>> -> memref<66560xf32, #tpu.memory_space<hbm>>
    tpu.wait_indirect_dma semaphore(%arg13 : memref<!tpu.dma_semaphore, #tpu.memory_space<semaphore_mem>>) src(%dma_wait3A_462 : memref<66560xf32, #tpu.memory_space<hbm>>) dst(%dma_wait3A_457 : memref<128xf32, #tpu.memory_space<vmem>>)
    %dma_wait3A_463 = arith.constant 3 : i32
    %dma_wait3A_464 = arith.constant 384 : i32
    %dma_wait3A_465 = tpu.memref_slice %arg11[%dma_wait3A_464] : memref<2048xf32, #tpu.memory_space<vmem>> -> memref<128xf32, #tpu.memory_space<vmem>>
    %dma_wait3A_466 = arith.constant 0 : i32
    %dma_wait3A_467 = tpu.memref_slice %arg9[%dma_wait3A_463, %dma_wait3A_466] : memref<16x128xi32, #tpu.memory_space<vmem>> -> memref<1x128xi32, #tpu.memory_space<vmem>>
    %dma_wait3A_468 = tpu.memref_squeeze %dma_wait3A_467 : memref<1x128xi32, #tpu.memory_space<vmem>> -> memref<128xi32, #tpu.memory_space<vmem>>
    %dma_wait3A_469 = arith.constant 0 : i32
    %dma_wait3A_470 = tpu.memref_slice %arg3[%dma_wait3A_469] : memref<66560xf32, #tpu.memory_space<hbm>> -> memref<66560xf32, #tpu.memory_space<hbm>>
    tpu.wait_indirect_dma semaphore(%arg13 : memref<!tpu.dma_semaphore, #tpu.memory_space<semaphore_mem>>) src(%dma_wait3A_470 : memref<66560xf32, #tpu.memory_space<hbm>>) dst(%dma_wait3A_465 : memref<128xf32, #tpu.memory_space<vmem>>)
    %dma_wait3A_471 = arith.constant 3 : i32
    %dma_wait3A_472 = arith.constant 384 : i32
    %dma_wait3A_473 = tpu.memref_slice %arg12[%dma_wait3A_472] : memref<2048xf32, #tpu.memory_space<vmem>> -> memref<128xf32, #tpu.memory_space<vmem>>
    %dma_wait3A_474 = arith.constant 0 : i32
    %dma_wait3A_475 = tpu.memref_slice %arg9[%dma_wait3A_471, %dma_wait3A_474] : memref<16x128xi32, #tpu.memory_space<vmem>> -> memref<1x128xi32, #tpu.memory_space<vmem>>
    %dma_wait3A_476 = tpu.memref_squeeze %dma_wait3A_475 : memref<1x128xi32, #tpu.memory_space<vmem>> -> memref<128xi32, #tpu.memory_space<vmem>>
    %dma_wait3A_477 = arith.constant 0 : i32
    %dma_wait3A_478 = tpu.memref_slice %arg4[%dma_wait3A_477] : memref<66560xf32, #tpu.memory_space<hbm>> -> memref<66560xf32, #tpu.memory_space<hbm>>
    tpu.wait_indirect_dma semaphore(%arg13 : memref<!tpu.dma_semaphore, #tpu.memory_space<semaphore_mem>>) src(%dma_wait3A_478 : memref<66560xf32, #tpu.memory_space<hbm>>) dst(%dma_wait3A_473 : memref<128xf32, #tpu.memory_space<vmem>>)
    %dma_wait3A_479 = arith.constant 4 : i32
    %dma_wait3A_480 = arith.constant 512 : i32
    %dma_wait3A_481 = tpu.memref_slice %arg10[%dma_wait3A_480] : memref<2048xf32, #tpu.memory_space<vmem>> -> memref<128xf32, #tpu.memory_space<vmem>>
    %dma_wait3A_482 = arith.constant 0 : i32
    %dma_wait3A_483 = tpu.memref_slice %arg9[%dma_wait3A_479, %dma_wait3A_482] : memref<16x128xi32, #tpu.memory_space<vmem>> -> memref<1x128xi32, #tpu.memory_space<vmem>>
    %dma_wait3A_484 = tpu.memref_squeeze %dma_wait3A_483 : memref<1x128xi32, #tpu.memory_space<vmem>> -> memref<128xi32, #tpu.memory_space<vmem>>
    %dma_wait3A_485 = arith.constant 0 : i32
    %dma_wait3A_486 = tpu.memref_slice %arg2[%dma_wait3A_485] : memref<66560xf32, #tpu.memory_space<hbm>> -> memref<66560xf32, #tpu.memory_space<hbm>>
    tpu.wait_indirect_dma semaphore(%arg13 : memref<!tpu.dma_semaphore, #tpu.memory_space<semaphore_mem>>) src(%dma_wait3A_486 : memref<66560xf32, #tpu.memory_space<hbm>>) dst(%dma_wait3A_481 : memref<128xf32, #tpu.memory_space<vmem>>)
    %dma_wait3A_487 = arith.constant 4 : i32
    %dma_wait3A_488 = arith.constant 512 : i32
    %dma_wait3A_489 = tpu.memref_slice %arg11[%dma_wait3A_488] : memref<2048xf32, #tpu.memory_space<vmem>> -> memref<128xf32, #tpu.memory_space<vmem>>
    %dma_wait3A_490 = arith.constant 0 : i32
    %dma_wait3A_491 = tpu.memref_slice %arg9[%dma_wait3A_487, %dma_wait3A_490] : memref<16x128xi32, #tpu.memory_space<vmem>> -> memref<1x128xi32, #tpu.memory_space<vmem>>
    %dma_wait3A_492 = tpu.memref_squeeze %dma_wait3A_491 : memref<1x128xi32, #tpu.memory_space<vmem>> -> memref<128xi32, #tpu.memory_space<vmem>>
    %dma_wait3A_493 = arith.constant 0 : i32
    %dma_wait3A_494 = tpu.memref_slice %arg3[%dma_wait3A_493] : memref<66560xf32, #tpu.memory_space<hbm>> -> memref<66560xf32, #tpu.memory_space<hbm>>
    tpu.wait_indirect_dma semaphore(%arg13 : memref<!tpu.dma_semaphore, #tpu.memory_space<semaphore_mem>>) src(%dma_wait3A_494 : memref<66560xf32, #tpu.memory_space<hbm>>) dst(%dma_wait3A_489 : memref<128xf32, #tpu.memory_space<vmem>>)
    %dma_wait3A_495 = arith.constant 4 : i32
    %dma_wait3A_496 = arith.constant 512 : i32
    %dma_wait3A_497 = tpu.memref_slice %arg12[%dma_wait3A_496] : memref<2048xf32, #tpu.memory_space<vmem>> -> memref<128xf32, #tpu.memory_space<vmem>>
    %dma_wait3A_498 = arith.constant 0 : i32
    %dma_wait3A_499 = tpu.memref_slice %arg9[%dma_wait3A_495, %dma_wait3A_498] : memref<16x128xi32, #tpu.memory_space<vmem>> -> memref<1x128xi32, #tpu.memory_space<vmem>>
    %dma_wait3A_500 = tpu.memref_squeeze %dma_wait3A_499 : memref<1x128xi32, #tpu.memory_space<vmem>> -> memref<128xi32, #tpu.memory_space<vmem>>
    %dma_wait3A_501 = arith.constant 0 : i32
    %dma_wait3A_502 = tpu.memref_slice %arg4[%dma_wait3A_501] : memref<66560xf32, #tpu.memory_space<hbm>> -> memref<66560xf32, #tpu.memory_space<hbm>>
    tpu.wait_indirect_dma semaphore(%arg13 : memref<!tpu.dma_semaphore, #tpu.memory_space<semaphore_mem>>) src(%dma_wait3A_502 : memref<66560xf32, #tpu.memory_space<hbm>>) dst(%dma_wait3A_497 : memref<128xf32, #tpu.memory_space<vmem>>)
    %dma_wait3A_503 = arith.constant 5 : i32
    %dma_wait3A_504 = arith.constant 640 : i32
    %dma_wait3A_505 = tpu.memref_slice %arg10[%dma_wait3A_504] : memref<2048xf32, #tpu.memory_space<vmem>> -> memref<128xf32, #tpu.memory_space<vmem>>
    %dma_wait3A_506 = arith.constant 0 : i32
    %dma_wait3A_507 = tpu.memref_slice %arg9[%dma_wait3A_503, %dma_wait3A_506] : memref<16x128xi32, #tpu.memory_space<vmem>> -> memref<1x128xi32, #tpu.memory_space<vmem>>
    %dma_wait3A_508 = tpu.memref_squeeze %dma_wait3A_507 : memref<1x128xi32, #tpu.memory_space<vmem>> -> memref<128xi32, #tpu.memory_space<vmem>>
    %dma_wait3A_509 = arith.constant 0 : i32
    %dma_wait3A_510 = tpu.memref_slice %arg2[%dma_wait3A_509] : memref<66560xf32, #tpu.memory_space<hbm>> -> memref<66560xf32, #tpu.memory_space<hbm>>
    tpu.wait_indirect_dma semaphore(%arg13 : memref<!tpu.dma_semaphore, #tpu.memory_space<semaphore_mem>>) src(%dma_wait3A_510 : memref<66560xf32, #tpu.memory_space<hbm>>) dst(%dma_wait3A_505 : memref<128xf32, #tpu.memory_space<vmem>>)
    %dma_wait3A_511 = arith.constant 5 : i32
    %dma_wait3A_512 = arith.constant 640 : i32
    %dma_wait3A_513 = tpu.memref_slice %arg11[%dma_wait3A_512] : memref<2048xf32, #tpu.memory_space<vmem>> -> memref<128xf32, #tpu.memory_space<vmem>>
    %dma_wait3A_514 = arith.constant 0 : i32
    %dma_wait3A_515 = tpu.memref_slice %arg9[%dma_wait3A_511, %dma_wait3A_514] : memref<16x128xi32, #tpu.memory_space<vmem>> -> memref<1x128xi32, #tpu.memory_space<vmem>>
    %dma_wait3A_516 = tpu.memref_squeeze %dma_wait3A_515 : memref<1x128xi32, #tpu.memory_space<vmem>> -> memref<128xi32, #tpu.memory_space<vmem>>
    %dma_wait3A_517 = arith.constant 0 : i32
    %dma_wait3A_518 = tpu.memref_slice %arg3[%dma_wait3A_517] : memref<66560xf32, #tpu.memory_space<hbm>> -> memref<66560xf32, #tpu.memory_space<hbm>>
    tpu.wait_indirect_dma semaphore(%arg13 : memref<!tpu.dma_semaphore, #tpu.memory_space<semaphore_mem>>) src(%dma_wait3A_518 : memref<66560xf32, #tpu.memory_space<hbm>>) dst(%dma_wait3A_513 : memref<128xf32, #tpu.memory_space<vmem>>)
    %dma_wait3A_519 = arith.constant 5 : i32
    %dma_wait3A_520 = arith.constant 640 : i32
    %dma_wait3A_521 = tpu.memref_slice %arg12[%dma_wait3A_520] : memref<2048xf32, #tpu.memory_space<vmem>> -> memref<128xf32, #tpu.memory_space<vmem>>
    %dma_wait3A_522 = arith.constant 0 : i32
    %dma_wait3A_523 = tpu.memref_slice %arg9[%dma_wait3A_519, %dma_wait3A_522] : memref<16x128xi32, #tpu.memory_space<vmem>> -> memref<1x128xi32, #tpu.memory_space<vmem>>
    %dma_wait3A_524 = tpu.memref_squeeze %dma_wait3A_523 : memref<1x128xi32, #tpu.memory_space<vmem>> -> memref<128xi32, #tpu.memory_space<vmem>>
    %dma_wait3A_525 = arith.constant 0 : i32
    %dma_wait3A_526 = tpu.memref_slice %arg4[%dma_wait3A_525] : memref<66560xf32, #tpu.memory_space<hbm>> -> memref<66560xf32, #tpu.memory_space<hbm>>
    tpu.wait_indirect_dma semaphore(%arg13 : memref<!tpu.dma_semaphore, #tpu.memory_space<semaphore_mem>>) src(%dma_wait3A_526 : memref<66560xf32, #tpu.memory_space<hbm>>) dst(%dma_wait3A_521 : memref<128xf32, #tpu.memory_space<vmem>>)
    %dma_wait3A_527 = arith.constant 6 : i32
    %dma_wait3A_528 = arith.constant 768 : i32
    %dma_wait3A_529 = tpu.memref_slice %arg10[%dma_wait3A_528] : memref<2048xf32, #tpu.memory_space<vmem>> -> memref<128xf32, #tpu.memory_space<vmem>>
    %dma_wait3A_530 = arith.constant 0 : i32
    %dma_wait3A_531 = tpu.memref_slice %arg9[%dma_wait3A_527, %dma_wait3A_530] : memref<16x128xi32, #tpu.memory_space<vmem>> -> memref<1x128xi32, #tpu.memory_space<vmem>>
    %dma_wait3A_532 = tpu.memref_squeeze %dma_wait3A_531 : memref<1x128xi32, #tpu.memory_space<vmem>> -> memref<128xi32, #tpu.memory_space<vmem>>
    %dma_wait3A_533 = arith.constant 0 : i32
    %dma_wait3A_534 = tpu.memref_slice %arg2[%dma_wait3A_533] : memref<66560xf32, #tpu.memory_space<hbm>> -> memref<66560xf32, #tpu.memory_space<hbm>>
    tpu.wait_indirect_dma semaphore(%arg13 : memref<!tpu.dma_semaphore, #tpu.memory_space<semaphore_mem>>) src(%dma_wait3A_534 : memref<66560xf32, #tpu.memory_space<hbm>>) dst(%dma_wait3A_529 : memref<128xf32, #tpu.memory_space<vmem>>)
    %dma_wait3A_535 = arith.constant 6 : i32
    %dma_wait3A_536 = arith.constant 768 : i32
    %dma_wait3A_537 = tpu.memref_slice %arg11[%dma_wait3A_536] : memref<2048xf32, #tpu.memory_space<vmem>> -> memref<128xf32, #tpu.memory_space<vmem>>
    %dma_wait3A_538 = arith.constant 0 : i32
    %dma_wait3A_539 = tpu.memref_slice %arg9[%dma_wait3A_535, %dma_wait3A_538] : memref<16x128xi32, #tpu.memory_space<vmem>> -> memref<1x128xi32, #tpu.memory_space<vmem>>
    %dma_wait3A_540 = tpu.memref_squeeze %dma_wait3A_539 : memref<1x128xi32, #tpu.memory_space<vmem>> -> memref<128xi32, #tpu.memory_space<vmem>>
    %dma_wait3A_541 = arith.constant 0 : i32
    %dma_wait3A_542 = tpu.memref_slice %arg3[%dma_wait3A_541] : memref<66560xf32, #tpu.memory_space<hbm>> -> memref<66560xf32, #tpu.memory_space<hbm>>
    tpu.wait_indirect_dma semaphore(%arg13 : memref<!tpu.dma_semaphore, #tpu.memory_space<semaphore_mem>>) src(%dma_wait3A_542 : memref<66560xf32, #tpu.memory_space<hbm>>) dst(%dma_wait3A_537 : memref<128xf32, #tpu.memory_space<vmem>>)
    %dma_wait3A_543 = arith.constant 6 : i32
    %dma_wait3A_544 = arith.constant 768 : i32
    %dma_wait3A_545 = tpu.memref_slice %arg12[%dma_wait3A_544] : memref<2048xf32, #tpu.memory_space<vmem>> -> memref<128xf32, #tpu.memory_space<vmem>>
    %dma_wait3A_546 = arith.constant 0 : i32
    %dma_wait3A_547 = tpu.memref_slice %arg9[%dma_wait3A_543, %dma_wait3A_546] : memref<16x128xi32, #tpu.memory_space<vmem>> -> memref<1x128xi32, #tpu.memory_space<vmem>>
    %dma_wait3A_548 = tpu.memref_squeeze %dma_wait3A_547 : memref<1x128xi32, #tpu.memory_space<vmem>> -> memref<128xi32, #tpu.memory_space<vmem>>
    %dma_wait3A_549 = arith.constant 0 : i32
    %dma_wait3A_550 = tpu.memref_slice %arg4[%dma_wait3A_549] : memref<66560xf32, #tpu.memory_space<hbm>> -> memref<66560xf32, #tpu.memory_space<hbm>>
    tpu.wait_indirect_dma semaphore(%arg13 : memref<!tpu.dma_semaphore, #tpu.memory_space<semaphore_mem>>) src(%dma_wait3A_550 : memref<66560xf32, #tpu.memory_space<hbm>>) dst(%dma_wait3A_545 : memref<128xf32, #tpu.memory_space<vmem>>)
    %dma_wait3A_551 = arith.constant 7 : i32
    %dma_wait3A_552 = arith.constant 896 : i32
    %dma_wait3A_553 = tpu.memref_slice %arg10[%dma_wait3A_552] : memref<2048xf32, #tpu.memory_space<vmem>> -> memref<128xf32, #tpu.memory_space<vmem>>
    %dma_wait3A_554 = arith.constant 0 : i32
    %dma_wait3A_555 = tpu.memref_slice %arg9[%dma_wait3A_551, %dma_wait3A_554] : memref<16x128xi32, #tpu.memory_space<vmem>> -> memref<1x128xi32, #tpu.memory_space<vmem>>
    %dma_wait3A_556 = tpu.memref_squeeze %dma_wait3A_555 : memref<1x128xi32, #tpu.memory_space<vmem>> -> memref<128xi32, #tpu.memory_space<vmem>>
    %dma_wait3A_557 = arith.constant 0 : i32
    %dma_wait3A_558 = tpu.memref_slice %arg2[%dma_wait3A_557] : memref<66560xf32, #tpu.memory_space<hbm>> -> memref<66560xf32, #tpu.memory_space<hbm>>
    tpu.wait_indirect_dma semaphore(%arg13 : memref<!tpu.dma_semaphore, #tpu.memory_space<semaphore_mem>>) src(%dma_wait3A_558 : memref<66560xf32, #tpu.memory_space<hbm>>) dst(%dma_wait3A_553 : memref<128xf32, #tpu.memory_space<vmem>>)
    %dma_wait3A_559 = arith.constant 7 : i32
    %dma_wait3A_560 = arith.constant 896 : i32
    %dma_wait3A_561 = tpu.memref_slice %arg11[%dma_wait3A_560] : memref<2048xf32, #tpu.memory_space<vmem>> -> memref<128xf32, #tpu.memory_space<vmem>>
    %dma_wait3A_562 = arith.constant 0 : i32
    %dma_wait3A_563 = tpu.memref_slice %arg9[%dma_wait3A_559, %dma_wait3A_562] : memref<16x128xi32, #tpu.memory_space<vmem>> -> memref<1x128xi32, #tpu.memory_space<vmem>>
    %dma_wait3A_564 = tpu.memref_squeeze %dma_wait3A_563 : memref<1x128xi32, #tpu.memory_space<vmem>> -> memref<128xi32, #tpu.memory_space<vmem>>
    %dma_wait3A_565 = arith.constant 0 : i32
    %dma_wait3A_566 = tpu.memref_slice %arg3[%dma_wait3A_565] : memref<66560xf32, #tpu.memory_space<hbm>> -> memref<66560xf32, #tpu.memory_space<hbm>>
    tpu.wait_indirect_dma semaphore(%arg13 : memref<!tpu.dma_semaphore, #tpu.memory_space<semaphore_mem>>) src(%dma_wait3A_566 : memref<66560xf32, #tpu.memory_space<hbm>>) dst(%dma_wait3A_561 : memref<128xf32, #tpu.memory_space<vmem>>)
    %dma_wait3A_567 = arith.constant 7 : i32
    %dma_wait3A_568 = arith.constant 896 : i32
    %dma_wait3A_569 = tpu.memref_slice %arg12[%dma_wait3A_568] : memref<2048xf32, #tpu.memory_space<vmem>> -> memref<128xf32, #tpu.memory_space<vmem>>
    %dma_wait3A_570 = arith.constant 0 : i32
    %dma_wait3A_571 = tpu.memref_slice %arg9[%dma_wait3A_567, %dma_wait3A_570] : memref<16x128xi32, #tpu.memory_space<vmem>> -> memref<1x128xi32, #tpu.memory_space<vmem>>
    %dma_wait3A_572 = tpu.memref_squeeze %dma_wait3A_571 : memref<1x128xi32, #tpu.memory_space<vmem>> -> memref<128xi32, #tpu.memory_space<vmem>>
    %dma_wait3A_573 = arith.constant 0 : i32
    %dma_wait3A_574 = tpu.memref_slice %arg4[%dma_wait3A_573] : memref<66560xf32, #tpu.memory_space<hbm>> -> memref<66560xf32, #tpu.memory_space<hbm>>
    tpu.wait_indirect_dma semaphore(%arg13 : memref<!tpu.dma_semaphore, #tpu.memory_space<semaphore_mem>>) src(%dma_wait3A_574 : memref<66560xf32, #tpu.memory_space<hbm>>) dst(%dma_wait3A_569 : memref<128xf32, #tpu.memory_space<vmem>>)
    %dma_wait3A_575 = arith.constant 8 : i32
    %dma_wait3A_576 = arith.constant 1024 : i32
    %dma_wait3A_577 = tpu.memref_slice %arg10[%dma_wait3A_576] : memref<2048xf32, #tpu.memory_space<vmem>> -> memref<128xf32, #tpu.memory_space<vmem>>
    %dma_wait3A_578 = arith.constant 0 : i32
    %dma_wait3A_579 = tpu.memref_slice %arg9[%dma_wait3A_575, %dma_wait3A_578] : memref<16x128xi32, #tpu.memory_space<vmem>> -> memref<1x128xi32, #tpu.memory_space<vmem>>
    %dma_wait3A_580 = tpu.memref_squeeze %dma_wait3A_579 : memref<1x128xi32, #tpu.memory_space<vmem>> -> memref<128xi32, #tpu.memory_space<vmem>>
    %dma_wait3A_581 = arith.constant 0 : i32
    %dma_wait3A_582 = tpu.memref_slice %arg2[%dma_wait3A_581] : memref<66560xf32, #tpu.memory_space<hbm>> -> memref<66560xf32, #tpu.memory_space<hbm>>
    tpu.wait_indirect_dma semaphore(%arg13 : memref<!tpu.dma_semaphore, #tpu.memory_space<semaphore_mem>>) src(%dma_wait3A_582 : memref<66560xf32, #tpu.memory_space<hbm>>) dst(%dma_wait3A_577 : memref<128xf32, #tpu.memory_space<vmem>>)
    %dma_wait3A_583 = arith.constant 8 : i32
    %dma_wait3A_584 = arith.constant 1024 : i32
    %dma_wait3A_585 = tpu.memref_slice %arg11[%dma_wait3A_584] : memref<2048xf32, #tpu.memory_space<vmem>> -> memref<128xf32, #tpu.memory_space<vmem>>
    %dma_wait3A_586 = arith.constant 0 : i32
    %dma_wait3A_587 = tpu.memref_slice %arg9[%dma_wait3A_583, %dma_wait3A_586] : memref<16x128xi32, #tpu.memory_space<vmem>> -> memref<1x128xi32, #tpu.memory_space<vmem>>
    %dma_wait3A_588 = tpu.memref_squeeze %dma_wait3A_587 : memref<1x128xi32, #tpu.memory_space<vmem>> -> memref<128xi32, #tpu.memory_space<vmem>>
    %dma_wait3A_589 = arith.constant 0 : i32
    %dma_wait3A_590 = tpu.memref_slice %arg3[%dma_wait3A_589] : memref<66560xf32, #tpu.memory_space<hbm>> -> memref<66560xf32, #tpu.memory_space<hbm>>
    tpu.wait_indirect_dma semaphore(%arg13 : memref<!tpu.dma_semaphore, #tpu.memory_space<semaphore_mem>>) src(%dma_wait3A_590 : memref<66560xf32, #tpu.memory_space<hbm>>) dst(%dma_wait3A_585 : memref<128xf32, #tpu.memory_space<vmem>>)
    %dma_wait3A_591 = arith.constant 8 : i32
    %dma_wait3A_592 = arith.constant 1024 : i32
    %dma_wait3A_593 = tpu.memref_slice %arg12[%dma_wait3A_592] : memref<2048xf32, #tpu.memory_space<vmem>> -> memref<128xf32, #tpu.memory_space<vmem>>
    %dma_wait3A_594 = arith.constant 0 : i32
    %dma_wait3A_595 = tpu.memref_slice %arg9[%dma_wait3A_591, %dma_wait3A_594] : memref<16x128xi32, #tpu.memory_space<vmem>> -> memref<1x128xi32, #tpu.memory_space<vmem>>
    %dma_wait3A_596 = tpu.memref_squeeze %dma_wait3A_595 : memref<1x128xi32, #tpu.memory_space<vmem>> -> memref<128xi32, #tpu.memory_space<vmem>>
    %dma_wait3A_597 = arith.constant 0 : i32
    %dma_wait3A_598 = tpu.memref_slice %arg4[%dma_wait3A_597] : memref<66560xf32, #tpu.memory_space<hbm>> -> memref<66560xf32, #tpu.memory_space<hbm>>
    tpu.wait_indirect_dma semaphore(%arg13 : memref<!tpu.dma_semaphore, #tpu.memory_space<semaphore_mem>>) src(%dma_wait3A_598 : memref<66560xf32, #tpu.memory_space<hbm>>) dst(%dma_wait3A_593 : memref<128xf32, #tpu.memory_space<vmem>>)
    %dma_wait3A_599 = arith.constant 9 : i32
    %dma_wait3A_600 = arith.constant 1152 : i32
    %dma_wait3A_601 = tpu.memref_slice %arg10[%dma_wait3A_600] : memref<2048xf32, #tpu.memory_space<vmem>> -> memref<128xf32, #tpu.memory_space<vmem>>
    %dma_wait3A_602 = arith.constant 0 : i32
    %dma_wait3A_603 = tpu.memref_slice %arg9[%dma_wait3A_599, %dma_wait3A_602] : memref<16x128xi32, #tpu.memory_space<vmem>> -> memref<1x128xi32, #tpu.memory_space<vmem>>
    %dma_wait3A_604 = tpu.memref_squeeze %dma_wait3A_603 : memref<1x128xi32, #tpu.memory_space<vmem>> -> memref<128xi32, #tpu.memory_space<vmem>>
    %dma_wait3A_605 = arith.constant 0 : i32
    %dma_wait3A_606 = tpu.memref_slice %arg2[%dma_wait3A_605] : memref<66560xf32, #tpu.memory_space<hbm>> -> memref<66560xf32, #tpu.memory_space<hbm>>
    tpu.wait_indirect_dma semaphore(%arg13 : memref<!tpu.dma_semaphore, #tpu.memory_space<semaphore_mem>>) src(%dma_wait3A_606 : memref<66560xf32, #tpu.memory_space<hbm>>) dst(%dma_wait3A_601 : memref<128xf32, #tpu.memory_space<vmem>>)
    %dma_wait3A_607 = arith.constant 9 : i32
    %dma_wait3A_608 = arith.constant 1152 : i32
    %dma_wait3A_609 = tpu.memref_slice %arg11[%dma_wait3A_608] : memref<2048xf32, #tpu.memory_space<vmem>> -> memref<128xf32, #tpu.memory_space<vmem>>
    %dma_wait3A_610 = arith.constant 0 : i32
    %dma_wait3A_611 = tpu.memref_slice %arg9[%dma_wait3A_607, %dma_wait3A_610] : memref<16x128xi32, #tpu.memory_space<vmem>> -> memref<1x128xi32, #tpu.memory_space<vmem>>
    %dma_wait3A_612 = tpu.memref_squeeze %dma_wait3A_611 : memref<1x128xi32, #tpu.memory_space<vmem>> -> memref<128xi32, #tpu.memory_space<vmem>>
    %dma_wait3A_613 = arith.constant 0 : i32
    %dma_wait3A_614 = tpu.memref_slice %arg3[%dma_wait3A_613] : memref<66560xf32, #tpu.memory_space<hbm>> -> memref<66560xf32, #tpu.memory_space<hbm>>
    tpu.wait_indirect_dma semaphore(%arg13 : memref<!tpu.dma_semaphore, #tpu.memory_space<semaphore_mem>>) src(%dma_wait3A_614 : memref<66560xf32, #tpu.memory_space<hbm>>) dst(%dma_wait3A_609 : memref<128xf32, #tpu.memory_space<vmem>>)
    %dma_wait3A_615 = arith.constant 9 : i32
    %dma_wait3A_616 = arith.constant 1152 : i32
    %dma_wait3A_617 = tpu.memref_slice %arg12[%dma_wait3A_616] : memref<2048xf32, #tpu.memory_space<vmem>> -> memref<128xf32, #tpu.memory_space<vmem>>
    %dma_wait3A_618 = arith.constant 0 : i32
    %dma_wait3A_619 = tpu.memref_slice %arg9[%dma_wait3A_615, %dma_wait3A_618] : memref<16x128xi32, #tpu.memory_space<vmem>> -> memref<1x128xi32, #tpu.memory_space<vmem>>
    %dma_wait3A_620 = tpu.memref_squeeze %dma_wait3A_619 : memref<1x128xi32, #tpu.memory_space<vmem>> -> memref<128xi32, #tpu.memory_space<vmem>>
    %dma_wait3A_621 = arith.constant 0 : i32
    %dma_wait3A_622 = tpu.memref_slice %arg4[%dma_wait3A_621] : memref<66560xf32, #tpu.memory_space<hbm>> -> memref<66560xf32, #tpu.memory_space<hbm>>
    tpu.wait_indirect_dma semaphore(%arg13 : memref<!tpu.dma_semaphore, #tpu.memory_space<semaphore_mem>>) src(%dma_wait3A_622 : memref<66560xf32, #tpu.memory_space<hbm>>) dst(%dma_wait3A_617 : memref<128xf32, #tpu.memory_space<vmem>>)
    %dma_wait3A_623 = arith.constant 10 : i32
    %dma_wait3A_624 = arith.constant 1280 : i32
    %dma_wait3A_625 = tpu.memref_slice %arg10[%dma_wait3A_624] : memref<2048xf32, #tpu.memory_space<vmem>> -> memref<128xf32, #tpu.memory_space<vmem>>
    %dma_wait3A_626 = arith.constant 0 : i32
    %dma_wait3A_627 = tpu.memref_slice %arg9[%dma_wait3A_623, %dma_wait3A_626] : memref<16x128xi32, #tpu.memory_space<vmem>> -> memref<1x128xi32, #tpu.memory_space<vmem>>
    %dma_wait3A_628 = tpu.memref_squeeze %dma_wait3A_627 : memref<1x128xi32, #tpu.memory_space<vmem>> -> memref<128xi32, #tpu.memory_space<vmem>>
    %dma_wait3A_629 = arith.constant 0 : i32
    %dma_wait3A_630 = tpu.memref_slice %arg2[%dma_wait3A_629] : memref<66560xf32, #tpu.memory_space<hbm>> -> memref<66560xf32, #tpu.memory_space<hbm>>
    tpu.wait_indirect_dma semaphore(%arg13 : memref<!tpu.dma_semaphore, #tpu.memory_space<semaphore_mem>>) src(%dma_wait3A_630 : memref<66560xf32, #tpu.memory_space<hbm>>) dst(%dma_wait3A_625 : memref<128xf32, #tpu.memory_space<vmem>>)
    %dma_wait3A_631 = arith.constant 10 : i32
    %dma_wait3A_632 = arith.constant 1280 : i32
    %dma_wait3A_633 = tpu.memref_slice %arg11[%dma_wait3A_632] : memref<2048xf32, #tpu.memory_space<vmem>> -> memref<128xf32, #tpu.memory_space<vmem>>
    %dma_wait3A_634 = arith.constant 0 : i32
    %dma_wait3A_635 = tpu.memref_slice %arg9[%dma_wait3A_631, %dma_wait3A_634] : memref<16x128xi32, #tpu.memory_space<vmem>> -> memref<1x128xi32, #tpu.memory_space<vmem>>
    %dma_wait3A_636 = tpu.memref_squeeze %dma_wait3A_635 : memref<1x128xi32, #tpu.memory_space<vmem>> -> memref<128xi32, #tpu.memory_space<vmem>>
    %dma_wait3A_637 = arith.constant 0 : i32
    %dma_wait3A_638 = tpu.memref_slice %arg3[%dma_wait3A_637] : memref<66560xf32, #tpu.memory_space<hbm>> -> memref<66560xf32, #tpu.memory_space<hbm>>
    tpu.wait_indirect_dma semaphore(%arg13 : memref<!tpu.dma_semaphore, #tpu.memory_space<semaphore_mem>>) src(%dma_wait3A_638 : memref<66560xf32, #tpu.memory_space<hbm>>) dst(%dma_wait3A_633 : memref<128xf32, #tpu.memory_space<vmem>>)
    %dma_wait3A_639 = arith.constant 10 : i32
    %dma_wait3A_640 = arith.constant 1280 : i32
    %dma_wait3A_641 = tpu.memref_slice %arg12[%dma_wait3A_640] : memref<2048xf32, #tpu.memory_space<vmem>> -> memref<128xf32, #tpu.memory_space<vmem>>
    %dma_wait3A_642 = arith.constant 0 : i32
    %dma_wait3A_643 = tpu.memref_slice %arg9[%dma_wait3A_639, %dma_wait3A_642] : memref<16x128xi32, #tpu.memory_space<vmem>> -> memref<1x128xi32, #tpu.memory_space<vmem>>
    %dma_wait3A_644 = tpu.memref_squeeze %dma_wait3A_643 : memref<1x128xi32, #tpu.memory_space<vmem>> -> memref<128xi32, #tpu.memory_space<vmem>>
    %dma_wait3A_645 = arith.constant 0 : i32
    %dma_wait3A_646 = tpu.memref_slice %arg4[%dma_wait3A_645] : memref<66560xf32, #tpu.memory_space<hbm>> -> memref<66560xf32, #tpu.memory_space<hbm>>
    tpu.wait_indirect_dma semaphore(%arg13 : memref<!tpu.dma_semaphore, #tpu.memory_space<semaphore_mem>>) src(%dma_wait3A_646 : memref<66560xf32, #tpu.memory_space<hbm>>) dst(%dma_wait3A_641 : memref<128xf32, #tpu.memory_space<vmem>>)
    %dma_wait3A_647 = arith.constant 11 : i32
    %dma_wait3A_648 = arith.constant 1408 : i32
    %dma_wait3A_649 = tpu.memref_slice %arg10[%dma_wait3A_648] : memref<2048xf32, #tpu.memory_space<vmem>> -> memref<128xf32, #tpu.memory_space<vmem>>
    %dma_wait3A_650 = arith.constant 0 : i32
    %dma_wait3A_651 = tpu.memref_slice %arg9[%dma_wait3A_647, %dma_wait3A_650] : memref<16x128xi32, #tpu.memory_space<vmem>> -> memref<1x128xi32, #tpu.memory_space<vmem>>
    %dma_wait3A_652 = tpu.memref_squeeze %dma_wait3A_651 : memref<1x128xi32, #tpu.memory_space<vmem>> -> memref<128xi32, #tpu.memory_space<vmem>>
    %dma_wait3A_653 = arith.constant 0 : i32
    %dma_wait3A_654 = tpu.memref_slice %arg2[%dma_wait3A_653] : memref<66560xf32, #tpu.memory_space<hbm>> -> memref<66560xf32, #tpu.memory_space<hbm>>
    tpu.wait_indirect_dma semaphore(%arg13 : memref<!tpu.dma_semaphore, #tpu.memory_space<semaphore_mem>>) src(%dma_wait3A_654 : memref<66560xf32, #tpu.memory_space<hbm>>) dst(%dma_wait3A_649 : memref<128xf32, #tpu.memory_space<vmem>>)
    %dma_wait3A_655 = arith.constant 11 : i32
    %dma_wait3A_656 = arith.constant 1408 : i32
    %dma_wait3A_657 = tpu.memref_slice %arg11[%dma_wait3A_656] : memref<2048xf32, #tpu.memory_space<vmem>> -> memref<128xf32, #tpu.memory_space<vmem>>
    %dma_wait3A_658 = arith.constant 0 : i32
    %dma_wait3A_659 = tpu.memref_slice %arg9[%dma_wait3A_655, %dma_wait3A_658] : memref<16x128xi32, #tpu.memory_space<vmem>> -> memref<1x128xi32, #tpu.memory_space<vmem>>
    %dma_wait3A_660 = tpu.memref_squeeze %dma_wait3A_659 : memref<1x128xi32, #tpu.memory_space<vmem>> -> memref<128xi32, #tpu.memory_space<vmem>>
    %dma_wait3A_661 = arith.constant 0 : i32
    %dma_wait3A_662 = tpu.memref_slice %arg3[%dma_wait3A_661] : memref<66560xf32, #tpu.memory_space<hbm>> -> memref<66560xf32, #tpu.memory_space<hbm>>
    tpu.wait_indirect_dma semaphore(%arg13 : memref<!tpu.dma_semaphore, #tpu.memory_space<semaphore_mem>>) src(%dma_wait3A_662 : memref<66560xf32, #tpu.memory_space<hbm>>) dst(%dma_wait3A_657 : memref<128xf32, #tpu.memory_space<vmem>>)
    %dma_wait3A_663 = arith.constant 11 : i32
    %dma_wait3A_664 = arith.constant 1408 : i32
    %dma_wait3A_665 = tpu.memref_slice %arg12[%dma_wait3A_664] : memref<2048xf32, #tpu.memory_space<vmem>> -> memref<128xf32, #tpu.memory_space<vmem>>
    %dma_wait3A_666 = arith.constant 0 : i32
    %dma_wait3A_667 = tpu.memref_slice %arg9[%dma_wait3A_663, %dma_wait3A_666] : memref<16x128xi32, #tpu.memory_space<vmem>> -> memref<1x128xi32, #tpu.memory_space<vmem>>
    %dma_wait3A_668 = tpu.memref_squeeze %dma_wait3A_667 : memref<1x128xi32, #tpu.memory_space<vmem>> -> memref<128xi32, #tpu.memory_space<vmem>>
    %dma_wait3A_669 = arith.constant 0 : i32
    %dma_wait3A_670 = tpu.memref_slice %arg4[%dma_wait3A_669] : memref<66560xf32, #tpu.memory_space<hbm>> -> memref<66560xf32, #tpu.memory_space<hbm>>
    tpu.wait_indirect_dma semaphore(%arg13 : memref<!tpu.dma_semaphore, #tpu.memory_space<semaphore_mem>>) src(%dma_wait3A_670 : memref<66560xf32, #tpu.memory_space<hbm>>) dst(%dma_wait3A_665 : memref<128xf32, #tpu.memory_space<vmem>>)
    %dma_wait3A_671 = arith.constant 12 : i32
    %dma_wait3A_672 = arith.constant 1536 : i32
    %dma_wait3A_673 = tpu.memref_slice %arg10[%dma_wait3A_672] : memref<2048xf32, #tpu.memory_space<vmem>> -> memref<128xf32, #tpu.memory_space<vmem>>
    %dma_wait3A_674 = arith.constant 0 : i32
    %dma_wait3A_675 = tpu.memref_slice %arg9[%dma_wait3A_671, %dma_wait3A_674] : memref<16x128xi32, #tpu.memory_space<vmem>> -> memref<1x128xi32, #tpu.memory_space<vmem>>
    %dma_wait3A_676 = tpu.memref_squeeze %dma_wait3A_675 : memref<1x128xi32, #tpu.memory_space<vmem>> -> memref<128xi32, #tpu.memory_space<vmem>>
    %dma_wait3A_677 = arith.constant 0 : i32
    %dma_wait3A_678 = tpu.memref_slice %arg2[%dma_wait3A_677] : memref<66560xf32, #tpu.memory_space<hbm>> -> memref<66560xf32, #tpu.memory_space<hbm>>
    tpu.wait_indirect_dma semaphore(%arg13 : memref<!tpu.dma_semaphore, #tpu.memory_space<semaphore_mem>>) src(%dma_wait3A_678 : memref<66560xf32, #tpu.memory_space<hbm>>) dst(%dma_wait3A_673 : memref<128xf32, #tpu.memory_space<vmem>>)
    %dma_wait3A_679 = arith.constant 12 : i32
    %dma_wait3A_680 = arith.constant 1536 : i32
    %dma_wait3A_681 = tpu.memref_slice %arg11[%dma_wait3A_680] : memref<2048xf32, #tpu.memory_space<vmem>> -> memref<128xf32, #tpu.memory_space<vmem>>
    %dma_wait3A_682 = arith.constant 0 : i32
    %dma_wait3A_683 = tpu.memref_slice %arg9[%dma_wait3A_679, %dma_wait3A_682] : memref<16x128xi32, #tpu.memory_space<vmem>> -> memref<1x128xi32, #tpu.memory_space<vmem>>
    %dma_wait3A_684 = tpu.memref_squeeze %dma_wait3A_683 : memref<1x128xi32, #tpu.memory_space<vmem>> -> memref<128xi32, #tpu.memory_space<vmem>>
    %dma_wait3A_685 = arith.constant 0 : i32
    %dma_wait3A_686 = tpu.memref_slice %arg3[%dma_wait3A_685] : memref<66560xf32, #tpu.memory_space<hbm>> -> memref<66560xf32, #tpu.memory_space<hbm>>
    tpu.wait_indirect_dma semaphore(%arg13 : memref<!tpu.dma_semaphore, #tpu.memory_space<semaphore_mem>>) src(%dma_wait3A_686 : memref<66560xf32, #tpu.memory_space<hbm>>) dst(%dma_wait3A_681 : memref<128xf32, #tpu.memory_space<vmem>>)
    %dma_wait3A_687 = arith.constant 12 : i32
    %dma_wait3A_688 = arith.constant 1536 : i32
    %dma_wait3A_689 = tpu.memref_slice %arg12[%dma_wait3A_688] : memref<2048xf32, #tpu.memory_space<vmem>> -> memref<128xf32, #tpu.memory_space<vmem>>
    %dma_wait3A_690 = arith.constant 0 : i32
    %dma_wait3A_691 = tpu.memref_slice %arg9[%dma_wait3A_687, %dma_wait3A_690] : memref<16x128xi32, #tpu.memory_space<vmem>> -> memref<1x128xi32, #tpu.memory_space<vmem>>
    %dma_wait3A_692 = tpu.memref_squeeze %dma_wait3A_691 : memref<1x128xi32, #tpu.memory_space<vmem>> -> memref<128xi32, #tpu.memory_space<vmem>>
    %dma_wait3A_693 = arith.constant 0 : i32
    %dma_wait3A_694 = tpu.memref_slice %arg4[%dma_wait3A_693] : memref<66560xf32, #tpu.memory_space<hbm>> -> memref<66560xf32, #tpu.memory_space<hbm>>
    tpu.wait_indirect_dma semaphore(%arg13 : memref<!tpu.dma_semaphore, #tpu.memory_space<semaphore_mem>>) src(%dma_wait3A_694 : memref<66560xf32, #tpu.memory_space<hbm>>) dst(%dma_wait3A_689 : memref<128xf32, #tpu.memory_space<vmem>>)
    %dma_wait3A_695 = arith.constant 13 : i32
    %dma_wait3A_696 = arith.constant 1664 : i32
    %dma_wait3A_697 = tpu.memref_slice %arg10[%dma_wait3A_696] : memref<2048xf32, #tpu.memory_space<vmem>> -> memref<128xf32, #tpu.memory_space<vmem>>
    %dma_wait3A_698 = arith.constant 0 : i32
    %dma_wait3A_699 = tpu.memref_slice %arg9[%dma_wait3A_695, %dma_wait3A_698] : memref<16x128xi32, #tpu.memory_space<vmem>> -> memref<1x128xi32, #tpu.memory_space<vmem>>
    %dma_wait3A_700 = tpu.memref_squeeze %dma_wait3A_699 : memref<1x128xi32, #tpu.memory_space<vmem>> -> memref<128xi32, #tpu.memory_space<vmem>>
    %dma_wait3A_701 = arith.constant 0 : i32
    %dma_wait3A_702 = tpu.memref_slice %arg2[%dma_wait3A_701] : memref<66560xf32, #tpu.memory_space<hbm>> -> memref<66560xf32, #tpu.memory_space<hbm>>
    tpu.wait_indirect_dma semaphore(%arg13 : memref<!tpu.dma_semaphore, #tpu.memory_space<semaphore_mem>>) src(%dma_wait3A_702 : memref<66560xf32, #tpu.memory_space<hbm>>) dst(%dma_wait3A_697 : memref<128xf32, #tpu.memory_space<vmem>>)
    %dma_wait3A_703 = arith.constant 13 : i32
    %dma_wait3A_704 = arith.constant 1664 : i32
    %dma_wait3A_705 = tpu.memref_slice %arg11[%dma_wait3A_704] : memref<2048xf32, #tpu.memory_space<vmem>> -> memref<128xf32, #tpu.memory_space<vmem>>
    %dma_wait3A_706 = arith.constant 0 : i32
    %dma_wait3A_707 = tpu.memref_slice %arg9[%dma_wait3A_703, %dma_wait3A_706] : memref<16x128xi32, #tpu.memory_space<vmem>> -> memref<1x128xi32, #tpu.memory_space<vmem>>
    %dma_wait3A_708 = tpu.memref_squeeze %dma_wait3A_707 : memref<1x128xi32, #tpu.memory_space<vmem>> -> memref<128xi32, #tpu.memory_space<vmem>>
    %dma_wait3A_709 = arith.constant 0 : i32
    %dma_wait3A_710 = tpu.memref_slice %arg3[%dma_wait3A_709] : memref<66560xf32, #tpu.memory_space<hbm>> -> memref<66560xf32, #tpu.memory_space<hbm>>
    tpu.wait_indirect_dma semaphore(%arg13 : memref<!tpu.dma_semaphore, #tpu.memory_space<semaphore_mem>>) src(%dma_wait3A_710 : memref<66560xf32, #tpu.memory_space<hbm>>) dst(%dma_wait3A_705 : memref<128xf32, #tpu.memory_space<vmem>>)
    %dma_wait3A_711 = arith.constant 13 : i32
    %dma_wait3A_712 = arith.constant 1664 : i32
    %dma_wait3A_713 = tpu.memref_slice %arg12[%dma_wait3A_712] : memref<2048xf32, #tpu.memory_space<vmem>> -> memref<128xf32, #tpu.memory_space<vmem>>
    %dma_wait3A_714 = arith.constant 0 : i32
    %dma_wait3A_715 = tpu.memref_slice %arg9[%dma_wait3A_711, %dma_wait3A_714] : memref<16x128xi32, #tpu.memory_space<vmem>> -> memref<1x128xi32, #tpu.memory_space<vmem>>
    %dma_wait3A_716 = tpu.memref_squeeze %dma_wait3A_715 : memref<1x128xi32, #tpu.memory_space<vmem>> -> memref<128xi32, #tpu.memory_space<vmem>>
    %dma_wait3A_717 = arith.constant 0 : i32
    %dma_wait3A_718 = tpu.memref_slice %arg4[%dma_wait3A_717] : memref<66560xf32, #tpu.memory_space<hbm>> -> memref<66560xf32, #tpu.memory_space<hbm>>
    tpu.wait_indirect_dma semaphore(%arg13 : memref<!tpu.dma_semaphore, #tpu.memory_space<semaphore_mem>>) src(%dma_wait3A_718 : memref<66560xf32, #tpu.memory_space<hbm>>) dst(%dma_wait3A_713 : memref<128xf32, #tpu.memory_space<vmem>>)
    %dma_wait3A_719 = arith.constant 14 : i32
    %dma_wait3A_720 = arith.constant 1792 : i32
    %dma_wait3A_721 = tpu.memref_slice %arg10[%dma_wait3A_720] : memref<2048xf32, #tpu.memory_space<vmem>> -> memref<128xf32, #tpu.memory_space<vmem>>
    %dma_wait3A_722 = arith.constant 0 : i32
    %dma_wait3A_723 = tpu.memref_slice %arg9[%dma_wait3A_719, %dma_wait3A_722] : memref<16x128xi32, #tpu.memory_space<vmem>> -> memref<1x128xi32, #tpu.memory_space<vmem>>
    %dma_wait3A_724 = tpu.memref_squeeze %dma_wait3A_723 : memref<1x128xi32, #tpu.memory_space<vmem>> -> memref<128xi32, #tpu.memory_space<vmem>>
    %dma_wait3A_725 = arith.constant 0 : i32
    %dma_wait3A_726 = tpu.memref_slice %arg2[%dma_wait3A_725] : memref<66560xf32, #tpu.memory_space<hbm>> -> memref<66560xf32, #tpu.memory_space<hbm>>
    tpu.wait_indirect_dma semaphore(%arg13 : memref<!tpu.dma_semaphore, #tpu.memory_space<semaphore_mem>>) src(%dma_wait3A_726 : memref<66560xf32, #tpu.memory_space<hbm>>) dst(%dma_wait3A_721 : memref<128xf32, #tpu.memory_space<vmem>>)
    %dma_wait3A_727 = arith.constant 14 : i32
    %dma_wait3A_728 = arith.constant 1792 : i32
    %dma_wait3A_729 = tpu.memref_slice %arg11[%dma_wait3A_728] : memref<2048xf32, #tpu.memory_space<vmem>> -> memref<128xf32, #tpu.memory_space<vmem>>
    %dma_wait3A_730 = arith.constant 0 : i32
    %dma_wait3A_731 = tpu.memref_slice %arg9[%dma_wait3A_727, %dma_wait3A_730] : memref<16x128xi32, #tpu.memory_space<vmem>> -> memref<1x128xi32, #tpu.memory_space<vmem>>
    %dma_wait3A_732 = tpu.memref_squeeze %dma_wait3A_731 : memref<1x128xi32, #tpu.memory_space<vmem>> -> memref<128xi32, #tpu.memory_space<vmem>>
    %dma_wait3A_733 = arith.constant 0 : i32
    %dma_wait3A_734 = tpu.memref_slice %arg3[%dma_wait3A_733] : memref<66560xf32, #tpu.memory_space<hbm>> -> memref<66560xf32, #tpu.memory_space<hbm>>
    tpu.wait_indirect_dma semaphore(%arg13 : memref<!tpu.dma_semaphore, #tpu.memory_space<semaphore_mem>>) src(%dma_wait3A_734 : memref<66560xf32, #tpu.memory_space<hbm>>) dst(%dma_wait3A_729 : memref<128xf32, #tpu.memory_space<vmem>>)
    %dma_wait3A_735 = arith.constant 14 : i32
    %dma_wait3A_736 = arith.constant 1792 : i32
    %dma_wait3A_737 = tpu.memref_slice %arg12[%dma_wait3A_736] : memref<2048xf32, #tpu.memory_space<vmem>> -> memref<128xf32, #tpu.memory_space<vmem>>
    %dma_wait3A_738 = arith.constant 0 : i32
    %dma_wait3A_739 = tpu.memref_slice %arg9[%dma_wait3A_735, %dma_wait3A_738] : memref<16x128xi32, #tpu.memory_space<vmem>> -> memref<1x128xi32, #tpu.memory_space<vmem>>
    %dma_wait3A_740 = tpu.memref_squeeze %dma_wait3A_739 : memref<1x128xi32, #tpu.memory_space<vmem>> -> memref<128xi32, #tpu.memory_space<vmem>>
    %dma_wait3A_741 = arith.constant 0 : i32
    %dma_wait3A_742 = tpu.memref_slice %arg4[%dma_wait3A_741] : memref<66560xf32, #tpu.memory_space<hbm>> -> memref<66560xf32, #tpu.memory_space<hbm>>
    tpu.wait_indirect_dma semaphore(%arg13 : memref<!tpu.dma_semaphore, #tpu.memory_space<semaphore_mem>>) src(%dma_wait3A_742 : memref<66560xf32, #tpu.memory_space<hbm>>) dst(%dma_wait3A_737 : memref<128xf32, #tpu.memory_space<vmem>>)
    %dma_wait3A_743 = arith.constant 15 : i32
    %dma_wait3A_744 = arith.constant 1920 : i32
    %dma_wait3A_745 = tpu.memref_slice %arg10[%dma_wait3A_744] : memref<2048xf32, #tpu.memory_space<vmem>> -> memref<128xf32, #tpu.memory_space<vmem>>
    %dma_wait3A_746 = arith.constant 0 : i32
    %dma_wait3A_747 = tpu.memref_slice %arg9[%dma_wait3A_743, %dma_wait3A_746] : memref<16x128xi32, #tpu.memory_space<vmem>> -> memref<1x128xi32, #tpu.memory_space<vmem>>
    %dma_wait3A_748 = tpu.memref_squeeze %dma_wait3A_747 : memref<1x128xi32, #tpu.memory_space<vmem>> -> memref<128xi32, #tpu.memory_space<vmem>>
    %dma_wait3A_749 = arith.constant 0 : i32
    %dma_wait3A_750 = tpu.memref_slice %arg2[%dma_wait3A_749] : memref<66560xf32, #tpu.memory_space<hbm>> -> memref<66560xf32, #tpu.memory_space<hbm>>
    tpu.wait_indirect_dma semaphore(%arg13 : memref<!tpu.dma_semaphore, #tpu.memory_space<semaphore_mem>>) src(%dma_wait3A_750 : memref<66560xf32, #tpu.memory_space<hbm>>) dst(%dma_wait3A_745 : memref<128xf32, #tpu.memory_space<vmem>>)
    %dma_wait3A_751 = arith.constant 15 : i32
    %dma_wait3A_752 = arith.constant 1920 : i32
    %dma_wait3A_753 = tpu.memref_slice %arg11[%dma_wait3A_752] : memref<2048xf32, #tpu.memory_space<vmem>> -> memref<128xf32, #tpu.memory_space<vmem>>
    %dma_wait3A_754 = arith.constant 0 : i32
    %dma_wait3A_755 = tpu.memref_slice %arg9[%dma_wait3A_751, %dma_wait3A_754] : memref<16x128xi32, #tpu.memory_space<vmem>> -> memref<1x128xi32, #tpu.memory_space<vmem>>
    %dma_wait3A_756 = tpu.memref_squeeze %dma_wait3A_755 : memref<1x128xi32, #tpu.memory_space<vmem>> -> memref<128xi32, #tpu.memory_space<vmem>>
    %dma_wait3A_757 = arith.constant 0 : i32
    %dma_wait3A_758 = tpu.memref_slice %arg3[%dma_wait3A_757] : memref<66560xf32, #tpu.memory_space<hbm>> -> memref<66560xf32, #tpu.memory_space<hbm>>
    tpu.wait_indirect_dma semaphore(%arg13 : memref<!tpu.dma_semaphore, #tpu.memory_space<semaphore_mem>>) src(%dma_wait3A_758 : memref<66560xf32, #tpu.memory_space<hbm>>) dst(%dma_wait3A_753 : memref<128xf32, #tpu.memory_space<vmem>>)
    %dma_wait3A_759 = arith.constant 15 : i32
    %dma_wait3A_760 = arith.constant 1920 : i32
    %dma_wait3A_761 = tpu.memref_slice %arg12[%dma_wait3A_760] : memref<2048xf32, #tpu.memory_space<vmem>> -> memref<128xf32, #tpu.memory_space<vmem>>
    %dma_wait3A_762 = arith.constant 0 : i32
    %dma_wait3A_763 = tpu.memref_slice %arg9[%dma_wait3A_759, %dma_wait3A_762] : memref<16x128xi32, #tpu.memory_space<vmem>> -> memref<1x128xi32, #tpu.memory_space<vmem>>
    %dma_wait3A_764 = tpu.memref_squeeze %dma_wait3A_763 : memref<1x128xi32, #tpu.memory_space<vmem>> -> memref<128xi32, #tpu.memory_space<vmem>>
    %dma_wait3A_765 = arith.constant 0 : i32
    %dma_wait3A_766 = tpu.memref_slice %arg4[%dma_wait3A_765] : memref<66560xf32, #tpu.memory_space<hbm>> -> memref<66560xf32, #tpu.memory_space<hbm>>
    tpu.wait_indirect_dma semaphore(%arg13 : memref<!tpu.dma_semaphore, #tpu.memory_space<semaphore_mem>>) src(%dma_wait3A_766 : memref<66560xf32, #tpu.memory_space<hbm>>) dst(%dma_wait3A_761 : memref<128xf32, #tpu.memory_space<vmem>>)
    "tpu.region"() ({
      %run_scoped3A = tpu.sem_alloc : memref<!tpu.dma_semaphore, #tpu.memory_space<semaphore_mem>>
      %dma_start3A_767 = arith.constant 0 : i32
      %dma_start3A_768 = tpu.memref_slice %arg6[%add3A, %dma_start3A_767] : memref<32x2048xf32, #tpu.memory_space<hbm>> -> memref<1x2048xf32, #tpu.memory_space<hbm>>
      %dma_start3A_769 = tpu.memref_squeeze %dma_start3A_768 : memref<1x2048xf32, #tpu.memory_space<hbm>> -> memref<2048xf32, #tpu.memory_space<hbm>>
      %dma_start3A_770 = arith.constant 0 : i32
      %dma_start3A_771 = tpu.memref_slice %arg6[%add3A, %dma_start3A_770] : memref<32x2048xf32, #tpu.memory_space<hbm>> -> memref<1x2048xf32, #tpu.memory_space<hbm>>
      %dma_start3A_772 = tpu.memref_squeeze %dma_start3A_771 : memref<1x2048xf32, #tpu.memory_space<hbm>> -> memref<2048xf32, #tpu.memory_space<hbm>>
      tpu.enqueue_dma source(%arg10 : memref<2048xf32, #tpu.memory_space<vmem>>) target(%dma_start3A_772 : memref<2048xf32, #tpu.memory_space<hbm>>) target_semaphore(%run_scoped3A : memref<!tpu.dma_semaphore, #tpu.memory_space<semaphore_mem>>)
      %dma_wait3A_773 = arith.constant 0 : i32
      %dma_wait3A_774 = tpu.memref_slice %arg6[%add3A, %dma_wait3A_773] : memref<32x2048xf32, #tpu.memory_space<hbm>> -> memref<1x2048xf32, #tpu.memory_space<hbm>>
      %dma_wait3A_775 = tpu.memref_squeeze %dma_wait3A_774 : memref<1x2048xf32, #tpu.memory_space<hbm>> -> memref<2048xf32, #tpu.memory_space<hbm>>
      %dma_wait3A_776 = arith.constant 0 : i32
      %dma_wait3A_777 = tpu.memref_slice %arg6[%add3A, %dma_wait3A_776] : memref<32x2048xf32, #tpu.memory_space<hbm>> -> memref<1x2048xf32, #tpu.memory_space<hbm>>
      %dma_wait3A_778 = tpu.memref_squeeze %dma_wait3A_777 : memref<1x2048xf32, #tpu.memory_space<hbm>> -> memref<2048xf32, #tpu.memory_space<hbm>>
      tpu.wait_dma2 semaphore(%run_scoped3A : memref<!tpu.dma_semaphore, #tpu.memory_space<semaphore_mem>>) src(%arg10 : memref<2048xf32, #tpu.memory_space<vmem>>) dst(%dma_wait3A_778 : memref<2048xf32, #tpu.memory_space<hbm>>)
      tpu.yield
    }) : () -> ()
    "tpu.region"() ({
      %run_scoped3A = tpu.sem_alloc : memref<!tpu.dma_semaphore, #tpu.memory_space<semaphore_mem>>
      %dma_start3A_767 = arith.constant 0 : i32
      %dma_start3A_768 = tpu.memref_slice %arg7[%add3A, %dma_start3A_767] : memref<32x2048xf32, #tpu.memory_space<hbm>> -> memref<1x2048xf32, #tpu.memory_space<hbm>>
      %dma_start3A_769 = tpu.memref_squeeze %dma_start3A_768 : memref<1x2048xf32, #tpu.memory_space<hbm>> -> memref<2048xf32, #tpu.memory_space<hbm>>
      %dma_start3A_770 = arith.constant 0 : i32
      %dma_start3A_771 = tpu.memref_slice %arg7[%add3A, %dma_start3A_770] : memref<32x2048xf32, #tpu.memory_space<hbm>> -> memref<1x2048xf32, #tpu.memory_space<hbm>>
      %dma_start3A_772 = tpu.memref_squeeze %dma_start3A_771 : memref<1x2048xf32, #tpu.memory_space<hbm>> -> memref<2048xf32, #tpu.memory_space<hbm>>
      tpu.enqueue_dma source(%arg11 : memref<2048xf32, #tpu.memory_space<vmem>>) target(%dma_start3A_772 : memref<2048xf32, #tpu.memory_space<hbm>>) target_semaphore(%run_scoped3A : memref<!tpu.dma_semaphore, #tpu.memory_space<semaphore_mem>>)
      %dma_wait3A_773 = arith.constant 0 : i32
      %dma_wait3A_774 = tpu.memref_slice %arg7[%add3A, %dma_wait3A_773] : memref<32x2048xf32, #tpu.memory_space<hbm>> -> memref<1x2048xf32, #tpu.memory_space<hbm>>
      %dma_wait3A_775 = tpu.memref_squeeze %dma_wait3A_774 : memref<1x2048xf32, #tpu.memory_space<hbm>> -> memref<2048xf32, #tpu.memory_space<hbm>>
      %dma_wait3A_776 = arith.constant 0 : i32
      %dma_wait3A_777 = tpu.memref_slice %arg7[%add3A, %dma_wait3A_776] : memref<32x2048xf32, #tpu.memory_space<hbm>> -> memref<1x2048xf32, #tpu.memory_space<hbm>>
      %dma_wait3A_778 = tpu.memref_squeeze %dma_wait3A_777 : memref<1x2048xf32, #tpu.memory_space<hbm>> -> memref<2048xf32, #tpu.memory_space<hbm>>
      tpu.wait_dma2 semaphore(%run_scoped3A : memref<!tpu.dma_semaphore, #tpu.memory_space<semaphore_mem>>) src(%arg11 : memref<2048xf32, #tpu.memory_space<vmem>>) dst(%dma_wait3A_778 : memref<2048xf32, #tpu.memory_space<hbm>>)
      tpu.yield
    }) : () -> ()
    "tpu.region"() ({
      %run_scoped3A = tpu.sem_alloc : memref<!tpu.dma_semaphore, #tpu.memory_space<semaphore_mem>>
      %dma_start3A_767 = arith.constant 0 : i32
      %dma_start3A_768 = tpu.memref_slice %arg8[%add3A, %dma_start3A_767] : memref<32x2048xf32, #tpu.memory_space<hbm>> -> memref<1x2048xf32, #tpu.memory_space<hbm>>
      %dma_start3A_769 = tpu.memref_squeeze %dma_start3A_768 : memref<1x2048xf32, #tpu.memory_space<hbm>> -> memref<2048xf32, #tpu.memory_space<hbm>>
      %dma_start3A_770 = arith.constant 0 : i32
      %dma_start3A_771 = tpu.memref_slice %arg8[%add3A, %dma_start3A_770] : memref<32x2048xf32, #tpu.memory_space<hbm>> -> memref<1x2048xf32, #tpu.memory_space<hbm>>
      %dma_start3A_772 = tpu.memref_squeeze %dma_start3A_771 : memref<1x2048xf32, #tpu.memory_space<hbm>> -> memref<2048xf32, #tpu.memory_space<hbm>>
      tpu.enqueue_dma source(%arg12 : memref<2048xf32, #tpu.memory_space<vmem>>) target(%dma_start3A_772 : memref<2048xf32, #tpu.memory_space<hbm>>) target_semaphore(%run_scoped3A : memref<!tpu.dma_semaphore, #tpu.memory_space<semaphore_mem>>)
      %dma_wait3A_773 = arith.constant 0 : i32
      %dma_wait3A_774 = tpu.memref_slice %arg8[%add3A, %dma_wait3A_773] : memref<32x2048xf32, #tpu.memory_space<hbm>> -> memref<1x2048xf32, #tpu.memory_space<hbm>>
      %dma_wait3A_775 = tpu.memref_squeeze %dma_wait3A_774 : memref<1x2048xf32, #tpu.memory_space<hbm>> -> memref<2048xf32, #tpu.memory_space<hbm>>
      %dma_wait3A_776 = arith.constant 0 : i32
      %dma_wait3A_777 = tpu.memref_slice %arg8[%add3A, %dma_wait3A_776] : memref<32x2048xf32, #tpu.memory_space<hbm>> -> memref<1x2048xf32, #tpu.memory_space<hbm>>
      %dma_wait3A_778 = tpu.memref_squeeze %dma_wait3A_777 : memref<1x2048xf32, #tpu.memory_space<hbm>> -> memref<2048xf32, #tpu.memory_space<hbm>>
      tpu.wait_dma2 semaphore(%run_scoped3A : memref<!tpu.dma_semaphore, #tpu.memory_space<semaphore_mem>>) src(%arg12 : memref<2048xf32, #tpu.memory_space<vmem>>) dst(%dma_wait3A_778 : memref<2048xf32, #tpu.memory_space<hbm>>)
      tpu.yield
    }) : () -> ()
    return
  }
}

module attributes {stable_mosaic.version = 14 : i64} {
  func.func @_fps_body(%arg0: memref<8x8320xf32, #tpu.memory_space<vmem>>, %arg1: memref<8x8320xf32, #tpu.memory_space<vmem>>, %arg2: memref<8x8320xf32, #tpu.memory_space<vmem>>, %arg3: memref<8x512xf32, #tpu.memory_space<vmem>>, %arg4: memref<8x512xf32, #tpu.memory_space<vmem>>, %arg5: memref<8x512xf32, #tpu.memory_space<vmem>>, %arg6: memref<8x8320xf32, #tpu.memory_space<vmem>>, %arg7: memref<8x8320xbf16, #tpu.memory_space<vmem>>, %arg8: memref<8x8320xbf16, #tpu.memory_space<vmem>>, %arg9: memref<8x8320xbf16, #tpu.memory_space<vmem>>, %arg10: memref<8x8320xf32, #tpu.memory_space<vmem>>) attributes {dimension_semantics = [], scalar_prefetch = 0 : i64, scratch_operands = 1 : i64, tpu.core_type = #tpu.core_type<tc>} {
    %get3A = arith.constant 0 : index
    %get3A_0 = arith.constant 0 : index
    %get3A_1 = vector.load %arg0[%get3A, %get3A_0] : memref<8x8320xf32, #tpu.memory_space<vmem>>, vector<8x8320xf32>
    %get3A_2 = arith.constant 0 : index
    %get3A_3 = arith.constant 0 : index
    %get3A_4 = vector.load %arg1[%get3A_2, %get3A_3] : memref<8x8320xf32, #tpu.memory_space<vmem>>, vector<8x8320xf32>
    %get3A_5 = arith.constant 0 : index
    %get3A_6 = arith.constant 0 : index
    %get3A_7 = vector.load %arg2[%get3A_5, %get3A_6] : memref<8x8320xf32, #tpu.memory_space<vmem>>, vector<8x8320xf32>
    %mul3A = arith.mulf %get3A_1, %get3A_1 : vector<8x8320xf32>
    %mul3A_8 = arith.mulf %get3A_4, %get3A_4 : vector<8x8320xf32>
    %add3A = arith.addf %mul3A, %mul3A_8 : vector<8x8320xf32>
    %mul3A_9 = arith.mulf %get3A_7, %get3A_7 : vector<8x8320xf32>
    %add3A_10 = arith.addf %add3A, %mul3A_9 : vector<8x8320xf32>
    %swap3A = arith.constant 0 : index
    %swap3A_11 = arith.constant 0 : index
    %swap3A_12 = vector.load %arg6[%swap3A, %swap3A_11] : memref<8x8320xf32, #tpu.memory_space<vmem>>, vector<8x8320xf32>
    tpu.vector_store %arg6[%swap3A, %swap3A_11], %add3A_10 {strides = array<i32>} : memref<8x8320xf32, #tpu.memory_space<vmem>>, vector<8x8320xf32>,
    %convert_element_type3A = arith.truncf %get3A_1 : vector<8x8320xf32> to vector<8x8320xbf16>
    %swap3A_13 = arith.constant 0 : index
    %swap3A_14 = arith.constant 0 : index
    %swap3A_15 = vector.load %arg7[%swap3A_13, %swap3A_14] : memref<8x8320xbf16, #tpu.memory_space<vmem>>, vector<8x8320xbf16>
    tpu.vector_store %arg7[%swap3A_13, %swap3A_14], %convert_element_type3A {strides = array<i32>} : memref<8x8320xbf16, #tpu.memory_space<vmem>>, vector<8x8320xbf16>,
    %convert_element_type3A_16 = arith.truncf %get3A_4 : vector<8x8320xf32> to vector<8x8320xbf16>
    %swap3A_17 = arith.constant 0 : index
    %swap3A_18 = arith.constant 0 : index
    %swap3A_19 = vector.load %arg8[%swap3A_17, %swap3A_18] : memref<8x8320xbf16, #tpu.memory_space<vmem>>, vector<8x8320xbf16>
    tpu.vector_store %arg8[%swap3A_17, %swap3A_18], %convert_element_type3A_16 {strides = array<i32>} : memref<8x8320xbf16, #tpu.memory_space<vmem>>, vector<8x8320xbf16>,
    %convert_element_type3A_20 = arith.truncf %get3A_7 : vector<8x8320xf32> to vector<8x8320xbf16>
    %swap3A_21 = arith.constant 0 : index
    %swap3A_22 = arith.constant 0 : index
    %swap3A_23 = vector.load %arg9[%swap3A_21, %swap3A_22] : memref<8x8320xbf16, #tpu.memory_space<vmem>>, vector<8x8320xbf16>
    tpu.vector_store %arg9[%swap3A_21, %swap3A_22], %convert_element_type3A_20 {strides = array<i32>} : memref<8x8320xbf16, #tpu.memory_space<vmem>>, vector<8x8320xbf16>,
    %iota3A = tpu.iota {dimensions = array<i32: 1>} : vector<8x8320xi32>
    %iota3A_24 = tpu.iota {dimensions = array<i32: 1>} : vector<8x512xi32>
    %broadcast_in_dim3A = arith.constant 0.000000e+00 : f32
    %broadcast_in_dim3A_25 = vector.broadcast %broadcast_in_dim3A : f32 to vector<8x512xf32>
    %swap3A_26 = arith.constant 0 : index
    %swap3A_27 = arith.constant 0 : index
    %swap3A_28 = vector.load %arg3[%swap3A_26, %swap3A_27] : memref<8x512xf32, #tpu.memory_space<vmem>>, vector<8x512xf32>
    tpu.vector_store %arg3[%swap3A_26, %swap3A_27], %broadcast_in_dim3A_25 {strides = array<i32>} : memref<8x512xf32, #tpu.memory_space<vmem>>, vector<8x512xf32>,
    %broadcast_in_dim3A_29 = arith.constant 0.000000e+00 : f32
    %broadcast_in_dim3A_30 = vector.broadcast %broadcast_in_dim3A_29 : f32 to vector<8x512xf32>
    %swap3A_31 = arith.constant 0 : index
    %swap3A_32 = arith.constant 0 : index
    %swap3A_33 = vector.load %arg4[%swap3A_31, %swap3A_32] : memref<8x512xf32, #tpu.memory_space<vmem>>, vector<8x512xf32>
    tpu.vector_store %arg4[%swap3A_31, %swap3A_32], %broadcast_in_dim3A_30 {strides = array<i32>} : memref<8x512xf32, #tpu.memory_space<vmem>>, vector<8x512xf32>,
    %broadcast_in_dim3A_34 = arith.constant 0.000000e+00 : f32
    %broadcast_in_dim3A_35 = vector.broadcast %broadcast_in_dim3A_34 : f32 to vector<8x512xf32>
    %swap3A_36 = arith.constant 0 : index
    %swap3A_37 = arith.constant 0 : index
    %swap3A_38 = vector.load %arg5[%swap3A_36, %swap3A_37] : memref<8x512xf32, #tpu.memory_space<vmem>>, vector<8x512xf32>
    tpu.vector_store %arg5[%swap3A_36, %swap3A_37], %broadcast_in_dim3A_35 {strides = array<i32>} : memref<8x512xf32, #tpu.memory_space<vmem>>, vector<8x512xf32>,
    %broadcast_in_dim3A_39 = arith.constant 1.000000e+10 : f32
    %broadcast_in_dim3A_40 = vector.broadcast %broadcast_in_dim3A_39 : f32 to vector<8x8320xf32>
    %swap3A_41 = arith.constant 0 : index
    %swap3A_42 = arith.constant 0 : index
    %swap3A_43 = vector.load %arg10[%swap3A_41, %swap3A_42] : memref<8x8320xf32, #tpu.memory_space<vmem>>, vector<8x8320xf32>
    tpu.vector_store %arg10[%swap3A_41, %swap3A_42], %broadcast_in_dim3A_40 {strides = array<i32>} : memref<8x8320xf32, #tpu.memory_space<vmem>>, vector<8x8320xf32>,
    %broadcast_in_dim3A_44 = arith.constant 0 : i32
    %broadcast_in_dim3A_45 = vector.broadcast %broadcast_in_dim3A_44 : i32 to vector<8x1xi32>
    %scan3A = arith.constant 0 : i32
    %scan3A_46 = arith.constant 512 : i32
    %scan3A_47 = arith.addi %scan3A, %scan3A_46 : i32
    %scan3A_48 = arith.constant 1 : i32
    %scan3A_49 = scf.for %scan3A_51 = %scan3A to %scan3A_47 step %scan3A_48 iter_args(%scan3A_52 = %broadcast_in_dim3A_45) -> (vector<8x1xi32>)  : i32 {
      %eq3A = vector.broadcast %scan3A_52 : vector<8x1xi32> to vector<8x8320xi32>
      %eq3A_53 = arith.cmpi eq, %iota3A, %eq3A : vector<8x8320xi32>
      %jit3A = arith.constant 0.000000e+00 : f32
      %broadcast_in_dim3A_54 = vector.broadcast %jit3A : f32 to vector<8x8320xf32>
      %select_n3A = arith.select %eq3A_53, %get3A_1, %broadcast_in_dim3A_54 : vector<8x8320xi1>, vector<8x8320xf32>
      %reduce_sum3A = arith.constant dense<0.000000e+00> : vector<8xf32>
      %reduce_sum3A_55 = vector.multi_reduction <add>, %select_n3A, %reduce_sum3A [1] : vector<8x8320xf32> to vector<8xf32>
      %broadcast_in_dim3A_56 = vector.shape_cast %reduce_sum3A_55 : vector<8xf32> to vector<8x1xf32>
      %jit3A_57 = arith.constant 0.000000e+00 : f32
      %broadcast_in_dim3A_58 = vector.broadcast %jit3A_57 : f32 to vector<8x8320xf32>
      %select_n3A_59 = arith.select %eq3A_53, %get3A_4, %broadcast_in_dim3A_58 : vector<8x8320xi1>, vector<8x8320xf32>
      %reduce_sum3A_60 = arith.constant dense<0.000000e+00> : vector<8xf32>
      %reduce_sum3A_61 = vector.multi_reduction <add>, %select_n3A_59, %reduce_sum3A_60 [1] : vector<8x8320xf32> to vector<8xf32>
      %broadcast_in_dim3A_62 = vector.shape_cast %reduce_sum3A_61 : vector<8xf32> to vector<8x1xf32>
      %jit3A_63 = arith.constant 0.000000e+00 : f32
      %broadcast_in_dim3A_64 = vector.broadcast %jit3A_63 : f32 to vector<8x8320xf32>
      %select_n3A_65 = arith.select %eq3A_53, %get3A_7, %broadcast_in_dim3A_64 : vector<8x8320xi1>, vector<8x8320xf32>
      %reduce_sum3A_66 = arith.constant dense<0.000000e+00> : vector<8xf32>
      %reduce_sum3A_67 = vector.multi_reduction <add>, %select_n3A_65, %reduce_sum3A_66 [1] : vector<8x8320xf32> to vector<8xf32>
      %broadcast_in_dim3A_68 = vector.shape_cast %reduce_sum3A_67 : vector<8xf32> to vector<8x1xf32>
      %eq3A_69 = vector.broadcast %scan3A_51 : i32 to vector<8x512xi32>
      %eq3A_70 = arith.cmpi eq, %iota3A_24, %eq3A_69 : vector<8x512xi32>
      %get3A_71 = arith.constant 0 : index
      %get3A_72 = arith.constant 0 : index
      %get3A_73 = vector.load %arg3[%get3A_71, %get3A_72] : memref<8x512xf32, #tpu.memory_space<vmem>>, vector<8x512xf32>
      %jit3A_74 = arith.constant 0.000000e+00 : f32
      %broadcast_in_dim3A_75 = vector.shape_cast %broadcast_in_dim3A_56 : vector<8x1xf32> to vector<8x1xf32>
      %broadcast_in_dim3A_76 = vector.broadcast %broadcast_in_dim3A_75 : vector<8x1xf32> to vector<8x512xf32>
      %broadcast_in_dim3A_77 = vector.broadcast %jit3A_74 : f32 to vector<8x512xf32>
      %select_n3A_78 = arith.select %eq3A_70, %broadcast_in_dim3A_76, %broadcast_in_dim3A_77 : vector<8x512xi1>, vector<8x512xf32>
      %add3A_79 = arith.addf %get3A_73, %select_n3A_78 : vector<8x512xf32>
      %swap3A_80 = arith.constant 0 : index
      %swap3A_81 = arith.constant 0 : index
      %swap3A_82 = vector.load %arg3[%swap3A_80, %swap3A_81] : memref<8x512xf32, #tpu.memory_space<vmem>>, vector<8x512xf32>
      tpu.vector_store %arg3[%swap3A_80, %swap3A_81], %add3A_79 {strides = array<i32>} : memref<8x512xf32, #tpu.memory_space<vmem>>, vector<8x512xf32>,
      %get3A_83 = arith.constant 0 : index
      %get3A_84 = arith.constant 0 : index
      %get3A_85 = vector.load %arg4[%get3A_83, %get3A_84] : memref<8x512xf32, #tpu.memory_space<vmem>>, vector<8x512xf32>
      %jit3A_86 = arith.constant 0.000000e+00 : f32
      %broadcast_in_dim3A_87 = vector.shape_cast %broadcast_in_dim3A_62 : vector<8x1xf32> to vector<8x1xf32>
      %broadcast_in_dim3A_88 = vector.broadcast %broadcast_in_dim3A_87 : vector<8x1xf32> to vector<8x512xf32>
      %broadcast_in_dim3A_89 = vector.broadcast %jit3A_86 : f32 to vector<8x512xf32>
      %select_n3A_90 = arith.select %eq3A_70, %broadcast_in_dim3A_88, %broadcast_in_dim3A_89 : vector<8x512xi1>, vector<8x512xf32>
      %add3A_91 = arith.addf %get3A_85, %select_n3A_90 : vector<8x512xf32>
      %swap3A_92 = arith.constant 0 : index
      %swap3A_93 = arith.constant 0 : index
      %swap3A_94 = vector.load %arg4[%swap3A_92, %swap3A_93] : memref<8x512xf32, #tpu.memory_space<vmem>>, vector<8x512xf32>
      tpu.vector_store %arg4[%swap3A_92, %swap3A_93], %add3A_91 {strides = array<i32>} : memref<8x512xf32, #tpu.memory_space<vmem>>, vector<8x512xf32>,
      %get3A_95 = arith.constant 0 : index
      %get3A_96 = arith.constant 0 : index
      %get3A_97 = vector.load %arg5[%get3A_95, %get3A_96] : memref<8x512xf32, #tpu.memory_space<vmem>>, vector<8x512xf32>
      %jit3A_98 = arith.constant 0.000000e+00 : f32
      %broadcast_in_dim3A_99 = vector.shape_cast %broadcast_in_dim3A_68 : vector<8x1xf32> to vector<8x1xf32>
      %broadcast_in_dim3A_100 = vector.broadcast %broadcast_in_dim3A_99 : vector<8x1xf32> to vector<8x512xf32>
      %broadcast_in_dim3A_101 = vector.broadcast %jit3A_98 : f32 to vector<8x512xf32>
      %select_n3A_102 = arith.select %eq3A_70, %broadcast_in_dim3A_100, %broadcast_in_dim3A_101 : vector<8x512xi1>, vector<8x512xf32>
      %add3A_103 = arith.addf %get3A_97, %select_n3A_102 : vector<8x512xf32>
      %swap3A_104 = arith.constant 0 : index
      %swap3A_105 = arith.constant 0 : index
      %swap3A_106 = vector.load %arg5[%swap3A_104, %swap3A_105] : memref<8x512xf32, #tpu.memory_space<vmem>>, vector<8x512xf32>
      tpu.vector_store %arg5[%swap3A_104, %swap3A_105], %add3A_103 {strides = array<i32>} : memref<8x512xf32, #tpu.memory_space<vmem>>, vector<8x512xf32>,
      %sub3A = vector.broadcast %broadcast_in_dim3A_56 : vector<8x1xf32> to vector<8x8320xf32>
      %sub3A_107 = arith.subf %get3A_1, %sub3A : vector<8x8320xf32>
      %sub3A_108 = vector.broadcast %broadcast_in_dim3A_62 : vector<8x1xf32> to vector<8x8320xf32>
      %sub3A_109 = arith.subf %get3A_4, %sub3A_108 : vector<8x8320xf32>
      %sub3A_110 = vector.broadcast %broadcast_in_dim3A_68 : vector<8x1xf32> to vector<8x8320xf32>
      %sub3A_111 = arith.subf %get3A_7, %sub3A_110 : vector<8x8320xf32>
      %mul3A_112 = arith.mulf %sub3A_107, %sub3A_107 : vector<8x8320xf32>
      %mul3A_113 = arith.mulf %sub3A_109, %sub3A_109 : vector<8x8320xf32>
      %add3A_114 = arith.addf %mul3A_112, %mul3A_113 : vector<8x8320xf32>
      %mul3A_115 = arith.mulf %sub3A_111, %sub3A_111 : vector<8x8320xf32>
      %add3A_116 = arith.addf %add3A_114, %mul3A_115 : vector<8x8320xf32>
      %get3A_117 = arith.constant 0 : index
      %get3A_118 = arith.constant 0 : index
      %get3A_119 = vector.load %arg10[%get3A_117, %get3A_118] : memref<8x8320xf32, #tpu.memory_space<vmem>>, vector<8x8320xf32>
      %min3A = arith.minimumf %get3A_119, %add3A_116 : vector<8x8320xf32>
      %swap3A_120 = arith.constant 0 : index
      %swap3A_121 = arith.constant 0 : index
      %swap3A_122 = vector.load %arg10[%swap3A_120, %swap3A_121] : memref<8x8320xf32, #tpu.memory_space<vmem>>, vector<8x8320xf32>
      tpu.vector_store %arg10[%swap3A_120, %swap3A_121], %min3A {strides = array<i32>} : memref<8x8320xf32, #tpu.memory_space<vmem>>, vector<8x8320xf32>,
      %argmax3A = tpu.reduce_index %min3A {axis = 1 : i32, kind = #tpu.reduction_kind<arg_max>} : vector<8x8320xf32> -> vector<8xi32>
      %broadcast_in_dim3A_123 = vector.shape_cast %argmax3A : vector<8xi32> to vector<8x1xi32>
      scf.yield %broadcast_in_dim3A_123 : vector<8x1xi32>
    }
    %scan3A_50 = arith.constant 512 : i32
    return
  }
}

module attributes {stable_mosaic.version = 14 : i64} {
  func.func @_knn_body(%arg0: i32, %arg1: i32, %arg2: memref<1x1x8320xbf16, #tpu.memory_space<vmem>>, %arg3: memref<1x1x8320xbf16, #tpu.memory_space<vmem>>, %arg4: memref<1x1x8320xbf16, #tpu.memory_space<vmem>>, %arg5: memref<1x1x8320xf32, #tpu.memory_space<vmem>>, %arg6: memref<1x1x512xf32, #tpu.memory_space<vmem>>, %arg7: memref<1x1x512xf32, #tpu.memory_space<vmem>>, %arg8: memref<1x1x512xf32, #tpu.memory_space<vmem>>, %arg9: memref<1x512x16xi32, #tpu.memory_space<vmem>>, %arg10: memref<512x8320xf32, #tpu.memory_space<vmem>>) attributes {dimension_semantics = [#tpu.dimension_semantics<arbitrary>, #tpu.dimension_semantics<arbitrary>], iteration_bounds = array<i64: 8, 1>, scalar_prefetch = 0 : i64, scratch_operands = 1 : i64, tpu.core_type = #tpu.core_type<tc>, window_params = [{transform_indices = @transform_0, window_bounds = array<i64: 1, 1, 8320>}, {transform_indices = @transform_1, window_bounds = array<i64: 1, 1, 8320>}, {transform_indices = @transform_2, window_bounds = array<i64: 1, 1, 8320>}, {transform_indices = @transform_3, window_bounds = array<i64: 1, 1, 8320>}, {transform_indices = @transform_4, window_bounds = array<i64: 1, 1, 512>}, {transform_indices = @transform_5, window_bounds = array<i64: 1, 1, 512>}, {transform_indices = @transform_6, window_bounds = array<i64: 1, 1, 512>}, {transform_indices = @transform_7, window_bounds = array<i64: 1, 512, 16>}]} {
    %get3A = arith.constant 0 : index
    %get3A_0 = arith.constant 0 : index
    %get3A_1 = arith.constant 0 : index
    %get3A_2 = vector.load %arg2[%get3A, %get3A_0, %get3A_1] : memref<1x1x8320xbf16, #tpu.memory_space<vmem>>, vector<1x1x8320xbf16>
    %get3A_3 = vector.shape_cast %get3A_2 : vector<1x1x8320xbf16> to vector<1x8320xbf16>
    %get3A_4 = arith.constant 0 : index
    %get3A_5 = arith.constant 0 : index
    %get3A_6 = arith.constant 0 : index
    %get3A_7 = vector.load %arg3[%get3A_4, %get3A_5, %get3A_6] : memref<1x1x8320xbf16, #tpu.memory_space<vmem>>, vector<1x1x8320xbf16>
    %get3A_8 = vector.shape_cast %get3A_7 : vector<1x1x8320xbf16> to vector<1x8320xbf16>
    %get3A_9 = arith.constant 0 : index
    %get3A_10 = arith.constant 0 : index
    %get3A_11 = arith.constant 0 : index
    %get3A_12 = vector.load %arg4[%get3A_9, %get3A_10, %get3A_11] : memref<1x1x8320xbf16, #tpu.memory_space<vmem>>, vector<1x1x8320xbf16>
    %get3A_13 = vector.shape_cast %get3A_12 : vector<1x1x8320xbf16> to vector<1x8320xbf16>
    %concatenate3A = tpu.concatenate %get3A_3, %get3A_8, %get3A_13 in 0 : vector<1x8320xbf16>, vector<1x8320xbf16>, vector<1x8320xbf16> -> vector<3x8320xbf16>
    %get3A_14 = arith.constant 0 : index
    %get3A_15 = arith.constant 0 : index
    %get3A_16 = arith.constant 0 : index
    %get3A_17 = vector.load %arg6[%get3A_14, %get3A_15, %get3A_16] : memref<1x1x512xf32, #tpu.memory_space<vmem>>, vector<1x1x512xf32>
    %get3A_18 = vector.shape_cast %get3A_17 : vector<1x1x512xf32> to vector<1x512xf32>
    %get3A_19 = arith.constant 0 : index
    %get3A_20 = arith.constant 0 : index
    %get3A_21 = arith.constant 0 : index
    %get3A_22 = vector.load %arg7[%get3A_19, %get3A_20, %get3A_21] : memref<1x1x512xf32, #tpu.memory_space<vmem>>, vector<1x1x512xf32>
    %get3A_23 = vector.shape_cast %get3A_22 : vector<1x1x512xf32> to vector<1x512xf32>
    %get3A_24 = arith.constant 0 : index
    %get3A_25 = arith.constant 0 : index
    %get3A_26 = arith.constant 0 : index
    %get3A_27 = vector.load %arg8[%get3A_24, %get3A_25, %get3A_26] : memref<1x1x512xf32, #tpu.memory_space<vmem>>, vector<1x1x512xf32>
    %get3A_28 = vector.shape_cast %get3A_27 : vector<1x1x512xf32> to vector<1x512xf32>
    %concatenate3A_29 = tpu.concatenate %get3A_18, %get3A_23, %get3A_28 in 0 : vector<1x512xf32>, vector<1x512xf32>, vector<1x512xf32> -> vector<3x512xf32>
    %transpose3A = tpu.transpose %concatenate3A_29, [1, 0] : vector<3x512xf32> -> vector<512x3xf32>
    %convert_element_type3A = arith.truncf %transpose3A : vector<512x3xf32> to vector<512x3xbf16>
    %dot_general3A = arith.constant dense<0.000000e+00> : vector<512x8320xf32>
    %dot_general3A_30 = tpu.matmul %convert_element_type3A, %concatenate3A, %dot_general3A {dimension_numbers = #tpu.dot_dimension_numbers<[1], [0], [0], [1], [0, 0, 1, 1], [], []>, transpose_lhs_hint = false} : vector<512x3xbf16>, vector<3x8320xbf16>, vector<512x8320xf32> -> vector<512x8320xf32>
    %slice3A = vector.extract_strided_slice %transpose3A {offsets = [0, 0], sizes = [512, 1], strides = [1, 1]} : vector<512x3xf32> to vector<512x1xf32>
    %slice3A_31 = vector.extract_strided_slice %transpose3A {offsets = [0, 1], sizes = [512, 1], strides = [1, 1]} : vector<512x3xf32> to vector<512x1xf32>
    %slice3A_32 = vector.extract_strided_slice %transpose3A {offsets = [0, 2], sizes = [512, 1], strides = [1, 1]} : vector<512x3xf32> to vector<512x1xf32>
    %mul3A = arith.mulf %slice3A, %slice3A : vector<512x1xf32>
    %mul3A_33 = arith.mulf %slice3A_31, %slice3A_31 : vector<512x1xf32>
    %add3A = arith.addf %mul3A, %mul3A_33 : vector<512x1xf32>
    %mul3A_34 = arith.mulf %slice3A_32, %slice3A_32 : vector<512x1xf32>
    %add3A_35 = arith.addf %add3A, %mul3A_34 : vector<512x1xf32>
    %mul3A_36 = arith.constant 2.000000e+00 : f32
    %mul3A_37 = vector.broadcast %mul3A_36 : f32 to vector<512x8320xf32>
    %mul3A_38 = arith.mulf %mul3A_37, %dot_general3A_30 : vector<512x8320xf32>
    %get3A_39 = arith.constant 0 : index
    %get3A_40 = arith.constant 0 : index
    %get3A_41 = arith.constant 0 : index
    %get3A_42 = vector.load %arg5[%get3A_39, %get3A_40, %get3A_41] : memref<1x1x8320xf32, #tpu.memory_space<vmem>>, vector<1x1x8320xf32>
    %get3A_43 = vector.shape_cast %get3A_42 : vector<1x1x8320xf32> to vector<1x8320xf32>
    %add3A_44 = vector.broadcast %add3A_35 : vector<512x1xf32> to vector<512x8320xf32>
    %add3A_45 = vector.broadcast %get3A_43 : vector<1x8320xf32> to vector<512x8320xf32>
    %add3A_46 = arith.addf %add3A_44, %add3A_45 : vector<512x8320xf32>
    %sub3A = arith.subf %mul3A_38, %add3A_46 : vector<512x8320xf32>
    %swap3A = arith.constant 0 : index
    %swap3A_47 = arith.constant 0 : index
    %swap3A_48 = vector.load %arg10[%swap3A, %swap3A_47] : memref<512x8320xf32, #tpu.memory_space<vmem>>, vector<512x8320xf32>
    tpu.vector_store %arg10[%swap3A, %swap3A_47], %sub3A {strides = array<i32>} : memref<512x8320xf32, #tpu.memory_space<vmem>>, vector<512x8320xf32>,
    %iota3A = tpu.iota {dimensions = array<i32: 1>} : vector<512x8320xi32>
    %broadcast_in_dim3A = arith.constant -1 : i32
    %broadcast_in_dim3A_49 = vector.broadcast %broadcast_in_dim3A : i32 to vector<512x1xi32>
    %broadcast_in_dim3A_50 = arith.constant 0 : i32
    %broadcast_in_dim3A_51 = vector.broadcast %broadcast_in_dim3A_50 : i32 to vector<512x16xi32>
    %scan3A = arith.constant 0 : i32
    %scan3A_52 = arith.constant 16 : i32
    %scan3A_53 = arith.addi %scan3A, %scan3A_52 : i32
    %scan3A_54 = arith.constant 1 : i32
    %scan3A_55:2 = scf.for %scan3A_67 = %scan3A to %scan3A_53 step %scan3A_54 iter_args(%scan3A_68 = %broadcast_in_dim3A_49, %scan3A_69 = %broadcast_in_dim3A_51) -> (vector<512x1xi32>, vector<512x16xi32>)  : i32 {
      %eq3A = vector.broadcast %scan3A_68 : vector<512x1xi32> to vector<512x8320xi32>
      %eq3A_70 = arith.cmpi eq, %iota3A, %eq3A : vector<512x8320xi32>
      %get3A_71 = arith.constant 0 : index
      %get3A_72 = arith.constant 0 : index
      %get3A_73 = vector.load %arg10[%get3A_71, %get3A_72] : memref<512x8320xf32, #tpu.memory_space<vmem>>, vector<512x8320xf32>
      %jit3A = arith.constant 0xFF800000 : f32
      %broadcast_in_dim3A_74 = vector.broadcast %jit3A : f32 to vector<512x8320xf32>
      %select_n3A = arith.select %eq3A_70, %broadcast_in_dim3A_74, %get3A_73 : vector<512x8320xi1>, vector<512x8320xf32>
      %swap3A_75 = arith.constant 0 : index
      %swap3A_76 = arith.constant 0 : index
      %swap3A_77 = vector.load %arg10[%swap3A_75, %swap3A_76] : memref<512x8320xf32, #tpu.memory_space<vmem>>, vector<512x8320xf32>
      tpu.vector_store %arg10[%swap3A_75, %swap3A_76], %select_n3A {strides = array<i32>} : memref<512x8320xf32, #tpu.memory_space<vmem>>, vector<512x8320xf32>,
      %argmax3A = tpu.reduce_index %select_n3A {axis = 1 : i32, kind = #tpu.reduction_kind<arg_max>} : vector<512x8320xf32> -> vector<512xi32>
      %broadcast_in_dim3A_78 = vector.shape_cast %argmax3A : vector<512xi32> to vector<512x1xi32>
      %iota3A_79 = tpu.iota {dimensions = array<i32: 1>} : vector<512x16xi32>
      %eq3A_80 = vector.broadcast %scan3A_67 : i32 to vector<512x16xi32>
      %eq3A_81 = arith.cmpi eq, %iota3A_79, %eq3A_80 : vector<512x16xi32>
      %broadcast_in_dim3A_82 = vector.shape_cast %broadcast_in_dim3A_78 : vector<512x1xi32> to vector<512x1xi32>
      %broadcast_in_dim3A_83 = vector.broadcast %broadcast_in_dim3A_82 : vector<512x1xi32> to vector<512x16xi32>
      %select_n3A_84 = arith.select %eq3A_81, %broadcast_in_dim3A_83, %scan3A_69 : vector<512x16xi1>, vector<512x16xi32>
      scf.yield %broadcast_in_dim3A_78, %select_n3A_84 : vector<512x1xi32>, vector<512x16xi32>
    }
    %scan3A_56 = arith.constant 16 : i32
    %mul3A_57 = arith.constant 8320 : i32
    %mul3A_58 = arith.muli %arg0, %mul3A_57 : i32
    %add3A_59 = vector.broadcast %mul3A_58 : i32 to vector<512x16xi32>
    %add3A_60 = arith.addi %scan3A_55#1, %add3A_59 : vector<512x16xi32>
    %swap3A_61 = arith.constant 0 : index
    %swap3A_62 = arith.constant 0 : index
    %swap3A_63 = arith.constant 0 : index
    %swap3A_64 = vector.load %arg9[%swap3A_61, %swap3A_62, %swap3A_63] : memref<1x512x16xi32, #tpu.memory_space<vmem>>, vector<1x512x16xi32>
    %swap3A_65 = vector.shape_cast %swap3A_64 : vector<1x512x16xi32> to vector<512x16xi32>
    %swap3A_66 = vector.shape_cast %add3A_60 : vector<512x16xi32> to vector<1x512x16xi32>
    tpu.vector_store %arg9[%swap3A_61, %swap3A_62, %swap3A_63], %swap3A_66 {strides = array<i32>} : memref<1x512x16xi32, #tpu.memory_space<vmem>>, vector<1x512x16xi32>,
    return
  }
  func.func @transform_0(%arg0: i32, %arg1: i32) -> (i32, i32, i32) {
    %c0_i32 = arith.constant 0 : i32
    %c0_i32_0 = arith.constant 0 : i32
    %c0_i32_1 = arith.constant 0 : i32
    return %arg0, %c0_i32, %c0_i32_0 : i32, i32, i32
  }
  func.func @transform_1(%arg0: i32, %arg1: i32) -> (i32, i32, i32) {
    %c0_i32 = arith.constant 0 : i32
    %c0_i32_0 = arith.constant 0 : i32
    %c0_i32_1 = arith.constant 0 : i32
    return %arg0, %c0_i32, %c0_i32_0 : i32, i32, i32
  }
  func.func @transform_2(%arg0: i32, %arg1: i32) -> (i32, i32, i32) {
    %c0_i32 = arith.constant 0 : i32
    %c0_i32_0 = arith.constant 0 : i32
    %c0_i32_1 = arith.constant 0 : i32
    return %arg0, %c0_i32, %c0_i32_0 : i32, i32, i32
  }
  func.func @transform_3(%arg0: i32, %arg1: i32) -> (i32, i32, i32) {
    %c0_i32 = arith.constant 0 : i32
    %c0_i32_0 = arith.constant 0 : i32
    %c0_i32_1 = arith.constant 0 : i32
    return %arg0, %c0_i32, %c0_i32_0 : i32, i32, i32
  }
  func.func @transform_4(%arg0: i32, %arg1: i32) -> (i32, i32, i32) {
    %mul3A = arith.constant 1 : i32
    %mul3A_0 = arith.muli %arg0, %mul3A : i32
    %add3A = arith.addi %mul3A_0, %arg1 : i32
    %c0_i32 = arith.constant 0 : i32
    %c0_i32_1 = arith.constant 0 : i32
    %c0_i32_2 = arith.constant 0 : i32
    return %add3A, %c0_i32, %c0_i32_1 : i32, i32, i32
  }
  func.func @transform_5(%arg0: i32, %arg1: i32) -> (i32, i32, i32) {
    %mul3A = arith.constant 1 : i32
    %mul3A_0 = arith.muli %arg0, %mul3A : i32
    %add3A = arith.addi %mul3A_0, %arg1 : i32
    %c0_i32 = arith.constant 0 : i32
    %c0_i32_1 = arith.constant 0 : i32
    %c0_i32_2 = arith.constant 0 : i32
    return %add3A, %c0_i32, %c0_i32_1 : i32, i32, i32
  }
  func.func @transform_6(%arg0: i32, %arg1: i32) -> (i32, i32, i32) {
    %mul3A = arith.constant 1 : i32
    %mul3A_0 = arith.muli %arg0, %mul3A : i32
    %add3A = arith.addi %mul3A_0, %arg1 : i32
    %c0_i32 = arith.constant 0 : i32
    %c0_i32_1 = arith.constant 0 : i32
    %c0_i32_2 = arith.constant 0 : i32
    return %add3A, %c0_i32, %c0_i32_1 : i32, i32, i32
  }
  func.func @transform_7(%arg0: i32, %arg1: i32) -> (i32, i32, i32) {
    %mul3A = arith.constant 1 : i32
    %mul3A_0 = arith.muli %arg0, %mul3A : i32
    %add3A = arith.addi %mul3A_0, %arg1 : i32
    %c0_i32 = arith.constant 0 : i32
    %c0_i32_1 = arith.constant 0 : i32
    %c0_i32_2 = arith.constant 0 : i32
    return %add3A, %c0_i32, %c0_i32_1 : i32, i32, i32
  }
}

module attributes {stable_mosaic.version = 14 : i64} {
  func.func @_mlp_body(%arg0: i32, %arg1: memref<1x1x8192xf32, #tpu.memory_space<vmem>>, %arg2: memref<1x1x8192xf32, #tpu.memory_space<vmem>>, %arg3: memref<1x1x8192xf32, #tpu.memory_space<vmem>>, %arg4: memref<1x1x512xf32, #tpu.memory_space<vmem>>, %arg5: memref<1x1x512xf32, #tpu.memory_space<vmem>>, %arg6: memref<1x1x512xf32, #tpu.memory_space<vmem>>, %arg7: memref<64x3xf32, #tpu.memory_space<vmem>>, %arg8: memref<64x3xf32, #tpu.memory_space<vmem>>, %arg9: memref<64x1xf32, #tpu.memory_space<vmem>>, %arg10: memref<128x64xf32, #tpu.memory_space<vmem>>, %arg11: memref<128x1xf32, #tpu.memory_space<vmem>>, %arg12: memref<1x128x512xf32, #tpu.memory_space<vmem>>) attributes {dimension_semantics = [#tpu.dimension_semantics<arbitrary>], iteration_bounds = array<i64: 8>, scalar_prefetch = 0 : i64, scratch_operands = 0 : i64, tpu.core_type = #tpu.core_type<tc>, window_params = [{transform_indices = @transform_0, window_bounds = array<i64: 1, 1, 8192>}, {transform_indices = @transform_1, window_bounds = array<i64: 1, 1, 8192>}, {transform_indices = @transform_2, window_bounds = array<i64: 1, 1, 8192>}, {transform_indices = @transform_3, window_bounds = array<i64: 1, 1, 512>}, {transform_indices = @transform_4, window_bounds = array<i64: 1, 1, 512>}, {transform_indices = @transform_5, window_bounds = array<i64: 1, 1, 512>}, {pipeline_mode = #tpu.pipeline_mode<synchronous>, transform_indices = @transform_6, window_bounds = array<i64: 64, 3>}, {pipeline_mode = #tpu.pipeline_mode<synchronous>, transform_indices = @transform_7, window_bounds = array<i64: 64, 3>}, {pipeline_mode = #tpu.pipeline_mode<synchronous>, transform_indices = @transform_8, window_bounds = array<i64: 64, 1>}, {pipeline_mode = #tpu.pipeline_mode<synchronous>, transform_indices = @transform_9, window_bounds = array<i64: 128, 64>}, {pipeline_mode = #tpu.pipeline_mode<synchronous>, transform_indices = @transform_10, window_bounds = array<i64: 128, 1>}, {transform_indices = @transform_11, window_bounds = array<i64: 1, 128, 512>}]} {
    %get3A = arith.constant 0 : index
    %get3A_0 = arith.constant 0 : index
    %get3A_1 = arith.constant 0 : index
    %get3A_2 = vector.load %arg1[%get3A, %get3A_0, %get3A_1] : memref<1x1x8192xf32, #tpu.memory_space<vmem>>, vector<1x1x8192xf32>
    %get3A_3 = vector.shape_cast %get3A_2 : vector<1x1x8192xf32> to vector<1x8192xf32>
    %get3A_4 = arith.constant 0 : index
    %get3A_5 = arith.constant 0 : index
    %get3A_6 = arith.constant 0 : index
    %get3A_7 = vector.load %arg2[%get3A_4, %get3A_5, %get3A_6] : memref<1x1x8192xf32, #tpu.memory_space<vmem>>, vector<1x1x8192xf32>
    %get3A_8 = vector.shape_cast %get3A_7 : vector<1x1x8192xf32> to vector<1x8192xf32>
    %get3A_9 = arith.constant 0 : index
    %get3A_10 = arith.constant 0 : index
    %get3A_11 = arith.constant 0 : index
    %get3A_12 = vector.load %arg3[%get3A_9, %get3A_10, %get3A_11] : memref<1x1x8192xf32, #tpu.memory_space<vmem>>, vector<1x1x8192xf32>
    %get3A_13 = vector.shape_cast %get3A_12 : vector<1x1x8192xf32> to vector<1x8192xf32>
    %concatenate3A = tpu.concatenate %get3A_3, %get3A_8, %get3A_13 in 0 : vector<1x8192xf32>, vector<1x8192xf32>, vector<1x8192xf32> -> vector<3x8192xf32>
    %get3A_14 = arith.constant 0 : index
    %get3A_15 = arith.constant 0 : index
    %get3A_16 = arith.constant 0 : index
    %get3A_17 = vector.load %arg4[%get3A_14, %get3A_15, %get3A_16] : memref<1x1x512xf32, #tpu.memory_space<vmem>>, vector<1x1x512xf32>
    %get3A_18 = vector.shape_cast %get3A_17 : vector<1x1x512xf32> to vector<1x512xf32>
    %get3A_19 = arith.constant 0 : index
    %get3A_20 = arith.constant 0 : index
    %get3A_21 = arith.constant 0 : index
    %get3A_22 = vector.load %arg5[%get3A_19, %get3A_20, %get3A_21] : memref<1x1x512xf32, #tpu.memory_space<vmem>>, vector<1x1x512xf32>
    %get3A_23 = vector.shape_cast %get3A_22 : vector<1x1x512xf32> to vector<1x512xf32>
    %get3A_24 = arith.constant 0 : index
    %get3A_25 = arith.constant 0 : index
    %get3A_26 = arith.constant 0 : index
    %get3A_27 = vector.load %arg6[%get3A_24, %get3A_25, %get3A_26] : memref<1x1x512xf32, #tpu.memory_space<vmem>>, vector<1x1x512xf32>
    %get3A_28 = vector.shape_cast %get3A_27 : vector<1x1x512xf32> to vector<1x512xf32>
    %concatenate3A_29 = tpu.concatenate %get3A_18, %get3A_23, %get3A_28 in 0 : vector<1x512xf32>, vector<1x512xf32>, vector<1x512xf32> -> vector<3x512xf32>
    %get3A_30 = arith.constant 0 : index
    %get3A_31 = arith.constant 0 : index
    %get3A_32 = vector.load %arg7[%get3A_30, %get3A_31] : memref<64x3xf32, #tpu.memory_space<vmem>>, vector<64x3xf32>
    %convert_element_type3A = arith.truncf %get3A_32 : vector<64x3xf32> to vector<64x3xbf16>
    %convert_element_type3A_33 = arith.truncf %concatenate3A : vector<3x8192xf32> to vector<3x8192xbf16>
    %dot_general3A = arith.constant dense<0.000000e+00> : vector<64x8192xf32>
    %dot_general3A_34 = tpu.matmul %convert_element_type3A, %convert_element_type3A_33, %dot_general3A {dimension_numbers = #tpu.dot_dimension_numbers<[1], [0], [0], [1], [0, 0, 1, 1], [], []>, transpose_lhs_hint = false} : vector<64x3xbf16>, vector<3x8192xbf16>, vector<64x8192xf32> -> vector<64x8192xf32>
    %get3A_35 = arith.constant 0 : index
    %get3A_36 = arith.constant 0 : index
    %get3A_37 = vector.load %arg8[%get3A_35, %get3A_36] : memref<64x3xf32, #tpu.memory_space<vmem>>, vector<64x3xf32>
    %convert_element_type3A_38 = arith.truncf %get3A_37 : vector<64x3xf32> to vector<64x3xbf16>
    %convert_element_type3A_39 = arith.truncf %concatenate3A_29 : vector<3x512xf32> to vector<3x512xbf16>
    %dot_general3A_40 = arith.constant dense<0.000000e+00> : vector<64x512xf32>
    %dot_general3A_41 = tpu.matmul %convert_element_type3A_38, %convert_element_type3A_39, %dot_general3A_40 {dimension_numbers = #tpu.dot_dimension_numbers<[1], [0], [0], [1], [0, 0, 1, 1], [], []>, transpose_lhs_hint = false} : vector<64x3xbf16>, vector<3x512xbf16>, vector<64x512xf32> -> vector<64x512xf32>
    %get3A_42 = arith.constant 0 : index
    %get3A_43 = arith.constant 0 : index
    %get3A_44 = vector.load %arg9[%get3A_42, %get3A_43] : memref<64x1xf32, #tpu.memory_space<vmem>>, vector<64x1xf32>
    %sub3A = vector.broadcast %get3A_44 : vector<64x1xf32> to vector<64x512xf32>
    %sub3A_45 = arith.subf %sub3A, %dot_general3A_41 : vector<64x512xf32>
    %get3A_46 = arith.constant 0 : index
    %get3A_47 = arith.constant 0 : index
    %get3A_48 = vector.load %arg10[%get3A_46, %get3A_47] : memref<128x64xf32, #tpu.memory_space<vmem>>, vector<128x64xf32>
    %convert_element_type3A_49 = arith.truncf %get3A_48 : vector<128x64xf32> to vector<128x64xbf16>
    %slice3A = vector.extract_strided_slice %dot_general3A_34 {offsets = [0, 0], sizes = [64, 512], strides = [1, 1]} : vector<64x8192xf32> to vector<64x512xf32>
    %add3A = arith.addf %slice3A, %sub3A_45 : vector<64x512xf32>
    %max3A = arith.constant 0.000000e+00 : f32
    %max3A_50 = vector.broadcast %max3A : f32 to vector<64x512xf32>
    %max3A_51 = arith.maximumf %add3A, %max3A_50 : vector<64x512xf32>
    %convert_element_type3A_52 = arith.truncf %max3A_51 : vector<64x512xf32> to vector<64x512xbf16>
    %dot_general3A_53 = arith.constant dense<0.000000e+00> : vector<128x512xf32>
    %dot_general3A_54 = tpu.matmul %convert_element_type3A_49, %convert_element_type3A_52, %dot_general3A_53 {dimension_numbers = #tpu.dot_dimension_numbers<[1], [0], [0], [1], [0, 0, 1, 1], [], []>, transpose_lhs_hint = false} : vector<128x64xbf16>, vector<64x512xbf16>, vector<128x512xf32> -> vector<128x512xf32>
    %slice3A_55 = vector.extract_strided_slice %dot_general3A_34 {offsets = [0, 512], sizes = [64, 512], strides = [1, 1]} : vector<64x8192xf32> to vector<64x512xf32>
    %add3A_56 = arith.addf %slice3A_55, %sub3A_45 : vector<64x512xf32>
    %max3A_57 = arith.constant 0.000000e+00 : f32
    %max3A_58 = vector.broadcast %max3A_57 : f32 to vector<64x512xf32>
    %max3A_59 = arith.maximumf %add3A_56, %max3A_58 : vector<64x512xf32>
    %convert_element_type3A_60 = arith.truncf %max3A_59 : vector<64x512xf32> to vector<64x512xbf16>
    %dot_general3A_61 = arith.constant dense<0.000000e+00> : vector<128x512xf32>
    %dot_general3A_62 = tpu.matmul %convert_element_type3A_49, %convert_element_type3A_60, %dot_general3A_61 {dimension_numbers = #tpu.dot_dimension_numbers<[1], [0], [0], [1], [0, 0, 1, 1], [], []>, transpose_lhs_hint = false} : vector<128x64xbf16>, vector<64x512xbf16>, vector<128x512xf32> -> vector<128x512xf32>
    %max3A_63 = arith.maximumf %dot_general3A_54, %dot_general3A_62 : vector<128x512xf32>
    %slice3A_64 = vector.extract_strided_slice %dot_general3A_34 {offsets = [0, 1024], sizes = [64, 512], strides = [1, 1]} : vector<64x8192xf32> to vector<64x512xf32>
    %add3A_65 = arith.addf %slice3A_64, %sub3A_45 : vector<64x512xf32>
    %max3A_66 = arith.constant 0.000000e+00 : f32
    %max3A_67 = vector.broadcast %max3A_66 : f32 to vector<64x512xf32>
    %max3A_68 = arith.maximumf %add3A_65, %max3A_67 : vector<64x512xf32>
    %convert_element_type3A_69 = arith.truncf %max3A_68 : vector<64x512xf32> to vector<64x512xbf16>
    %dot_general3A_70 = arith.constant dense<0.000000e+00> : vector<128x512xf32>
    %dot_general3A_71 = tpu.matmul %convert_element_type3A_49, %convert_element_type3A_69, %dot_general3A_70 {dimension_numbers = #tpu.dot_dimension_numbers<[1], [0], [0], [1], [0, 0, 1, 1], [], []>, transpose_lhs_hint = false} : vector<128x64xbf16>, vector<64x512xbf16>, vector<128x512xf32> -> vector<128x512xf32>
    %max3A_72 = arith.maximumf %max3A_63, %dot_general3A_71 : vector<128x512xf32>
    %slice3A_73 = vector.extract_strided_slice %dot_general3A_34 {offsets = [0, 1536], sizes = [64, 512], strides = [1, 1]} : vector<64x8192xf32> to vector<64x512xf32>
    %add3A_74 = arith.addf %slice3A_73, %sub3A_45 : vector<64x512xf32>
    %max3A_75 = arith.constant 0.000000e+00 : f32
    %max3A_76 = vector.broadcast %max3A_75 : f32 to vector<64x512xf32>
    %max3A_77 = arith.maximumf %add3A_74, %max3A_76 : vector<64x512xf32>
    %convert_element_type3A_78 = arith.truncf %max3A_77 : vector<64x512xf32> to vector<64x512xbf16>
    %dot_general3A_79 = arith.constant dense<0.000000e+00> : vector<128x512xf32>
    %dot_general3A_80 = tpu.matmul %convert_element_type3A_49, %convert_element_type3A_78, %dot_general3A_79 {dimension_numbers = #tpu.dot_dimension_numbers<[1], [0], [0], [1], [0, 0, 1, 1], [], []>, transpose_lhs_hint = false} : vector<128x64xbf16>, vector<64x512xbf16>, vector<128x512xf32> -> vector<128x512xf32>
    %max3A_81 = arith.maximumf %max3A_72, %dot_general3A_80 : vector<128x512xf32>
    %slice3A_82 = vector.extract_strided_slice %dot_general3A_34 {offsets = [0, 2048], sizes = [64, 512], strides = [1, 1]} : vector<64x8192xf32> to vector<64x512xf32>
    %add3A_83 = arith.addf %slice3A_82, %sub3A_45 : vector<64x512xf32>
    %max3A_84 = arith.constant 0.000000e+00 : f32
    %max3A_85 = vector.broadcast %max3A_84 : f32 to vector<64x512xf32>
    %max3A_86 = arith.maximumf %add3A_83, %max3A_85 : vector<64x512xf32>
    %convert_element_type3A_87 = arith.truncf %max3A_86 : vector<64x512xf32> to vector<64x512xbf16>
    %dot_general3A_88 = arith.constant dense<0.000000e+00> : vector<128x512xf32>
    %dot_general3A_89 = tpu.matmul %convert_element_type3A_49, %convert_element_type3A_87, %dot_general3A_88 {dimension_numbers = #tpu.dot_dimension_numbers<[1], [0], [0], [1], [0, 0, 1, 1], [], []>, transpose_lhs_hint = false} : vector<128x64xbf16>, vector<64x512xbf16>, vector<128x512xf32> -> vector<128x512xf32>
    %max3A_90 = arith.maximumf %max3A_81, %dot_general3A_89 : vector<128x512xf32>
    %slice3A_91 = vector.extract_strided_slice %dot_general3A_34 {offsets = [0, 2560], sizes = [64, 512], strides = [1, 1]} : vector<64x8192xf32> to vector<64x512xf32>
    %add3A_92 = arith.addf %slice3A_91, %sub3A_45 : vector<64x512xf32>
    %max3A_93 = arith.constant 0.000000e+00 : f32
    %max3A_94 = vector.broadcast %max3A_93 : f32 to vector<64x512xf32>
    %max3A_95 = arith.maximumf %add3A_92, %max3A_94 : vector<64x512xf32>
    %convert_element_type3A_96 = arith.truncf %max3A_95 : vector<64x512xf32> to vector<64x512xbf16>
    %dot_general3A_97 = arith.constant dense<0.000000e+00> : vector<128x512xf32>
    %dot_general3A_98 = tpu.matmul %convert_element_type3A_49, %convert_element_type3A_96, %dot_general3A_97 {dimension_numbers = #tpu.dot_dimension_numbers<[1], [0], [0], [1], [0, 0, 1, 1], [], []>, transpose_lhs_hint = false} : vector<128x64xbf16>, vector<64x512xbf16>, vector<128x512xf32> -> vector<128x512xf32>
    %max3A_99 = arith.maximumf %max3A_90, %dot_general3A_98 : vector<128x512xf32>
    %slice3A_100 = vector.extract_strided_slice %dot_general3A_34 {offsets = [0, 3072], sizes = [64, 512], strides = [1, 1]} : vector<64x8192xf32> to vector<64x512xf32>
    %add3A_101 = arith.addf %slice3A_100, %sub3A_45 : vector<64x512xf32>
    %max3A_102 = arith.constant 0.000000e+00 : f32
    %max3A_103 = vector.broadcast %max3A_102 : f32 to vector<64x512xf32>
    %max3A_104 = arith.maximumf %add3A_101, %max3A_103 : vector<64x512xf32>
    %convert_element_type3A_105 = arith.truncf %max3A_104 : vector<64x512xf32> to vector<64x512xbf16>
    %dot_general3A_106 = arith.constant dense<0.000000e+00> : vector<128x512xf32>
    %dot_general3A_107 = tpu.matmul %convert_element_type3A_49, %convert_element_type3A_105, %dot_general3A_106 {dimension_numbers = #tpu.dot_dimension_numbers<[1], [0], [0], [1], [0, 0, 1, 1], [], []>, transpose_lhs_hint = false} : vector<128x64xbf16>, vector<64x512xbf16>, vector<128x512xf32> -> vector<128x512xf32>
    %max3A_108 = arith.maximumf %max3A_99, %dot_general3A_107 : vector<128x512xf32>
    %slice3A_109 = vector.extract_strided_slice %dot_general3A_34 {offsets = [0, 3584], sizes = [64, 512], strides = [1, 1]} : vector<64x8192xf32> to vector<64x512xf32>
    %add3A_110 = arith.addf %slice3A_109, %sub3A_45 : vector<64x512xf32>
    %max3A_111 = arith.constant 0.000000e+00 : f32
    %max3A_112 = vector.broadcast %max3A_111 : f32 to vector<64x512xf32>
    %max3A_113 = arith.maximumf %add3A_110, %max3A_112 : vector<64x512xf32>
    %convert_element_type3A_114 = arith.truncf %max3A_113 : vector<64x512xf32> to vector<64x512xbf16>
    %dot_general3A_115 = arith.constant dense<0.000000e+00> : vector<128x512xf32>
    %dot_general3A_116 = tpu.matmul %convert_element_type3A_49, %convert_element_type3A_114, %dot_general3A_115 {dimension_numbers = #tpu.dot_dimension_numbers<[1], [0], [0], [1], [0, 0, 1, 1], [], []>, transpose_lhs_hint = false} : vector<128x64xbf16>, vector<64x512xbf16>, vector<128x512xf32> -> vector<128x512xf32>
    %max3A_117 = arith.maximumf %max3A_108, %dot_general3A_116 : vector<128x512xf32>
    %slice3A_118 = vector.extract_strided_slice %dot_general3A_34 {offsets = [0, 4096], sizes = [64, 512], strides = [1, 1]} : vector<64x8192xf32> to vector<64x512xf32>
    %add3A_119 = arith.addf %slice3A_118, %sub3A_45 : vector<64x512xf32>
    %max3A_120 = arith.constant 0.000000e+00 : f32
    %max3A_121 = vector.broadcast %max3A_120 : f32 to vector<64x512xf32>
    %max3A_122 = arith.maximumf %add3A_119, %max3A_121 : vector<64x512xf32>
    %convert_element_type3A_123 = arith.truncf %max3A_122 : vector<64x512xf32> to vector<64x512xbf16>
    %dot_general3A_124 = arith.constant dense<0.000000e+00> : vector<128x512xf32>
    %dot_general3A_125 = tpu.matmul %convert_element_type3A_49, %convert_element_type3A_123, %dot_general3A_124 {dimension_numbers = #tpu.dot_dimension_numbers<[1], [0], [0], [1], [0, 0, 1, 1], [], []>, transpose_lhs_hint = false} : vector<128x64xbf16>, vector<64x512xbf16>, vector<128x512xf32> -> vector<128x512xf32>
    %max3A_126 = arith.maximumf %max3A_117, %dot_general3A_125 : vector<128x512xf32>
    %slice3A_127 = vector.extract_strided_slice %dot_general3A_34 {offsets = [0, 4608], sizes = [64, 512], strides = [1, 1]} : vector<64x8192xf32> to vector<64x512xf32>
    %add3A_128 = arith.addf %slice3A_127, %sub3A_45 : vector<64x512xf32>
    %max3A_129 = arith.constant 0.000000e+00 : f32
    %max3A_130 = vector.broadcast %max3A_129 : f32 to vector<64x512xf32>
    %max3A_131 = arith.maximumf %add3A_128, %max3A_130 : vector<64x512xf32>
    %convert_element_type3A_132 = arith.truncf %max3A_131 : vector<64x512xf32> to vector<64x512xbf16>
    %dot_general3A_133 = arith.constant dense<0.000000e+00> : vector<128x512xf32>
    %dot_general3A_134 = tpu.matmul %convert_element_type3A_49, %convert_element_type3A_132, %dot_general3A_133 {dimension_numbers = #tpu.dot_dimension_numbers<[1], [0], [0], [1], [0, 0, 1, 1], [], []>, transpose_lhs_hint = false} : vector<128x64xbf16>, vector<64x512xbf16>, vector<128x512xf32> -> vector<128x512xf32>
    %max3A_135 = arith.maximumf %max3A_126, %dot_general3A_134 : vector<128x512xf32>
    %slice3A_136 = vector.extract_strided_slice %dot_general3A_34 {offsets = [0, 5120], sizes = [64, 512], strides = [1, 1]} : vector<64x8192xf32> to vector<64x512xf32>
    %add3A_137 = arith.addf %slice3A_136, %sub3A_45 : vector<64x512xf32>
    %max3A_138 = arith.constant 0.000000e+00 : f32
    %max3A_139 = vector.broadcast %max3A_138 : f32 to vector<64x512xf32>
    %max3A_140 = arith.maximumf %add3A_137, %max3A_139 : vector<64x512xf32>
    %convert_element_type3A_141 = arith.truncf %max3A_140 : vector<64x512xf32> to vector<64x512xbf16>
    %dot_general3A_142 = arith.constant dense<0.000000e+00> : vector<128x512xf32>
    %dot_general3A_143 = tpu.matmul %convert_element_type3A_49, %convert_element_type3A_141, %dot_general3A_142 {dimension_numbers = #tpu.dot_dimension_numbers<[1], [0], [0], [1], [0, 0, 1, 1], [], []>, transpose_lhs_hint = false} : vector<128x64xbf16>, vector<64x512xbf16>, vector<128x512xf32> -> vector<128x512xf32>
    %max3A_144 = arith.maximumf %max3A_135, %dot_general3A_143 : vector<128x512xf32>
    %slice3A_145 = vector.extract_strided_slice %dot_general3A_34 {offsets = [0, 5632], sizes = [64, 512], strides = [1, 1]} : vector<64x8192xf32> to vector<64x512xf32>
    %add3A_146 = arith.addf %slice3A_145, %sub3A_45 : vector<64x512xf32>
    %max3A_147 = arith.constant 0.000000e+00 : f32
    %max3A_148 = vector.broadcast %max3A_147 : f32 to vector<64x512xf32>
    %max3A_149 = arith.maximumf %add3A_146, %max3A_148 : vector<64x512xf32>
    %convert_element_type3A_150 = arith.truncf %max3A_149 : vector<64x512xf32> to vector<64x512xbf16>
    %dot_general3A_151 = arith.constant dense<0.000000e+00> : vector<128x512xf32>
    %dot_general3A_152 = tpu.matmul %convert_element_type3A_49, %convert_element_type3A_150, %dot_general3A_151 {dimension_numbers = #tpu.dot_dimension_numbers<[1], [0], [0], [1], [0, 0, 1, 1], [], []>, transpose_lhs_hint = false} : vector<128x64xbf16>, vector<64x512xbf16>, vector<128x512xf32> -> vector<128x512xf32>
    %max3A_153 = arith.maximumf %max3A_144, %dot_general3A_152 : vector<128x512xf32>
    %slice3A_154 = vector.extract_strided_slice %dot_general3A_34 {offsets = [0, 6144], sizes = [64, 512], strides = [1, 1]} : vector<64x8192xf32> to vector<64x512xf32>
    %add3A_155 = arith.addf %slice3A_154, %sub3A_45 : vector<64x512xf32>
    %max3A_156 = arith.constant 0.000000e+00 : f32
    %max3A_157 = vector.broadcast %max3A_156 : f32 to vector<64x512xf32>
    %max3A_158 = arith.maximumf %add3A_155, %max3A_157 : vector<64x512xf32>
    %convert_element_type3A_159 = arith.truncf %max3A_158 : vector<64x512xf32> to vector<64x512xbf16>
    %dot_general3A_160 = arith.constant dense<0.000000e+00> : vector<128x512xf32>
    %dot_general3A_161 = tpu.matmul %convert_element_type3A_49, %convert_element_type3A_159, %dot_general3A_160 {dimension_numbers = #tpu.dot_dimension_numbers<[1], [0], [0], [1], [0, 0, 1, 1], [], []>, transpose_lhs_hint = false} : vector<128x64xbf16>, vector<64x512xbf16>, vector<128x512xf32> -> vector<128x512xf32>
    %max3A_162 = arith.maximumf %max3A_153, %dot_general3A_161 : vector<128x512xf32>
    %slice3A_163 = vector.extract_strided_slice %dot_general3A_34 {offsets = [0, 6656], sizes = [64, 512], strides = [1, 1]} : vector<64x8192xf32> to vector<64x512xf32>
    %add3A_164 = arith.addf %slice3A_163, %sub3A_45 : vector<64x512xf32>
    %max3A_165 = arith.constant 0.000000e+00 : f32
    %max3A_166 = vector.broadcast %max3A_165 : f32 to vector<64x512xf32>
    %max3A_167 = arith.maximumf %add3A_164, %max3A_166 : vector<64x512xf32>
    %convert_element_type3A_168 = arith.truncf %max3A_167 : vector<64x512xf32> to vector<64x512xbf16>
    %dot_general3A_169 = arith.constant dense<0.000000e+00> : vector<128x512xf32>
    %dot_general3A_170 = tpu.matmul %convert_element_type3A_49, %convert_element_type3A_168, %dot_general3A_169 {dimension_numbers = #tpu.dot_dimension_numbers<[1], [0], [0], [1], [0, 0, 1, 1], [], []>, transpose_lhs_hint = false} : vector<128x64xbf16>, vector<64x512xbf16>, vector<128x512xf32> -> vector<128x512xf32>
    %max3A_171 = arith.maximumf %max3A_162, %dot_general3A_170 : vector<128x512xf32>
    %slice3A_172 = vector.extract_strided_slice %dot_general3A_34 {offsets = [0, 7168], sizes = [64, 512], strides = [1, 1]} : vector<64x8192xf32> to vector<64x512xf32>
    %add3A_173 = arith.addf %slice3A_172, %sub3A_45 : vector<64x512xf32>
    %max3A_174 = arith.constant 0.000000e+00 : f32
    %max3A_175 = vector.broadcast %max3A_174 : f32 to vector<64x512xf32>
    %max3A_176 = arith.maximumf %add3A_173, %max3A_175 : vector<64x512xf32>
    %convert_element_type3A_177 = arith.truncf %max3A_176 : vector<64x512xf32> to vector<64x512xbf16>
    %dot_general3A_178 = arith.constant dense<0.000000e+00> : vector<128x512xf32>
    %dot_general3A_179 = tpu.matmul %convert_element_type3A_49, %convert_element_type3A_177, %dot_general3A_178 {dimension_numbers = #tpu.dot_dimension_numbers<[1], [0], [0], [1], [0, 0, 1, 1], [], []>, transpose_lhs_hint = false} : vector<128x64xbf16>, vector<64x512xbf16>, vector<128x512xf32> -> vector<128x512xf32>
    %max3A_180 = arith.maximumf %max3A_171, %dot_general3A_179 : vector<128x512xf32>
    %slice3A_181 = vector.extract_strided_slice %dot_general3A_34 {offsets = [0, 7680], sizes = [64, 512], strides = [1, 1]} : vector<64x8192xf32> to vector<64x512xf32>
    %add3A_182 = arith.addf %slice3A_181, %sub3A_45 : vector<64x512xf32>
    %max3A_183 = arith.constant 0.000000e+00 : f32
    %max3A_184 = vector.broadcast %max3A_183 : f32 to vector<64x512xf32>
    %max3A_185 = arith.maximumf %add3A_182, %max3A_184 : vector<64x512xf32>
    %convert_element_type3A_186 = arith.truncf %max3A_185 : vector<64x512xf32> to vector<64x512xbf16>
    %dot_general3A_187 = arith.constant dense<0.000000e+00> : vector<128x512xf32>
    %dot_general3A_188 = tpu.matmul %convert_element_type3A_49, %convert_element_type3A_186, %dot_general3A_187 {dimension_numbers = #tpu.dot_dimension_numbers<[1], [0], [0], [1], [0, 0, 1, 1], [], []>, transpose_lhs_hint = false} : vector<128x64xbf16>, vector<64x512xbf16>, vector<128x512xf32> -> vector<128x512xf32>
    %max3A_189 = arith.maximumf %max3A_180, %dot_general3A_188 : vector<128x512xf32>
    %get3A_190 = arith.constant 0 : index
    %get3A_191 = arith.constant 0 : index
    %get3A_192 = vector.load %arg11[%get3A_190, %get3A_191] : memref<128x1xf32, #tpu.memory_space<vmem>>, vector<128x1xf32>
    %add3A_193 = vector.broadcast %get3A_192 : vector<128x1xf32> to vector<128x512xf32>
    %add3A_194 = arith.addf %max3A_189, %add3A_193 : vector<128x512xf32>
    %swap3A = arith.constant 0 : index
    %swap3A_195 = arith.constant 0 : index
    %swap3A_196 = arith.constant 0 : index
    %swap3A_197 = vector.load %arg12[%swap3A, %swap3A_195, %swap3A_196] : memref<1x128x512xf32, #tpu.memory_space<vmem>>, vector<1x128x512xf32>
    %swap3A_198 = vector.shape_cast %swap3A_197 : vector<1x128x512xf32> to vector<128x512xf32>
    %swap3A_199 = vector.shape_cast %add3A_194 : vector<128x512xf32> to vector<1x128x512xf32>
    tpu.vector_store %arg12[%swap3A, %swap3A_195, %swap3A_196], %swap3A_199 {strides = array<i32>} : memref<1x128x512xf32, #tpu.memory_space<vmem>>, vector<1x128x512xf32>,
    return
  }
  func.func @transform_0(%arg0: i32) -> (i32, i32, i32) {
    %c0_i32 = arith.constant 0 : i32
    %c0_i32_0 = arith.constant 0 : i32
    %c0_i32_1 = arith.constant 0 : i32
    return %arg0, %c0_i32, %c0_i32_0 : i32, i32, i32
  }
  func.func @transform_1(%arg0: i32) -> (i32, i32, i32) {
    %c0_i32 = arith.constant 0 : i32
    %c0_i32_0 = arith.constant 0 : i32
    %c0_i32_1 = arith.constant 0 : i32
    return %arg0, %c0_i32, %c0_i32_0 : i32, i32, i32
  }
  func.func @transform_2(%arg0: i32) -> (i32, i32, i32) {
    %c0_i32 = arith.constant 0 : i32
    %c0_i32_0 = arith.constant 0 : i32
    %c0_i32_1 = arith.constant 0 : i32
    return %arg0, %c0_i32, %c0_i32_0 : i32, i32, i32
  }
  func.func @transform_3(%arg0: i32) -> (i32, i32, i32) {
    %c0_i32 = arith.constant 0 : i32
    %c0_i32_0 = arith.constant 0 : i32
    %c0_i32_1 = arith.constant 0 : i32
    return %arg0, %c0_i32, %c0_i32_0 : i32, i32, i32
  }
  func.func @transform_4(%arg0: i32) -> (i32, i32, i32) {
    %c0_i32 = arith.constant 0 : i32
    %c0_i32_0 = arith.constant 0 : i32
    %c0_i32_1 = arith.constant 0 : i32
    return %arg0, %c0_i32, %c0_i32_0 : i32, i32, i32
  }
  func.func @transform_5(%arg0: i32) -> (i32, i32, i32) {
    %c0_i32 = arith.constant 0 : i32
    %c0_i32_0 = arith.constant 0 : i32
    %c0_i32_1 = arith.constant 0 : i32
    return %arg0, %c0_i32, %c0_i32_0 : i32, i32, i32
  }
  func.func @transform_6(%arg0: i32) -> (i32, i32) {
    %c0_i32 = arith.constant 0 : i32
    %c0_i32_0 = arith.constant 0 : i32
    %c0_i32_1 = arith.constant 0 : i32
    return %c0_i32, %c0_i32_0 : i32, i32
  }
  func.func @transform_7(%arg0: i32) -> (i32, i32) {
    %c0_i32 = arith.constant 0 : i32
    %c0_i32_0 = arith.constant 0 : i32
    %c0_i32_1 = arith.constant 0 : i32
    return %c0_i32, %c0_i32_0 : i32, i32
  }
  func.func @transform_8(%arg0: i32) -> (i32, i32) {
    %c0_i32 = arith.constant 0 : i32
    %c0_i32_0 = arith.constant 0 : i32
    %c0_i32_1 = arith.constant 0 : i32
    return %c0_i32, %c0_i32_0 : i32, i32
  }
  func.func @transform_9(%arg0: i32) -> (i32, i32) {
    %c0_i32 = arith.constant 0 : i32
    %c0_i32_0 = arith.constant 0 : i32
    %c0_i32_1 = arith.constant 0 : i32
    return %c0_i32, %c0_i32_0 : i32, i32
  }
  func.func @transform_10(%arg0: i32) -> (i32, i32) {
    %c0_i32 = arith.constant 0 : i32
    %c0_i32_0 = arith.constant 0 : i32
    %c0_i32_1 = arith.constant 0 : i32
    return %c0_i32, %c0_i32_0 : i32, i32
  }
  func.func @transform_11(%arg0: i32) -> (i32, i32, i32) {
    %c0_i32 = arith.constant 0 : i32
    %c0_i32_0 = arith.constant 0 : i32
    %c0_i32_1 = arith.constant 0 : i32
    return %arg0, %c0_i32, %c0_i32_0 : i32, i32, i32
  }
}

</mosaic_0001>

<sc_bundles>
// kernel: kernel.6.cloned.1.call-start
scs
__scs_entry_jumppad:
0x0: {  	(pc) =	sbr.rel $0x88, $3  }
0x1: {  	(tag) =	ssettag $0x0;
	lr =	simm.s32 $0x1  }
0x2: {  	[smem:$0x3F9B] =	sst lr;
	_ =	strace $0xD0000000  }
0x3: {  	_ = 	snop  }
0x4: {  	_ = 	snop  }
0x5: {  	_ = 	snop  }
0x6: {  	_ = 	snop  }
0x7: {  	_ = 	snop  }
__scs_overlays_trampoline_lowered:
0x8: {  	[smem:$0x3FAA] =	sst s0  }
0x9: {  	[smem:$0x3FAB] =	sst s1  }
0xa: {  	[smem:$0x3FAC] =	sst s2  }
0xb: {  	[smem:$0x3FAD] =	sst s3  }
0xc: {  	[smem:$0x3FAE] =	sst s4  }
0xd: {  	[smem:$0x3FAF] =	sst s5  }
0xe: {  	[smem:$0x3FB0] =	sst s6  }
0xf: {  	[smem:$0x3FB1] =	sst s7  }
0x10: {  	[smem:$0x3FB2] =	sst s8  }
0x11: {  	[smem:$0x3FB3] =	sst s9;
	s0 =	simm.s32 @!p0 $0x0  }
0x12: {  	s1 =	sld [smem:$0x3F99];
	s0 =	simm.s32 @p0 $0x1  }
0x13: {  	[smem:$0x3FB4] =	sst s0;
	s0 =	simm.s32 @!p1 $0x0  }
0x14: {  	s2 =	sld [smem:$0x3F98];
	s0 =	simm.s32 @p1 $0x1  }
0x15: {  	[smem:$0x3FB5] =	sst s0;
	s0 =	simm.s32 @!p2 $0x0  }
0x16: {  	s3 =	sld [smem:$0x3FDB];
	s0 =	simm.s32 @p2 $0x1  }
0x17: {  	s4 =	simm.s32 $0x1BF5;
	[smem:$0x3FB7] =	sst s0  }
0x18: {  	s0 =	sld [smem:$0x3F9A];
	_ =	swait.ge [sflag:s4], $0x0  }
0x19: {  	s7 =	sld [smem:$0x3F9B]  }
0x1a: {  	s8 =	sadd.s32 $0xFFFFE003, lr  }
0x1b: {  	s9 =	sadd.s32 $0xFFFFFEF7, lr;
	s5 =	simm.s32 $0xFFFFFFFF;
	p2 =	slt.u32 s8, $0xFFFFF086  }
0x1c: {  	p1 =	slt.u32 s9, $0xF7A;
	s5 =	simm.s32 @!p2 $0x0  }
0x1d: {  	s5 =	simm.s32 @p1 $0x1;
	p0 =	seq.s32 s7, s2  }
0x1e: {  	s7 =	smul.u32 @!p0 $0xF7A, s2;
	p2 =	seq.s32 @!p0 s5, $0x0  }
0x1f: {  	s9 =	smul.u32 $0xF7A, s1;
	s8 =	simm.s32 @!p0 $0x1BF5;
	p2 =	por !p2, p0  }
0x20: {  	[sflag:s8] =	ssyncset.s32 @!p0 $0xFFFFF086;
	s6 =	sadd.s32 @!p0 s3, s7;
	s7 =	simm.s32 @!p0 $0x108  }
0x21: {  	s3 =	sadd.s32 s3, s9;
	s6 =	sadd.s32 @!p0 $0x88, s6;
	s7 =	simm.s32 @p2 $0x1082  }
0x22: {  	[simem:s7], [sflag:s8] =	dma.local @!p0 [hbm:s6], $0xF7A  }
0x23: {  	s9 =	sor.u32 $0xD0000000, s2;
	s6 =	simm.s32 $0x108;
	_ =	swait.ge @!p0 [sflag:s8], $0x0  }
0x24: {  	s3 =	sadd.s32 $0x88, s3;
	s6 =	simm.s32 @!p1 $0x1082;
	[sflag:s4] =	ssyncset.s32 $0xFFFFF086  }
0x25: {  	[simem:s6], [sflag:s4] =	dma.local [hbm:s3], $0xF7A  }
0x26: {  	[smem:$0x3F9B] =	sst s1;
	(tag) =	ssettag s2;
	_ =	strace s9  }
0x27: {  	s1 =	sld [smem:$0x3FAB]  }
0x28: {  	s2 =	sld [smem:$0x3FAC]  }
0x29: {  	s4 =	sld [smem:$0x3FAE]  }
0x2a: {  	p0 =	seq.s32 s5, $0x0;
	s5 =	sld [smem:$0x3FAF]  }
0x2b: {  	s6 =	sld [smem:$0x3FB0]  }
0x2c: {  	s7 =	sld [smem:$0x3FB1]  }
0x2d: {  	s3 =	simm.s32 $0x108;
	s8 =	sld [smem:$0x3FB2]  }
0x2e: {  	s3 =	simm.s32 @!p0 $0x1082;
	s9 =	sld [smem:$0x3FB3]  }
0x2f: {  	lr =	sadd.s32 s0, s3;
	s0 =	sld [smem:$0x3FAA]  }
0x30: {  	s3 =	sld [smem:$0x3FAD]  }
0x31: {  	[smem:$0x3FB6] =	sst s10  }
0x32: {  	s10 =	sld [smem:$0x3FB4];
	_ =	sdelay $0x3  }
0x33: {  	p0 =	seq.s32 s10, $0x1;
	s10 =	sld [smem:$0x3FB6];
	_ =	sdelay $0x3  }
0x34: {  	[smem:$0x3FB6] =	sst s10  }
0x35: {  	s10 =	sld [smem:$0x3FB5];
	_ =	sdelay $0x3  }
0x36: {  	p1 =	seq.s32 s10, $0x1;
	s10 =	sld [smem:$0x3FB6];
	_ =	sdelay $0x3  }
0x37: {  	[smem:$0x3FB6] =	sst s10  }
0x38: {  	s10 =	sld [smem:$0x3FB7]  }
0x39: {  	_ = 	snop;
	(pc) =	sbr.ind lr, $3  }
0x3a: {  	_ = 	snop  }
0x3b: {  	_ = 	snop  }
0x3c: {  	p2 =	seq.s32 s10, $0x1;
	s10 =	sld [smem:$0x3FB6]  }
0x3d: {  	_ =	shalt  }
0x3e: {  	_ =	shalt  }
0x3f: {  	_ =	shalt  }
0x40: {  	_ =	shalt  }
0x41: {  	_ =	shalt  }
0x42: {  	_ =	shalt  }
0x43: {  	_ =	shalt  }
0x44: {  	_ =	shalt  }
0x45: {  	_ =	shalt  }
0x46: {  	_ =	shalt  }
0x47: {  	_ =	shalt  }
0x48: {  	_ =	shalt  }
0x49: {  	_ =	shalt  }
0x4a: {  	_ =	shalt  }
0x4b: {  	_ =	shalt  }
0x4c: {  	_ =	shalt  }
0x4d: {  	_ =	shalt  }
0x4e: {  	_ =	shalt  }
0x4f: {  	_ =	shalt  }
0x50: {  	_ =	shalt  }
0x51: {  	_ =	shalt  }
0x52: {  	_ =	shalt  }
0x53: {  	_ =	shalt  }
0x54: {  	_ =	shalt  }
0x55: {  	_ =	shalt  }
0x56: {  	_ =	shalt  }
0x57: {  	_ =	shalt  }
0x58: {  	_ =	shalt  }
0x59: {  	_ =	shalt  }
0x5a: {  	_ =	shalt  }
0x5b: {  	_ =	shalt  }
0x5c: {  	_ =	shalt  }
0x5d: {  	_ =	shalt  }
0x5e: {  	_ =	shalt  }
0x5f: {  	_ =	shalt  }
0x60: {  	_ =	shalt  }
0x61: {  	_ =	shalt  }
0x62: {  	_ =	shalt  }
0x63: {  	_ =	shalt  }
0x64: {  	_ =	shalt  }
0x65: {  	_ =	shalt  }
0x66: {  	_ =	shalt  }
0x67: {  	_ =	shalt  }
0x68: {  	_ =	shalt  }
0x69: {  	_ =	shalt  }
0x6a: {  	_ =	shalt  }
0x6b: {  	_ =	shalt  }
0x6c: {  	_ =	shalt  }
0x6d: {  	_ =	shalt  }
0x6e: {  	_ =	shalt  }
0x6f: {  	_ =	shalt  }
0x70: {  	_ =	shalt  }
0x71: {  	_ =	shalt  }
0x72: {  	_ =	shalt  }
0x73: {  	_ =	shalt  }
0x74: {  	_ =	shalt  }
0x75: {  	_ =	shalt  }
0x76: {  	_ =	shalt  }
0x77: {  	_ =	shalt  }
0x78: {  	_ =	shalt  }
0x79: {  	_ =	shalt  }
0x7a: {  	_ =	shalt  }
0x7b: {  	_ =	shalt  }
0x7c: {  	_ =	shalt  }
0x7d: {  	_ =	shalt  }
0x7e: {  	_ =	shalt  }
0x7f: {  	_ =	shalt  }
0x80: {  	_ =	shalt  }
0x81: {  	_ =	shalt  }
0x82: {  	_ =	shalt  }
0x83: {  	_ =	shalt  }
0x84: {  	_ =	shalt  }
0x85: {  	_ =	shalt  }
0x86: {  	_ =	shalt  }
0x87: {  	_ =	shalt  }
.Lfunc_end0:
.L_simem_size_0:
called_computation_lowered:
.L_overlay_start_0:
0x88: {  	s2 =	sld [smem:$0x3FD9]  }
0x89: {  	s3 =	sld [smem:$0x3FFE];
	_ =	sdelay $0x1  }
0x8a: {  	s1 =	srdreg.scid  }
0x8b: {  	s0 =	sand.u32 $0x1, s1  }
0x8c: {  	s17 =	sshll.u32 s0, $0xA;
	s2 =	sadd.s32 s3, s2  }
0x8d: {  	s2 =	sadd.s32 s2, s17  }
0x8e: {  	[smem:$0x3FC2] =	sst s2  }
0x8f: {  	_ = 	snop  }
0x90: {  	s2 =	sld [smem:$0x3FD0];
	(tm) =	ssettm $0x1  }
0x91: {  	s18 =	sld [smem:$0x3FFB];
	_ =	sdelay $0x3  }
0x92: {  	_ =	strace s18  }
0x93: {  	s3 =	sld [smem:$0x3FFC];
	_ =	sdelay $0x3  }
0x94: {  	_ =	strace s3  }
0x95: {  	s3 =	sld [smem:$0x3FFD];
	_ =	sdelay $0x3  }
0x96: {  	_ =	strace s3  }
0x97: {  	_ =	strace $0x8FFFFFFF  }
0x98: {  	s19 =	sld [smem:$0x3FDB];
	_ =	sdelay $0x1  }
0x99: {  	s4 =	simm.s32 $_scs_section_size  }
0x9a: {  	s5 =	simm.s32 $_size__tile_overlayer_lowered;
	s6 =	simm.s32 $_tile_overlayer_lowered  }
0x9b: {  	s22 =	simm.s32 $0x1BFF;
	s21 =	sshll.u32 s6, $0x1;
	s3 =	sadd.s32 s4, s19  }
0x9c: {  	s7 =	simm.s32 $0x0;
	s20 =	sshll.u32 s5, $0x1;
	s5 =	sadd.s32 s21, s3  }
0x9d: {  	[timem:s7], [sflag:s22] =	dma.local [hbm:s5], s20  }
0x9e: {  	_ =	swait.ge [sflag:s22], s20  }
0x9f: {  	s4 =	ssub.s32 $0x0, s20;
	[sflag:s22] =	ssyncset.done $0x0  }
0xa0: {  	[sflag:s22] =	ssyncadd.s32 s4;
	_ =	sdelay $0x1  }
0xa1: {  	s23 =	simm.s32 $0x1B8B  }
0xa2: {  	_ =	swait.ge [sflag:s23], $0x1  }
0xa3: {  	[sflag:s23] =	ssyncset.done $0x0  }
0xa4: {  	s25 =	simm.s32 $0x1B8E;
	s24 =	sld [smem:$0x3FFE];
	[sflag:s23] =	ssyncadd.s32 $0xFFFFFFFF  }
0xa5: {  	s26 =	simm.s32 $execute0_lowered;
	[smem:$0x3FD2] =	sst s25  }
0xa6: {  	s5 =	sshll.u32 s26, $0x1;
	_ =	strace $0x80000046;
	[dreg:$0x1] =	wrdreg $0xFFFFFFFF  }
0xa7: {  	s28 =	simm.s32 $_size_execute0_lowered;
	s3 =	sadd.s32 s3, s5;
	[dreg:$0x0] =	wrdreg $0x0  }
0xa8: {  	s5 =	sshll.u32 s28, $0x1;
	[dreg:$0x2] =	wrdreg s3  }
0xa9: {  	[dreg:$0x3] =	wrdreg s5  }
0xaa: {  	[dreg:$0x4] =	wrdreg $0xC0  }
0xab: {  	_ =	task [dreg:s7], $0x5FFFF  }
0xac: {  	[dreg:$0x1] =	wrdreg $0xFFFFFFFF  }
0xad: {  	[dreg:$0x0] =	wrdreg $0x60  }
0xae: {  	[dreg:$0x2] =	wrdreg s2  }
0xaf: {  	[dreg:$0x3] =	wrdreg s24  }
0xb0: {  	[dreg:$0x4] =	wrdreg $0x9  }
0xb1: {  	_ =	task.clear_ibuf [dreg:s7], $0x5FFFF;
	_ =	strace $0x90000046  }
0xb2: {  	s29 =	simm.s32 $0x9;
	_ =	strace $0x80000048  }
0xb3: {  	_ =	swait.ge [sflag:s29], $0x1  }
0xb4: {  	[sflag:s29] =	ssyncadd.s32 $0xFFFFFFFF  }
0xb5: {  	_ =	strace $0x90000048  }
0xb6: {  	_ =	sfence  }
0xb7: {  	s30 =	sld [smem:$0x0];
	_ =	sdelay $0x2  }
0xb8: {  	s31 =	sshll.u32 s1, $0xD;
	s1 =	sshrl.u32 s1, $0x2  }
0xb9: {  	s3 =	sand.u32 $0x4000, s31;
	s1 =	sadd.s32 s1, s30  }
0xba: {  	s0 =	sor.u32 s3, s0;
	s1 =	sshll.u32 s1, $0x11  }
0xbb: {  	s0 =	sor.u32 s1, s0  }
0xbc: {  	s0 =	sadd.s32 $0x8F2B, s0  }
0xbd: {  	[sflag:s0] =	ssyncadd.remote.s32 $0x1  }
0xbe: {  	_ =	sfence.sel $0xFFFF  }
0xbf: {  	[dreg:$0x0] =	wrdreg $0xFFFFFFFF;
	(pc) =	sbr.abs _section_cstart, $3  }
0xc0: {  	[dreg:$0x1] =	wrdreg $0xFFFFFFFF  }
0xc1: {  	_ =	task.clear_ibuf [dreg:s7], $0x2FFFF;
	_ =	strace $0x9FFFFFFF  }
0xc2: {  	(tm) =	ssettm $0x7FFFFFFF  }
0xc3: {  	_ =	shalt  }
tec
execute0_lowered:
.L_overlay_start_1:
0x0: {  	(tag) =	ssettag $0x1  }
0x1: {  	s9 =	rddreg [dreg:$0x0]  }
0x2: {  	s2 =	rddreg [dreg:$0x1];
	s12 =	simm.s32 $0x0  }
0x3: {  	s20 =	simm.s32 $0x880;
	[smem:$0x7FF] =	sst s12  }
0x4: {  	s21 =	simm.s32 $0x1080;
	_ =	strace $0x80000047;
	[dreg:$0x7] =	wrdreg s20  }
0x5: {  	s22 =	simm.s32 $0x1880;
	[dreg:$0x8] =	wrdreg s21  }
0x6: {  	s23 =	simm.s32 $0x900;
	[dreg:$0x9] =	wrdreg s22  }
0x7: {  	s24 =	simm.s32 $0x1100;
	[dreg:$0xa] =	wrdreg s23  }
0x8: {  	s25 =	simm.s32 $0x1900;
	[dreg:$0xb] =	wrdreg s24  }
0x9: {  	s26 =	simm.s32 $0x980;
	[dreg:$0xc] =	wrdreg s25  }
0xa: {  	s5 =	simm.s32 $0xA00;
	[dreg:$0xd] =	wrdreg s26  }
0xb: {  	s0 =	srdreg.scid;
	s6 =	simm.s32 $0x1200;
	[dreg:$0x10] =	wrdreg s5  }
0xc: {  	s3 =	stileid.u32;
	s7 =	simm.s32 $0x1A00;
	[dreg:$0x11] =	wrdreg s6  }
0xd: {  	s8 =	simm.s32 $0xA80;
	s10 =	simm.s32 $0x1280;
	[dreg:$0x12] =	wrdreg s7  }
0xe: {  	s11 =	simm.s32 $0x1A80;
	s13 =	simm.s32 $0xB00;
	[dreg:$0x13] =	wrdreg s8  }
0xf: {  	s14 =	simm.s32 $0x1300;
	s15 =	simm.s32 $0x1B00;
	[dreg:$0x14] =	wrdreg s10  }
0x10: {  	s16 =	simm.s32 $0xB80;
	s31 =	simm.s32 $0x100;
	[dreg:$0x15] =	wrdreg s11  }
0x11: {  	s30 =	simm.s32 $0x180;
	s29 =	simm.s32 $0x200;
	[dreg:$0x16] =	wrdreg s13  }
0x12: {  	s28 =	simm.s32 $0x280;
	p0 =	por $0x0, $0x0;
	[dreg:$0x17] =	wrdreg s14  }
0x13: {  	s0 =	sand.u32 $0x1, s0;
	s1 =	sshll.u32 s3, $0x1;
	[dreg:$0x18] =	wrdreg s15  }
0x14: {  	s3 =	sshll.u32 s3, $0x9;
	[dreg:$0x19] =	wrdreg s16;
	s20 =	simm.s32 $0xC00  }
0x15: {  	s1 =	sor.u32 s0, s1;
	s21 =	simm.s32 $0x1400;
	[dreg:$0x1c] =	wrdreg s20  }
0x16: {  	s10 =	sadd.s32 $0x1600, s2;
	s22 =	simm.s32 $0x1C00;
	[dreg:$0x1d] =	wrdreg s21  }
0x17: {  	s11 =	sadd.s32 $0x3800, s2;
	s23 =	simm.s32 $0xC80;
	[dreg:$0x1e] =	wrdreg s22  }
0x18: {  	s0 =	ssub.s32 $0x2, s0;
	s24 =	simm.s32 $0x1480;
	[dreg:$0x1f] =	wrdreg s23  }
0x19: {  	s6 =	simm.s32 $0x800;
	s25 =	simm.s32 $0x1C80;
	[smem:$0x7EF] =	sst s24  }
0x1a: {  	s5 =	simm.s32 $0x1000;
	s26 =	simm.s32 $0xD00;
	[smem:$0x7F0] =	sst s25  }
0x1b: {  	s7 =	simm.s32 $0x1500;
	s8 =	simm.s32 $0x1D00;
	[smem:$0x7F1] =	sst s26  }
0x1c: {  	s13 =	simm.s32 $0xD80;
	s14 =	simm.s32 $0x1580;
	[smem:$0x7F2] =	sst s7  }
0x1d: {  	s15 =	simm.s32 $0x1D80;
	s16 =	simm.s32 $0xE00;
	[smem:$0x7F3] =	sst s8  }
0x1e: {  	s4 =	sshll.u32 s1, $0x4;
	s1 =	sshll.u32 s1, $0x8;
	[smem:$0x7F4] =	sst s13  }
0x1f: {  	s26 =	simm.s32 $0x300;
	s25 =	simm.s32 $0x380;
	[smem:$0x7F5] =	sst s14  }
0x20: {  	s7 =	simm.s32 $0x400;
	[smem:$0x7F6] =	sst s15;
	s24 =	simm.s32 $0x480  }
0x21: {  	[smem:$0x7F7] =	sst s16;
	s20 =	simm.s32 $0x500;
	s15 =	simm.s32 $0x600  }
0x22: {  	s21 =	simm.s32 $0x1680;
	s13 =	simm.s32 $0x680;
	s22 =	simm.s32 $0x1E80  }
0x23: {  	s14 =	simm.s32 $0x700;
	s23 =	simm.s32 $0xF00;
	[smem:$0x7FB] =	sst s21  }
0x24: {  	s8 =	simm.s32 $0x1;
	s3 =	sor.u32 s3, s4;
	[smem:$0x7FC] =	sst s22  }
0x25: {  	s1 =	sadd.s32 s1, s2;
	s4 =	simm.s32 $0x1980;
	[smem:$0x7FD] =	sst s23  }
0x26: {  	s21 =	simm.s32 $0x1F00;
	s22 =	simm.s32 $0xF80;
	s3 =	sand.u32 $0x1870, s3  }
0x27: {  	s1 =	sadd.s32 $0x5A00, s1;
	[dreg:$0xf] =	wrdreg s4;
	s3 =	sadd.s32 s3, s2  }
0x28: {  	s23 =	simm.s32 $0x1780;
	[dreg:$0x3] =	wrdreg s1;
	s17 =	sadd.s32 $0x7A00, s3  }
0x29: {  	s4 =	simm.s32 $0x1800;
	s18 =	sadd.s32 $0x9A00, s3;
	[dreg:$0x4] =	wrdreg s17  }
0x2a: {  	s19 =	sadd.s32 $0xBA00, s3;
	[dreg:$0x5] =	wrdreg s18;
	s17 =	sshrl.u32 s0, $0x1  }
0x2b: {  	s3 =	simm.s32 $0x1180;
	[dreg:$0x6] =	wrdreg s19;
	s0 =	ssub.s32 s0, s17  }
0x2c: {  	[dreg:$0xe] =	wrdreg s3;
	s18 =	simm.s32 $0x1380;
	s0 =	smax.u32 s0, $0x1  }
0x2d: {  	s19 =	simm.s32 $0x1B80;
	[dreg:$0x1a] =	wrdreg s18;
	p1 =	sne.s32 s0, $0x1  }
.Ltmp0:
0x2e: {  	[dreg:$0x1b] =	wrdreg s19;
	s17 =	simm.s32 $0x1600;
	(pc) =	sbr.rel @!p1 .LBB2_1-.Ltmp0, $4  }
0x2f: {  	s2 =	simm.s32 $0x2;
	s18 =	simm.s32 $0x1E00;
	[smem:$0x7F8] =	sst s17  }
0x30: {  	s3 =	simm.s32 $0x80;
	s19 =	simm.s32 $0xE80;
	[smem:$0x7F9] =	sst s18  }
0x31: {  	s17 =	simm.s32 $0x580;
	[smem:$0x7FA] =	sst s19;
	s18 =	simm.s32 $0x780  }
0x32: {  	s19 =	simm.s32 $0x1F80;
	s16 =	sadd.s32 $0xFFFFFFFF, s0;
	s0 =	rddreg [dreg:$0x3]  }
0x33: {  	[tilespmem:s12], [sflag:$0x2] =	stream.linear.gather [hbm4b:s0+s12], $0x800, $0x38;
	[tilespmem:$0x2000] =	vst v63  }
0x34: {  	_ =	swait.ge [sflag:s2], $0x800  }
0x35: {  	[sflag:s2] =	ssyncset.done $0x0  }
0x36: {  	[sflag:s2] =	ssyncadd.s32 $0xFFFFF800  }
0x37: {  	[tilespmem:s6], [sflag:$0x1] =	stream.indirect.gather [hbm4b:s9+s3], $0x1, s12, s3, $0xb8;
	[tilespmem:$0x2000] =	vst v63  }
0x38: {  	_ = 	snop  }
0x39: {  	[tilespmem:s5], [sflag:$0x1] =	stream.indirect.gather [hbm4b:s10+s3], $0x1, s12, s3, $0xb8;
	[tilespmem:$0x2000] =	vst v63  }
0x3a: {  	s0 =	rddreg [dreg:$0x7]  }
0x3b: {  	[tilespmem:s4], [sflag:$0x1] =	stream.indirect.gather [hbm4b:s11+s3], $0x1, s12, s3, $0xb8;
	[tilespmem:$0x2000] =	vst v63  }
0x3c: {  	s1 =	rddreg [dreg:$0x8]  }
0x3d: {  	[tilespmem:s0], [sflag:$0x1] =	stream.indirect.gather [hbm4b:s9+s3], $0x1, s3, s3, $0xb8;
	[tilespmem:$0x2000] =	vst v63  }
0x3e: {  	s0 =	rddreg [dreg:$0x9]  }
0x3f: {  	[tilespmem:s1], [sflag:$0x1] =	stream.indirect.gather [hbm4b:s10+s3], $0x1, s3, s3, $0xb8;
	[tilespmem:$0x2000] =	vst v63  }
0x40: {  	s1 =	rddreg [dreg:$0xa]  }
0x41: {  	[tilespmem:s0], [sflag:$0x1] =	stream.indirect.gather [hbm4b:s11+s3], $0x1, s3, s3, $0xb8;
	[tilespmem:$0x2000] =	vst v63  }
0x42: {  	s0 =	rddreg [dreg:$0xb]  }
0x43: {  	[tilespmem:s1], [sflag:$0x1] =	stream.indirect.gather [hbm4b:s9+s3], $0x1, s31, s3, $0xb8;
	[tilespmem:$0x2000] =	vst v63  }
0x44: {  	s1 =	rddreg [dreg:$0xc]  }
0x45: {  	[tilespmem:s0], [sflag:$0x1] =	stream.indirect.gather [hbm4b:s10+s3], $0x1, s31, s3, $0xb8;
	[tilespmem:$0x2000] =	vst v63  }
0x46: {  	s0 =	rddreg [dreg:$0xd]  }
0x47: {  	[tilespmem:s1], [sflag:$0x1] =	stream.indirect.gather [hbm4b:s11+s3], $0x1, s31, s3, $0xb8;
	[tilespmem:$0x2000] =	vst v63  }
0x48: {  	s1 =	rddreg [dreg:$0xe]  }
0x49: {  	[tilespmem:s0], [sflag:$0x1] =	stream.indirect.gather [hbm4b:s9+s3], $0x1, s30, s3, $0xb8;
	[tilespmem:$0x2000] =	vst v63  }
0x4a: {  	s0 =	rddreg [dreg:$0xf]  }
0x4b: {  	[tilespmem:s1], [sflag:$0x1] =	stream.indirect.gather [hbm4b:s10+s3], $0x1, s30, s3, $0xb8;
	[tilespmem:$0x2000] =	vst v63  }
0x4c: {  	s1 =	rddreg [dreg:$0x10]  }
0x4d: {  	[tilespmem:s0], [sflag:$0x1] =	stream.indirect.gather [hbm4b:s11+s3], $0x1, s30, s3, $0xb8;
	[tilespmem:$0x2000] =	vst v63  }
0x4e: {  	s0 =	rddreg [dreg:$0x11]  }
0x4f: {  	[tilespmem:s1], [sflag:$0x1] =	stream.indirect.gather [hbm4b:s9+s3], $0x1, s29, s3, $0xb8;
	[tilespmem:$0x2000] =	vst v63  }
0x50: {  	s1 =	rddreg [dreg:$0x12]  }
0x51: {  	[tilespmem:s0], [sflag:$0x1] =	stream.indirect.gather [hbm4b:s10+s3], $0x1, s29, s3, $0xb8;
	[tilespmem:$0x2000] =	vst v63  }
0x52: {  	s0 =	rddreg [dreg:$0x13]  }
0x53: {  	[tilespmem:s1], [sflag:$0x1] =	stream.indirect.gather [hbm4b:s11+s3], $0x1, s29, s3, $0xb8;
	[tilespmem:$0x2000] =	vst v63  }
0x54: {  	s1 =	rddreg [dreg:$0x14]  }
0x55: {  	[tilespmem:s0], [sflag:$0x1] =	stream.indirect.gather [hbm4b:s9+s3], $0x1, s28, s3, $0xb8;
	[tilespmem:$0x2000] =	vst v63  }
0x56: {  	s0 =	rddreg [dreg:$0x15]  }
0x57: {  	[tilespmem:s1], [sflag:$0x1] =	stream.indirect.gather [hbm4b:s10+s3], $0x1, s28, s3, $0xb8;
	[tilespmem:$0x2000] =	vst v63  }
0x58: {  	s1 =	rddreg [dreg:$0x16]  }
0x59: {  	[tilespmem:s0], [sflag:$0x1] =	stream.indirect.gather [hbm4b:s11+s3], $0x1, s28, s3, $0xb8;
	[tilespmem:$0x2000] =	vst v63  }
0x5a: {  	s0 =	rddreg [dreg:$0x17]  }
0x5b: {  	[tilespmem:s1], [sflag:$0x1] =	stream.indirect.gather [hbm4b:s9+s3], $0x1, s26, s3, $0xb8;
	[tilespmem:$0x2000] =	vst v63  }
0x5c: {  	s1 =	rddreg [dreg:$0x18]  }
0x5d: {  	[tilespmem:s0], [sflag:$0x1] =	stream.indirect.gather [hbm4b:s10+s3], $0x1, s26, s3, $0xb8;
	[tilespmem:$0x2000] =	vst v63  }
0x5e: {  	s0 =	rddreg [dreg:$0x19]  }
0x5f: {  	[tilespmem:s1], [sflag:$0x1] =	stream.indirect.gather [hbm4b:s11+s3], $0x1, s26, s3, $0xb8;
	[tilespmem:$0x2000] =	vst v63  }
0x60: {  	s1 =	rddreg [dreg:$0x1a]  }
0x61: {  	[tilespmem:s0], [sflag:$0x1] =	stream.indirect.gather [hbm4b:s9+s3], $0x1, s25, s3, $0xb8;
	[tilespmem:$0x2000] =	vst v63  }
0x62: {  	s0 =	rddreg [dreg:$0x1b]  }
0x63: {  	[tilespmem:s1], [sflag:$0x1] =	stream.indirect.gather [hbm4b:s10+s3], $0x1, s25, s3, $0xb8;
	[tilespmem:$0x2000] =	vst v63  }
0x64: {  	s1 =	rddreg [dreg:$0x1c]  }
0x65: {  	[tilespmem:s0], [sflag:$0x1] =	stream.indirect.gather [hbm4b:s11+s3], $0x1, s25, s3, $0xb8;
	[tilespmem:$0x2000] =	vst v63  }
0x66: {  	s0 =	rddreg [dreg:$0x1d]  }
0x67: {  	[tilespmem:s1], [sflag:$0x1] =	stream.indirect.gather [hbm4b:s9+s3], $0x1, s7, s3, $0xb8;
	[tilespmem:$0x2000] =	vst v63  }
0x68: {  	s1 =	rddreg [dreg:$0x1e]  }
0x69: {  	[tilespmem:s0], [sflag:$0x1] =	stream.indirect.gather [hbm4b:s10+s3], $0x1, s7, s3, $0xb8;
	[tilespmem:$0x2000] =	vst v63  }
0x6a: {  	s0 =	rddreg [dreg:$0x1f]  }
0x6b: {  	[tilespmem:s1], [sflag:$0x1] =	stream.indirect.gather [hbm4b:s11+s3], $0x1, s7, s3, $0xb8;
	[tilespmem:$0x2000] =	vst v63  }
0x6c: {  	s1 =	sld [smem:$0x7EF]  }
0x6d: {  	[tilespmem:s0], [sflag:$0x1] =	stream.indirect.gather [hbm4b:s9+s3], $0x1, s24, s3, $0xb8;
	[tilespmem:$0x2000] =	vst v63  }
0x6e: {  	s0 =	sld [smem:$0x7F0]  }
0x6f: {  	[tilespmem:s1], [sflag:$0x1] =	stream.indirect.gather [hbm4b:s10+s3], $0x1, s24, s3, $0xb8;
	[tilespmem:$0x2000] =	vst v63  }
0x70: {  	s1 =	sld [smem:$0x7F1]  }
0x71: {  	[tilespmem:s0], [sflag:$0x1] =	stream.indirect.gather [hbm4b:s11+s3], $0x1, s24, s3, $0xb8;
	[tilespmem:$0x2000] =	vst v63  }
0x72: {  	s0 =	sld [smem:$0x7F2]  }
0x73: {  	[tilespmem:s1], [sflag:$0x1] =	stream.indirect.gather [hbm4b:s9+s3], $0x1, s20, s3, $0xb8;
	[tilespmem:$0x2000] =	vst v63  }
0x74: {  	s1 =	sld [smem:$0x7F3]  }
0x75: {  	[tilespmem:s0], [sflag:$0x1] =	stream.indirect.gather [hbm4b:s10+s3], $0x1, s20, s3, $0xb8;
	[tilespmem:$0x2000] =	vst v63  }
0x76: {  	s0 =	sld [smem:$0x7F4]  }
0x77: {  	[tilespmem:s1], [sflag:$0x1] =	stream.indirect.gather [hbm4b:s11+s3], $0x1, s20, s3, $0xb8;
	[tilespmem:$0x2000] =	vst v63  }
0x78: {  	s1 =	sld [smem:$0x7F5]  }
0x79: {  	[tilespmem:s0], [sflag:$0x1] =	stream.indirect.gather [hbm4b:s9+s3], $0x1, s17, s3, $0xb8;
	[tilespmem:$0x2000] =	vst v63  }
0x7a: {  	s0 =	sld [smem:$0x7F6]  }
0x7b: {  	[tilespmem:s1], [sflag:$0x1] =	stream.indirect.gather [hbm4b:s10+s3], $0x1, s17, s3, $0xb8;
	[tilespmem:$0x2000] =	vst v63  }
0x7c: {  	s1 =	sld [smem:$0x7F7]  }
0x7d: {  	[tilespmem:s0], [sflag:$0x1] =	stream.indirect.gather [hbm4b:s11+s3], $0x1, s17, s3, $0xb8;
	[tilespmem:$0x2000] =	vst v63  }
0x7e: {  	s0 =	sld [smem:$0x7F8]  }
0x7f: {  	[tilespmem:s1], [sflag:$0x1] =	stream.indirect.gather [hbm4b:s9+s3], $0x1, s15, s3, $0xb8;
	[tilespmem:$0x2000] =	vst v63  }
0x80: {  	s1 =	sld [smem:$0x7F9]  }
0x81: {  	[tilespmem:s0], [sflag:$0x1] =	stream.indirect.gather [hbm4b:s10+s3], $0x1, s15, s3, $0xb8;
	[tilespmem:$0x2000] =	vst v63  }
0x82: {  	s0 =	sld [smem:$0x7FA]  }
0x83: {  	[tilespmem:s1], [sflag:$0x1] =	stream.indirect.gather [hbm4b:s11+s3], $0x1, s15, s3, $0xb8;
	[tilespmem:$0x2000] =	vst v63  }
0x84: {  	s1 =	sld [smem:$0x7FB]  }
0x85: {  	[tilespmem:s0], [sflag:$0x1] =	stream.indirect.gather [hbm4b:s9+s3], $0x1, s13, s3, $0xb8;
	[tilespmem:$0x2000] =	vst v63  }
0x86: {  	s0 =	sld [smem:$0x7FC]  }
0x87: {  	[tilespmem:s1], [sflag:$0x1] =	stream.indirect.gather [hbm4b:s10+s3], $0x1, s13, s3, $0xb8;
	[tilespmem:$0x2000] =	vst v63  }
0x88: {  	s1 =	sld [smem:$0x7FD]  }
0x89: {  	[tilespmem:s0], [sflag:$0x1] =	stream.indirect.gather [hbm4b:s11+s3], $0x1, s13, s3, $0xb8;
	[tilespmem:$0x2000] =	vst v63  }
0x8a: {  	_ = 	snop  }
0x8b: {  	[tilespmem:s1], [sflag:$0x1] =	stream.indirect.gather [hbm4b:s9+s3], $0x1, s14, s3, $0xb8;
	[tilespmem:$0x2000] =	vst v63  }
0x8c: {  	s1 =	simm.s32 $0x1700  }
0x8d: {  	[tilespmem:s1], [sflag:$0x1] =	stream.indirect.gather [hbm4b:s10+s3], $0x1, s14, s3, $0xb8;
	[tilespmem:$0x2000] =	vst v63  }
0x8e: {  	_ = 	snop  }
0x8f: {  	[tilespmem:s21], [sflag:$0x1] =	stream.indirect.gather [hbm4b:s11+s3], $0x1, s14, s3, $0xb8;
	[tilespmem:$0x2000] =	vst v63  }
0x90: {  	_ = 	snop  }
0x91: {  	[tilespmem:s22], [sflag:$0x1] =	stream.indirect.gather [hbm4b:s9+s3], $0x1, s18, s3, $0xb8;
	[tilespmem:$0x2000] =	vst v63  }
0x92: {  	_ = 	snop  }
0x93: {  	[tilespmem:s23], [sflag:$0x1] =	stream.indirect.gather [hbm4b:s10+s3], $0x1, s18, s3, $0xb8;
	[tilespmem:$0x2000] =	vst v63  }
0x94: {  	_ = 	snop  }
0x95: {  	[tilespmem:s19], [sflag:$0x1] =	stream.indirect.gather [hbm4b:s11+s3], $0x1, s18, s3, $0xb8;
	[tilespmem:$0x2000] =	vst v63  }
0x96: {  	_ =	swait.ge [sflag:s8], $0x80  }
0x97: {  	[sflag:s8] =	ssyncset.done $0x0  }
0x98: {  	[sflag:s8] =	ssyncadd.s32 $0xFFFFFF80  }
0x99: {  	_ =	swait.ge [sflag:s8], $0x80  }
0x9a: {  	[sflag:s8] =	ssyncset.done $0x0  }
0x9b: {  	[sflag:s8] =	ssyncadd.s32 $0xFFFFFF80  }
0x9c: {  	_ =	swait.ge [sflag:s8], $0x80  }
0x9d: {  	[sflag:s8] =	ssyncset.done $0x0  }
0x9e: {  	[sflag:s8] =	ssyncadd.s32 $0xFFFFFF80  }
0x9f: {  	_ =	swait.ge [sflag:s8], $0x80  }
0xa0: {  	[sflag:s8] =	ssyncset.done $0x0  }
0xa1: {  	[sflag:s8] =	ssyncadd.s32 $0xFFFFFF80  }
0xa2: {  	_ =	swait.ge [sflag:s8], $0x80  }
0xa3: {  	[sflag:s8] =	ssyncset.done $0x0  }
0xa4: {  	[sflag:s8] =	ssyncadd.s32 $0xFFFFFF80  }
0xa5: {  	_ =	swait.ge [sflag:s8], $0x80  }
0xa6: {  	[sflag:s8] =	ssyncset.done $0x0  }
0xa7: {  	[sflag:s8] =	ssyncadd.s32 $0xFFFFFF80  }
0xa8: {  	_ =	swait.ge [sflag:s8], $0x80  }
0xa9: {  	[sflag:s8] =	ssyncset.done $0x0  }
0xaa: {  	[sflag:s8] =	ssyncadd.s32 $0xFFFFFF80  }
0xab: {  	_ =	swait.ge [sflag:s8], $0x80  }
0xac: {  	[sflag:s8] =	ssyncset.done $0x0  }
0xad: {  	[sflag:s8] =	ssyncadd.s32 $0xFFFFFF80  }
0xae: {  	_ =	swait.ge [sflag:s8], $0x80  }
0xaf: {  	[sflag:s8] =	ssyncset.done $0x0  }
0xb0: {  	[sflag:s8] =	ssyncadd.s32 $0xFFFFFF80  }
0xb1: {  	_ =	swait.ge [sflag:s8], $0x80  }
0xb2: {  	[sflag:s8] =	ssyncset.done $0x0  }
0xb3: {  	[sflag:s8] =	ssyncadd.s32 $0xFFFFFF80  }
0xb4: {  	_ =	swait.ge [sflag:s8], $0x80  }
0xb5: {  	[sflag:s8] =	ssyncset.done $0x0  }
0xb6: {  	[sflag:s8] =	ssyncadd.s32 $0xFFFFFF80  }
0xb7: {  	_ =	swait.ge [sflag:s8], $0x80  }
0xb8: {  	[sflag:s8] =	ssyncset.done $0x0  }
0xb9: {  	[sflag:s8] =	ssyncadd.s32 $0xFFFFFF80  }
0xba: {  	_ =	swait.ge [sflag:s8], $0x80  }
0xbb: {  	[sflag:s8] =	ssyncset.done $0x0  }
0xbc: {  	[sflag:s8] =	ssyncadd.s32 $0xFFFFFF80  }
0xbd: {  	_ =	swait.ge [sflag:s8], $0x80  }
0xbe: {  	[sflag:s8] =	ssyncset.done $0x0  }
0xbf: {  	[sflag:s8] =	ssyncadd.s32 $0xFFFFFF80  }
0xc0: {  	_ =	swait.ge [sflag:s8], $0x80  }
0xc1: {  	[sflag:s8] =	ssyncset.done $0x0  }
0xc2: {  	[sflag:s8] =	ssyncadd.s32 $0xFFFFFF80  }
0xc3: {  	_ =	swait.ge [sflag:s8], $0x80  }
0xc4: {  	[sflag:s8] =	ssyncset.done $0x0  }
0xc5: {  	[sflag:s8] =	ssyncadd.s32 $0xFFFFFF80  }
0xc6: {  	_ =	swait.ge [sflag:s8], $0x80  }
0xc7: {  	[sflag:s8] =	ssyncset.done $0x0  }
0xc8: {  	[sflag:s8] =	ssyncadd.s32 $0xFFFFFF80  }
0xc9: {  	_ =	swait.ge [sflag:s8], $0x80  }
0xca: {  	[sflag:s8] =	ssyncset.done $0x0  }
0xcb: {  	[sflag:s8] =	ssyncadd.s32 $0xFFFFFF80  }
0xcc: {  	_ =	swait.ge [sflag:s8], $0x80  }
0xcd: {  	[sflag:s8] =	ssyncset.done $0x0  }
0xce: {  	[sflag:s8] =	ssyncadd.s32 $0xFFFFFF80  }
0xcf: {  	_ =	swait.ge [sflag:s8], $0x80  }
0xd0: {  	[sflag:s8] =	ssyncset.done $0x0  }
0xd1: {  	[sflag:s8] =	ssyncadd.s32 $0xFFFFFF80  }
0xd2: {  	_ =	swait.ge [sflag:s8], $0x80  }
0xd3: {  	[sflag:s8] =	ssyncset.done $0x0  }
0xd4: {  	[sflag:s8] =	ssyncadd.s32 $0xFFFFFF80  }
0xd5: {  	_ =	swait.ge [sflag:s8], $0x80  }
0xd6: {  	[sflag:s8] =	ssyncset.done $0x0  }
0xd7: {  	[sflag:s8] =	ssyncadd.s32 $0xFFFFFF80  }
0xd8: {  	_ =	swait.ge [sflag:s8], $0x80  }
0xd9: {  	[sflag:s8] =	ssyncset.done $0x0  }
0xda: {  	[sflag:s8] =	ssyncadd.s32 $0xFFFFFF80  }
0xdb: {  	_ =	swait.ge [sflag:s8], $0x80  }
0xdc: {  	[sflag:s8] =	ssyncset.done $0x0  }
0xdd: {  	[sflag:s8] =	ssyncadd.s32 $0xFFFFFF80  }
0xde: {  	_ =	swait.ge [sflag:s8], $0x80  }
0xdf: {  	[sflag:s8] =	ssyncset.done $0x0  }
0xe0: {  	[sflag:s8] =	ssyncadd.s32 $0xFFFFFF80  }
0xe1: {  	_ =	swait.ge [sflag:s8], $0x80  }
0xe2: {  	[sflag:s8] =	ssyncset.done $0x0  }
0xe3: {  	[sflag:s8] =	ssyncadd.s32 $0xFFFFFF80  }
0xe4: {  	_ =	swait.ge [sflag:s8], $0x80  }
0xe5: {  	[sflag:s8] =	ssyncset.done $0x0  }
0xe6: {  	[sflag:s8] =	ssyncadd.s32 $0xFFFFFF80  }
0xe7: {  	_ =	swait.ge [sflag:s8], $0x80  }
0xe8: {  	[sflag:s8] =	ssyncset.done $0x0  }
0xe9: {  	[sflag:s8] =	ssyncadd.s32 $0xFFFFFF80  }
0xea: {  	_ =	swait.ge [sflag:s8], $0x80  }
0xeb: {  	[sflag:s8] =	ssyncset.done $0x0  }
0xec: {  	[sflag:s8] =	ssyncadd.s32 $0xFFFFFF80  }
0xed: {  	_ =	swait.ge [sflag:s8], $0x80  }
0xee: {  	[sflag:s8] =	ssyncset.done $0x0  }
0xef: {  	[sflag:s8] =	ssyncadd.s32 $0xFFFFFF80  }
0xf0: {  	_ =	swait.ge [sflag:s8], $0x80  }
0xf1: {  	[sflag:s8] =	ssyncset.done $0x0  }
0xf2: {  	[sflag:s8] =	ssyncadd.s32 $0xFFFFFF80  }
0xf3: {  	_ =	swait.ge [sflag:s8], $0x80  }
0xf4: {  	[sflag:s8] =	ssyncset.done $0x0  }
0xf5: {  	[sflag:s8] =	ssyncadd.s32 $0xFFFFFF80  }
0xf6: {  	_ =	swait.ge [sflag:s8], $0x80  }
0xf7: {  	[sflag:s8] =	ssyncset.done $0x0  }
0xf8: {  	[sflag:s8] =	ssyncadd.s32 $0xFFFFFF80  }
0xf9: {  	_ =	swait.ge [sflag:s8], $0x80  }
0xfa: {  	[sflag:s8] =	ssyncset.done $0x0  }
0xfb: {  	[sflag:s8] =	ssyncadd.s32 $0xFFFFFF80  }
0xfc: {  	_ =	swait.ge [sflag:s8], $0x80  }
0xfd: {  	[sflag:s8] =	ssyncset.done $0x0  }
0xfe: {  	[sflag:s8] =	ssyncadd.s32 $0xFFFFFF80  }
0xff: {  	_ =	swait.ge [sflag:s8], $0x80  }
0x100: {  	[sflag:s8] =	ssyncset.done $0x0  }
0x101: {  	[sflag:s8] =	ssyncadd.s32 $0xFFFFFF80  }
0x102: {  	_ =	swait.ge [sflag:s8], $0x80  }
0x103: {  	[sflag:s8] =	ssyncset.done $0x0  }
0x104: {  	[sflag:s8] =	ssyncadd.s32 $0xFFFFFF80  }
0x105: {  	_ =	swait.ge [sflag:s8], $0x80  }
0x106: {  	[sflag:s8] =	ssyncset.done $0x0  }
0x107: {  	[sflag:s8] =	ssyncadd.s32 $0xFFFFFF80  }
0x108: {  	_ =	swait.ge [sflag:s8], $0x80  }
0x109: {  	[sflag:s8] =	ssyncset.done $0x0  }
0x10a: {  	[sflag:s8] =	ssyncadd.s32 $0xFFFFFF80  }
0x10b: {  	_ =	swait.ge [sflag:s8], $0x80  }
0x10c: {  	[sflag:s8] =	ssyncset.done $0x0  }
0x10d: {  	[sflag:s8] =	ssyncadd.s32 $0xFFFFFF80  }
0x10e: {  	_ =	swait.ge [sflag:s8], $0x80  }
0x10f: {  	[sflag:s8] =	ssyncset.done $0x0  }
0x110: {  	[sflag:s8] =	ssyncadd.s32 $0xFFFFFF80  }
0x111: {  	_ =	swait.ge [sflag:s8], $0x80  }
0x112: {  	[sflag:s8] =	ssyncset.done $0x0  }
0x113: {  	[sflag:s8] =	ssyncadd.s32 $0xFFFFFF80  }
0x114: {  	_ =	swait.ge [sflag:s8], $0x80  }
0x115: {  	[sflag:s8] =	ssyncset.done $0x0  }
0x116: {  	[sflag:s8] =	ssyncadd.s32 $0xFFFFFF80  }
0x117: {  	_ =	swait.ge [sflag:s8], $0x80  }
0x118: {  	[sflag:s8] =	ssyncset.done $0x0  }
0x119: {  	[sflag:s8] =	ssyncadd.s32 $0xFFFFFF80  }
0x11a: {  	_ =	swait.ge [sflag:s8], $0x80  }
0x11b: {  	[sflag:s8] =	ssyncset.done $0x0  }
0x11c: {  	[sflag:s8] =	ssyncadd.s32 $0xFFFFFF80  }
0x11d: {  	_ =	swait.ge [sflag:s8], $0x80  }
0x11e: {  	[sflag:s8] =	ssyncset.done $0x0  }
0x11f: {  	[sflag:s8] =	ssyncadd.s32 $0xFFFFFF80  }
0x120: {  	_ =	swait.ge [sflag:s8], $0x80  }
0x121: {  	[sflag:s8] =	ssyncset.done $0x0  }
0x122: {  	[sflag:s8] =	ssyncadd.s32 $0xFFFFFF80  }
0x123: {  	_ =	swait.ge [sflag:s8], $0x80  }
0x124: {  	[sflag:s8] =	ssyncset.done $0x0  }
0x125: {  	s1 =	rddreg [dreg:$0x4];
	[sflag:s8] =	ssyncadd.s32 $0xFFFFFF80  }
0x126: {  	[hbm4b:s1+s3] =	stream.strided.scatter [tilespmem:s6], [sflag:$0x2], $0x800, s7, s3, $0x38;
	[tilespmem:$0x2000] =	vst v63  }
0x127: {  	_ =	swait.ge [sflag:s2], $0x800  }
0x128: {  	[sflag:s2] =	ssyncset.done $0x0  }
0x129: {  	s1 =	rddreg [dreg:$0x5];
	[sflag:s2] =	ssyncadd.s32 $0xFFFFF800  }
0x12a: {  	[hbm4b:s1+s3] =	stream.strided.scatter [tilespmem:s5], [sflag:$0x2], $0x800, s7, s3, $0x38;
	[tilespmem:$0x2000] =	vst v63  }
0x12b: {  	p1 =	sne.s32 s16, $0x1;
	_ =	swait.ge [sflag:s2], $0x800  }
.Ltmp1:
0x12c: {  	[sflag:s2] =	ssyncset.done $0x0;
	(pc) =	sbr.rel @!p1 .LBB2_3-.Ltmp1, $4  }
0x12d: {  	s1 =	rddreg [dreg:$0x6];
	[sflag:s2] =	ssyncadd.s32 $0xFFFFF800  }
0x12e: {  	[hbm4b:s1+s3] =	stream.strided.scatter [tilespmem:s4], [sflag:$0x2], $0x800, s7, s3, $0x38;
	[tilespmem:$0x2000] =	vst v63  }
0x12f: {  	p0 =	por $0x1, $0x1;
	_ =	swait.ge [sflag:s2], $0x800  }
0x130: {  	s1 =	sadd.s32 $0xFFFFFFFF, s16;
	s0 =	rddreg [dreg:$0x3];
	[sflag:s2] =	ssyncset.done $0x0  }
.LBB2_4:
0x131: {  	[sflag:s2] =	ssyncadd.s32 $0xFFFFF800  }
0x132: {  	[tilespmem:s12], [sflag:$0x2] =	stream.linear.gather [hbm4b:s0+s12], $0x800, $0x38;
	[tilespmem:$0x2000] =	vst v63  }
0x133: {  	_ =	swait.ge [sflag:s2], $0x800  }
0x134: {  	[sflag:s2] =	ssyncset.done $0x0  }
0x135: {  	[sflag:s2] =	ssyncadd.s32 $0xFFFFF800  }
0x136: {  	[tilespmem:s6], [sflag:$0x1] =	stream.indirect.gather [hbm4b:s9+s3], $0x1, s12, s3, $0xb8;
	[tilespmem:$0x2000] =	vst v63  }
0x137: {  	_ = 	snop  }
0x138: {  	[tilespmem:s5], [sflag:$0x1] =	stream.indirect.gather [hbm4b:s10+s3], $0x1, s12, s3, $0xb8;
	[tilespmem:$0x2000] =	vst v63  }
0x139: {  	s0 =	rddreg [dreg:$0x7]  }
0x13a: {  	[tilespmem:s4], [sflag:$0x1] =	stream.indirect.gather [hbm4b:s11+s3], $0x1, s12, s3, $0xb8;
	[tilespmem:$0x2000] =	vst v63  }
0x13b: {  	s16 =	rddreg [dreg:$0x8]  }
0x13c: {  	[tilespmem:s0], [sflag:$0x1] =	stream.indirect.gather [hbm4b:s9+s3], $0x1, s3, s3, $0xb8;
	[tilespmem:$0x2000] =	vst v63  }
0x13d: {  	s0 =	rddreg [dreg:$0x9]  }
0x13e: {  	[tilespmem:s16], [sflag:$0x1] =	stream.indirect.gather [hbm4b:s10+s3], $0x1, s3, s3, $0xb8;
	[tilespmem:$0x2000] =	vst v63  }
0x13f: {  	s16 =	rddreg [dreg:$0xa]  }
0x140: {  	[tilespmem:s0], [sflag:$0x1] =	stream.indirect.gather [hbm4b:s11+s3], $0x1, s3, s3, $0xb8;
	[tilespmem:$0x2000] =	vst v63  }
0x141: {  	s0 =	rddreg [dreg:$0xb]  }
0x142: {  	[tilespmem:s16], [sflag:$0x1] =	stream.indirect.gather [hbm4b:s9+s3], $0x1, s31, s3, $0xb8;
	[tilespmem:$0x2000] =	vst v63  }
0x143: {  	s16 =	rddreg [dreg:$0xc]  }
0x144: {  	[tilespmem:s0], [sflag:$0x1] =	stream.indirect.gather [hbm4b:s10+s3], $0x1, s31, s3, $0xb8;
	[tilespmem:$0x2000] =	vst v63  }
0x145: {  	s0 =	rddreg [dreg:$0xd]  }
0x146: {  	[tilespmem:s16], [sflag:$0x1] =	stream.indirect.gather [hbm4b:s11+s3], $0x1, s31, s3, $0xb8;
	[tilespmem:$0x2000] =	vst v63  }
0x147: {  	s16 =	rddreg [dreg:$0xe]  }
0x148: {  	[tilespmem:s0], [sflag:$0x1] =	stream.indirect.gather [hbm4b:s9+s3], $0x1, s30, s3, $0xb8;
	[tilespmem:$0x2000] =	vst v63  }
0x149: {  	s0 =	rddreg [dreg:$0xf]  }
0x14a: {  	[tilespmem:s16], [sflag:$0x1] =	stream.indirect.gather [hbm4b:s10+s3], $0x1, s30, s3, $0xb8;
	[tilespmem:$0x2000] =	vst v63  }
0x14b: {  	s16 =	rddreg [dreg:$0x10]  }
0x14c: {  	[tilespmem:s0], [sflag:$0x1] =	stream.indirect.gather [hbm4b:s11+s3], $0x1, s30, s3, $0xb8;
	[tilespmem:$0x2000] =	vst v63  }
0x14d: {  	s0 =	rddreg [dreg:$0x11]  }
0x14e: {  	[tilespmem:s16], [sflag:$0x1] =	stream.indirect.gather [hbm4b:s9+s3], $0x1, s29, s3, $0xb8;
	[tilespmem:$0x2000] =	vst v63  }
0x14f: {  	s16 =	rddreg [dreg:$0x12]  }
0x150: {  	[tilespmem:s0], [sflag:$0x1] =	stream.indirect.gather [hbm4b:s10+s3], $0x1, s29, s3, $0xb8;
	[tilespmem:$0x2000] =	vst v63  }
0x151: {  	s0 =	rddreg [dreg:$0x13]  }
0x152: {  	[tilespmem:s16], [sflag:$0x1] =	stream.indirect.gather [hbm4b:s11+s3], $0x1, s29, s3, $0xb8;
	[tilespmem:$0x2000] =	vst v63  }
0x153: {  	s16 =	rddreg [dreg:$0x14]  }
0x154: {  	[tilespmem:s0], [sflag:$0x1] =	stream.indirect.gather [hbm4b:s9+s3], $0x1, s28, s3, $0xb8;
	[tilespmem:$0x2000] =	vst v63  }
0x155: {  	s0 =	rddreg [dreg:$0x15]  }
0x156: {  	[tilespmem:s16], [sflag:$0x1] =	stream.indirect.gather [hbm4b:s10+s3], $0x1, s28, s3, $0xb8;
	[tilespmem:$0x2000] =	vst v63  }
0x157: {  	s16 =	rddreg [dreg:$0x16]  }
0x158: {  	[tilespmem:s0], [sflag:$0x1] =	stream.indirect.gather [hbm4b:s11+s3], $0x1, s28, s3, $0xb8;
	[tilespmem:$0x2000] =	vst v63  }
0x159: {  	s0 =	rddreg [dreg:$0x17]  }
0x15a: {  	[tilespmem:s16], [sflag:$0x1] =	stream.indirect.gather [hbm4b:s9+s3], $0x1, s26, s3, $0xb8;
	[tilespmem:$0x2000] =	vst v63  }
0x15b: {  	s16 =	rddreg [dreg:$0x18]  }
0x15c: {  	[tilespmem:s0], [sflag:$0x1] =	stream.indirect.gather [hbm4b:s10+s3], $0x1, s26, s3, $0xb8;
	[tilespmem:$0x2000] =	vst v63  }
0x15d: {  	s0 =	rddreg [dreg:$0x19]  }
0x15e: {  	[tilespmem:s16], [sflag:$0x1] =	stream.indirect.gather [hbm4b:s11+s3], $0x1, s26, s3, $0xb8;
	[tilespmem:$0x2000] =	vst v63  }
0x15f: {  	s16 =	rddreg [dreg:$0x1a]  }
0x160: {  	[tilespmem:s0], [sflag:$0x1] =	stream.indirect.gather [hbm4b:s9+s3], $0x1, s25, s3, $0xb8;
	[tilespmem:$0x2000] =	vst v63  }
0x161: {  	s0 =	rddreg [dreg:$0x1b]  }
0x162: {  	[tilespmem:s16], [sflag:$0x1] =	stream.indirect.gather [hbm4b:s10+s3], $0x1, s25, s3, $0xb8;
	[tilespmem:$0x2000] =	vst v63  }
0x163: {  	s16 =	rddreg [dreg:$0x1c]  }
0x164: {  	[tilespmem:s0], [sflag:$0x1] =	stream.indirect.gather [hbm4b:s11+s3], $0x1, s25, s3, $0xb8;
	[tilespmem:$0x2000] =	vst v63  }
0x165: {  	s0 =	rddreg [dreg:$0x1d]  }
0x166: {  	[tilespmem:s16], [sflag:$0x1] =	stream.indirect.gather [hbm4b:s9+s3], $0x1, s7, s3, $0xb8;
	[tilespmem:$0x2000] =	vst v63  }
0x167: {  	s16 =	rddreg [dreg:$0x1e]  }
0x168: {  	[tilespmem:s0], [sflag:$0x1] =	stream.indirect.gather [hbm4b:s10+s3], $0x1, s7, s3, $0xb8;
	[tilespmem:$0x2000] =	vst v63  }
0x169: {  	s0 =	rddreg [dreg:$0x1f]  }
0x16a: {  	[tilespmem:s16], [sflag:$0x1] =	stream.indirect.gather [hbm4b:s11+s3], $0x1, s7, s3, $0xb8;
	[tilespmem:$0x2000] =	vst v63  }
0x16b: {  	s16 =	sld [smem:$0x7EF]  }
0x16c: {  	[tilespmem:s0], [sflag:$0x1] =	stream.indirect.gather [hbm4b:s9+s3], $0x1, s24, s3, $0xb8;
	[tilespmem:$0x2000] =	vst v63  }
0x16d: {  	s0 =	sld [smem:$0x7F0]  }
0x16e: {  	[tilespmem:s16], [sflag:$0x1] =	stream.indirect.gather [hbm4b:s10+s3], $0x1, s24, s3, $0xb8;
	[tilespmem:$0x2000] =	vst v63  }
0x16f: {  	s16 =	sld [smem:$0x7F1]  }
0x170: {  	[tilespmem:s0], [sflag:$0x1] =	stream.indirect.gather [hbm4b:s11+s3], $0x1, s24, s3, $0xb8;
	[tilespmem:$0x2000] =	vst v63  }
0x171: {  	s0 =	sld [smem:$0x7F2]  }
0x172: {  	[tilespmem:s16], [sflag:$0x1] =	stream.indirect.gather [hbm4b:s9+s3], $0x1, s20, s3, $0xb8;
	[tilespmem:$0x2000] =	vst v63  }
0x173: {  	s16 =	sld [smem:$0x7F3]  }
0x174: {  	[tilespmem:s0], [sflag:$0x1] =	stream.indirect.gather [hbm4b:s10+s3], $0x1, s20, s3, $0xb8;
	[tilespmem:$0x2000] =	vst v63  }
0x175: {  	s0 =	sld [smem:$0x7F4]  }
0x176: {  	[tilespmem:s16], [sflag:$0x1] =	stream.indirect.gather [hbm4b:s11+s3], $0x1, s20, s3, $0xb8;
	[tilespmem:$0x2000] =	vst v63  }
0x177: {  	s16 =	sld [smem:$0x7F5]  }
0x178: {  	[tilespmem:s0], [sflag:$0x1] =	stream.indirect.gather [hbm4b:s9+s3], $0x1, s17, s3, $0xb8;
	[tilespmem:$0x2000] =	vst v63  }
0x179: {  	s0 =	sld [smem:$0x7F6]  }
0x17a: {  	[tilespmem:s16], [sflag:$0x1] =	stream.indirect.gather [hbm4b:s10+s3], $0x1, s17, s3, $0xb8;
	[tilespmem:$0x2000] =	vst v63  }
0x17b: {  	s16 =	sld [smem:$0x7F7]  }
0x17c: {  	[tilespmem:s0], [sflag:$0x1] =	stream.indirect.gather [hbm4b:s11+s3], $0x1, s17, s3, $0xb8;
	[tilespmem:$0x2000] =	vst v63  }
0x17d: {  	s0 =	sld [smem:$0x7F8]  }
0x17e: {  	[tilespmem:s16], [sflag:$0x1] =	stream.indirect.gather [hbm4b:s9+s3], $0x1, s15, s3, $0xb8;
	[tilespmem:$0x2000] =	vst v63  }
0x17f: {  	s16 =	sld [smem:$0x7F9]  }
0x180: {  	[tilespmem:s0], [sflag:$0x1] =	stream.indirect.gather [hbm4b:s10+s3], $0x1, s15, s3, $0xb8;
	[tilespmem:$0x2000] =	vst v63  }
0x181: {  	s0 =	sld [smem:$0x7FA]  }
0x182: {  	[tilespmem:s16], [sflag:$0x1] =	stream.indirect.gather [hbm4b:s11+s3], $0x1, s15, s3, $0xb8;
	[tilespmem:$0x2000] =	vst v63  }
0x183: {  	s16 =	sld [smem:$0x7FB]  }
0x184: {  	[tilespmem:s0], [sflag:$0x1] =	stream.indirect.gather [hbm4b:s9+s3], $0x1, s13, s3, $0xb8;
	[tilespmem:$0x2000] =	vst v63  }
0x185: {  	s0 =	sld [smem:$0x7FC]  }
0x186: {  	[tilespmem:s16], [sflag:$0x1] =	stream.indirect.gather [hbm4b:s10+s3], $0x1, s13, s3, $0xb8;
	[tilespmem:$0x2000] =	vst v63  }
0x187: {  	s16 =	sld [smem:$0x7FD]  }
0x188: {  	[tilespmem:s0], [sflag:$0x1] =	stream.indirect.gather [hbm4b:s11+s3], $0x1, s13, s3, $0xb8;
	[tilespmem:$0x2000] =	vst v63  }
0x189: {  	_ = 	snop  }
0x18a: {  	[tilespmem:s16], [sflag:$0x1] =	stream.indirect.gather [hbm4b:s9+s3], $0x1, s14, s3, $0xb8;
	[tilespmem:$0x2000] =	vst v63  }
0x18b: {  	s16 =	simm.s32 $0x1700  }
0x18c: {  	[tilespmem:s16], [sflag:$0x1] =	stream.indirect.gather [hbm4b:s10+s3], $0x1, s14, s3, $0xb8;
	[tilespmem:$0x2000] =	vst v63  }
0x18d: {  	_ = 	snop  }
0x18e: {  	[tilespmem:s21], [sflag:$0x1] =	stream.indirect.gather [hbm4b:s11+s3], $0x1, s14, s3, $0xb8;
	[tilespmem:$0x2000] =	vst v63  }
0x18f: {  	_ = 	snop  }
0x190: {  	[tilespmem:s22], [sflag:$0x1] =	stream.indirect.gather [hbm4b:s9+s3], $0x1, s18, s3, $0xb8;
	[tilespmem:$0x2000] =	vst v63  }
0x191: {  	_ = 	snop  }
0x192: {  	[tilespmem:s23], [sflag:$0x1] =	stream.indirect.gather [hbm4b:s10+s3], $0x1, s18, s3, $0xb8;
	[tilespmem:$0x2000] =	vst v63  }
0x193: {  	_ = 	snop  }
0x194: {  	[tilespmem:s19], [sflag:$0x1] =	stream.indirect.gather [hbm4b:s11+s3], $0x1, s18, s3, $0xb8;
	[tilespmem:$0x2000] =	vst v63  }
0x195: {  	_ =	swait.ge [sflag:s8], $0x80  }
0x196: {  	[sflag:s8] =	ssyncset.done $0x0  }
0x197: {  	[sflag:s8] =	ssyncadd.s32 $0xFFFFFF80  }
0x198: {  	_ =	swait.ge [sflag:s8], $0x80  }
0x199: {  	[sflag:s8] =	ssyncset.done $0x0  }
0x19a: {  	[sflag:s8] =	ssyncadd.s32 $0xFFFFFF80  }
0x19b: {  	_ =	swait.ge [sflag:s8], $0x80  }
0x19c: {  	[sflag:s8] =	ssyncset.done $0x0  }
0x19d: {  	[sflag:s8] =	ssyncadd.s32 $0xFFFFFF80  }
0x19e: {  	_ =	swait.ge [sflag:s8], $0x80  }
0x19f: {  	[sflag:s8] =	ssyncset.done $0x0  }
0x1a0: {  	[sflag:s8] =	ssyncadd.s32 $0xFFFFFF80  }
0x1a1: {  	_ =	swait.ge [sflag:s8], $0x80  }
0x1a2: {  	[sflag:s8] =	ssyncset.done $0x0  }
0x1a3: {  	[sflag:s8] =	ssyncadd.s32 $0xFFFFFF80  }
0x1a4: {  	_ =	swait.ge [sflag:s8], $0x80  }
0x1a5: {  	[sflag:s8] =	ssyncset.done $0x0  }
0x1a6: {  	[sflag:s8] =	ssyncadd.s32 $0xFFFFFF80  }
0x1a7: {  	_ =	swait.ge [sflag:s8], $0x80  }
0x1a8: {  	[sflag:s8] =	ssyncset.done $0x0  }
0x1a9: {  	[sflag:s8] =	ssyncadd.s32 $0xFFFFFF80  }
0x1aa: {  	_ =	swait.ge [sflag:s8], $0x80  }
0x1ab: {  	[sflag:s8] =	ssyncset.done $0x0  }
0x1ac: {  	[sflag:s8] =	ssyncadd.s32 $0xFFFFFF80  }
0x1ad: {  	_ =	swait.ge [sflag:s8], $0x80  }
0x1ae: {  	[sflag:s8] =	ssyncset.done $0x0  }
0x1af: {  	[sflag:s8] =	ssyncadd.s32 $0xFFFFFF80  }
0x1b0: {  	_ =	swait.ge [sflag:s8], $0x80  }
0x1b1: {  	[sflag:s8] =	ssyncset.done $0x0  }
0x1b2: {  	[sflag:s8] =	ssyncadd.s32 $0xFFFFFF80  }
0x1b3: {  	_ =	swait.ge [sflag:s8], $0x80  }
0x1b4: {  	[sflag:s8] =	ssyncset.done $0x0  }
0x1b5: {  	[sflag:s8] =	ssyncadd.s32 $0xFFFFFF80  }
0x1b6: {  	_ =	swait.ge [sflag:s8], $0x80  }
0x1b7: {  	[sflag:s8] =	ssyncset.done $0x0  }
0x1b8: {  	[sflag:s8] =	ssyncadd.s32 $0xFFFFFF80  }
0x1b9: {  	_ =	swait.ge [sflag:s8], $0x80  }
0x1ba: {  	[sflag:s8] =	ssyncset.done $0x0  }
0x1bb: {  	[sflag:s8] =	ssyncadd.s32 $0xFFFFFF80  }
0x1bc: {  	_ =	swait.ge [sflag:s8], $0x80  }
0x1bd: {  	[sflag:s8] =	ssyncset.done $0x0  }
0x1be: {  	[sflag:s8] =	ssyncadd.s32 $0xFFFFFF80  }
0x1bf: {  	_ =	swait.ge [sflag:s8], $0x80  }
0x1c0: {  	[sflag:s8] =	ssyncset.done $0x0  }
0x1c1: {  	[sflag:s8] =	ssyncadd.s32 $0xFFFFFF80  }
0x1c2: {  	_ =	swait.ge [sflag:s8], $0x80  }
0x1c3: {  	[sflag:s8] =	ssyncset.done $0x0  }
0x1c4: {  	[sflag:s8] =	ssyncadd.s32 $0xFFFFFF80  }
0x1c5: {  	_ =	swait.ge [sflag:s8], $0x80  }
0x1c6: {  	[sflag:s8] =	ssyncset.done $0x0  }
0x1c7: {  	[sflag:s8] =	ssyncadd.s32 $0xFFFFFF80  }
0x1c8: {  	_ =	swait.ge [sflag:s8], $0x80  }
0x1c9: {  	[sflag:s8] =	ssyncset.done $0x0  }
0x1ca: {  	[sflag:s8] =	ssyncadd.s32 $0xFFFFFF80  }
0x1cb: {  	_ =	swait.ge [sflag:s8], $0x80  }
0x1cc: {  	[sflag:s8] =	ssyncset.done $0x0  }
0x1cd: {  	[sflag:s8] =	ssyncadd.s32 $0xFFFFFF80  }
0x1ce: {  	_ =	swait.ge [sflag:s8], $0x80  }
0x1cf: {  	[sflag:s8] =	ssyncset.done $0x0  }
0x1d0: {  	[sflag:s8] =	ssyncadd.s32 $0xFFFFFF80  }
0x1d1: {  	_ =	swait.ge [sflag:s8], $0x80  }
0x1d2: {  	[sflag:s8] =	ssyncset.done $0x0  }
0x1d3: {  	[sflag:s8] =	ssyncadd.s32 $0xFFFFFF80  }
0x1d4: {  	_ =	swait.ge [sflag:s8], $0x80  }
0x1d5: {  	[sflag:s8] =	ssyncset.done $0x0  }
0x1d6: {  	[sflag:s8] =	ssyncadd.s32 $0xFFFFFF80  }
0x1d7: {  	_ =	swait.ge [sflag:s8], $0x80  }
0x1d8: {  	[sflag:s8] =	ssyncset.done $0x0  }
0x1d9: {  	[sflag:s8] =	ssyncadd.s32 $0xFFFFFF80  }
0x1da: {  	_ =	swait.ge [sflag:s8], $0x80  }
0x1db: {  	[sflag:s8] =	ssyncset.done $0x0  }
0x1dc: {  	[sflag:s8] =	ssyncadd.s32 $0xFFFFFF80  }
0x1dd: {  	_ =	swait.ge [sflag:s8], $0x80  }
0x1de: {  	[sflag:s8] =	ssyncset.done $0x0  }
0x1df: {  	[sflag:s8] =	ssyncadd.s32 $0xFFFFFF80  }
0x1e0: {  	_ =	swait.ge [sflag:s8], $0x80  }
0x1e1: {  	[sflag:s8] =	ssyncset.done $0x0  }
0x1e2: {  	[sflag:s8] =	ssyncadd.s32 $0xFFFFFF80  }
0x1e3: {  	_ =	swait.ge [sflag:s8], $0x80  }
0x1e4: {  	[sflag:s8] =	ssyncset.done $0x0  }
0x1e5: {  	[sflag:s8] =	ssyncadd.s32 $0xFFFFFF80  }
0x1e6: {  	_ =	swait.ge [sflag:s8], $0x80  }
0x1e7: {  	[sflag:s8] =	ssyncset.done $0x0  }
0x1e8: {  	[sflag:s8] =	ssyncadd.s32 $0xFFFFFF80  }
0x1e9: {  	_ =	swait.ge [sflag:s8], $0x80  }
0x1ea: {  	[sflag:s8] =	ssyncset.done $0x0  }
0x1eb: {  	[sflag:s8] =	ssyncadd.s32 $0xFFFFFF80  }
0x1ec: {  	_ =	swait.ge [sflag:s8], $0x80  }
0x1ed: {  	[sflag:s8] =	ssyncset.done $0x0  }
0x1ee: {  	[sflag:s8] =	ssyncadd.s32 $0xFFFFFF80  }
0x1ef: {  	_ =	swait.ge [sflag:s8], $0x80  }
0x1f0: {  	[sflag:s8] =	ssyncset.done $0x0  }
0x1f1: {  	[sflag:s8] =	ssyncadd.s32 $0xFFFFFF80  }
0x1f2: {  	_ =	swait.ge [sflag:s8], $0x80  }
0x1f3: {  	[sflag:s8] =	ssyncset.done $0x0  }
0x1f4: {  	[sflag:s8] =	ssyncadd.s32 $0xFFFFFF80  }
0x1f5: {  	_ =	swait.ge [sflag:s8], $0x80  }
0x1f6: {  	[sflag:s8] =	ssyncset.done $0x0  }
0x1f7: {  	[sflag:s8] =	ssyncadd.s32 $0xFFFFFF80  }
0x1f8: {  	_ =	swait.ge [sflag:s8], $0x80  }
0x1f9: {  	[sflag:s8] =	ssyncset.done $0x0  }
0x1fa: {  	[sflag:s8] =	ssyncadd.s32 $0xFFFFFF80  }
0x1fb: {  	_ =	swait.ge [sflag:s8], $0x80  }
0x1fc: {  	[sflag:s8] =	ssyncset.done $0x0  }
0x1fd: {  	[sflag:s8] =	ssyncadd.s32 $0xFFFFFF80  }
0x1fe: {  	_ =	swait.ge [sflag:s8], $0x80  }
0x1ff: {  	[sflag:s8] =	ssyncset.done $0x0  }
0x200: {  	[sflag:s8] =	ssyncadd.s32 $0xFFFFFF80  }
0x201: {  	_ =	swait.ge [sflag:s8], $0x80  }
0x202: {  	[sflag:s8] =	ssyncset.done $0x0  }
0x203: {  	[sflag:s8] =	ssyncadd.s32 $0xFFFFFF80  }
0x204: {  	_ =	swait.ge [sflag:s8], $0x80  }
0x205: {  	[sflag:s8] =	ssyncset.done $0x0  }
0x206: {  	[sflag:s8] =	ssyncadd.s32 $0xFFFFFF80  }
0x207: {  	_ =	swait.ge [sflag:s8], $0x80  }
0x208: {  	[sflag:s8] =	ssyncset.done $0x0  }
0x209: {  	[sflag:s8] =	ssyncadd.s32 $0xFFFFFF80  }
0x20a: {  	_ =	swait.ge [sflag:s8], $0x80  }
0x20b: {  	[sflag:s8] =	ssyncset.done $0x0  }
0x20c: {  	[sflag:s8] =	ssyncadd.s32 $0xFFFFFF80  }
0x20d: {  	_ =	swait.ge [sflag:s8], $0x80  }
0x20e: {  	[sflag:s8] =	ssyncset.done $0x0  }
0x20f: {  	[sflag:s8] =	ssyncadd.s32 $0xFFFFFF80  }
0x210: {  	_ =	swait.ge [sflag:s8], $0x80  }
0x211: {  	[sflag:s8] =	ssyncset.done $0x0  }
0x212: {  	[sflag:s8] =	ssyncadd.s32 $0xFFFFFF80  }
0x213: {  	_ =	swait.ge [sflag:s8], $0x80  }
0x214: {  	[sflag:s8] =	ssyncset.done $0x0  }
0x215: {  	[sflag:s8] =	ssyncadd.s32 $0xFFFFFF80  }
0x216: {  	_ =	swait.ge [sflag:s8], $0x80  }
0x217: {  	[sflag:s8] =	ssyncset.done $0x0  }
0x218: {  	[sflag:s8] =	ssyncadd.s32 $0xFFFFFF80  }
0x219: {  	_ =	swait.ge [sflag:s8], $0x80  }
0x21a: {  	[sflag:s8] =	ssyncset.done $0x0  }
0x21b: {  	[sflag:s8] =	ssyncadd.s32 $0xFFFFFF80  }
0x21c: {  	_ =	swait.ge [sflag:s8], $0x80  }
0x21d: {  	[sflag:s8] =	ssyncset.done $0x0  }
0x21e: {  	[sflag:s8] =	ssyncadd.s32 $0xFFFFFF80  }
0x21f: {  	_ =	swait.ge [sflag:s8], $0x80  }
0x220: {  	[sflag:s8] =	ssyncset.done $0x0  }
0x221: {  	[sflag:s8] =	ssyncadd.s32 $0xFFFFFF80  }
0x222: {  	_ =	swait.ge [sflag:s8], $0x80  }
0x223: {  	[sflag:s8] =	ssyncset.done $0x0  }
0x224: {  	s16 =	rddreg [dreg:$0x4];
	[sflag:s8] =	ssyncadd.s32 $0xFFFFFF80  }
0x225: {  	[hbm4b:s16+s3] =	stream.strided.scatter [tilespmem:s6], [sflag:$0x2], $0x800, s7, s3, $0x38;
	[tilespmem:$0x2000] =	vst v63  }
0x226: {  	_ =	swait.ge [sflag:s2], $0x800  }
0x227: {  	[sflag:s2] =	ssyncset.done $0x0  }
0x228: {  	s16 =	rddreg [dreg:$0x5];
	[sflag:s2] =	ssyncadd.s32 $0xFFFFF800  }
0x229: {  	[hbm4b:s16+s3] =	stream.strided.scatter [tilespmem:s5], [sflag:$0x2], $0x800, s7, s3, $0x38;
	[tilespmem:$0x2000] =	vst v63  }
0x22a: {  	p1 =	sne.s32 s1, $0x1;
	_ =	swait.ge [sflag:s2], $0x800  }
.Ltmp2:
0x22b: {  	[sflag:s2] =	ssyncset.done $0x0;
	(pc) =	sbr.rel @p1 .LBB2_4-.Ltmp2, $4  }
0x22c: {  	s16 =	rddreg [dreg:$0x6];
	[sflag:s2] =	ssyncadd.s32 $0xFFFFF800  }
0x22d: {  	[hbm4b:s16+s3] =	stream.strided.scatter [tilespmem:s4], [sflag:$0x2], $0x800, s7, s3, $0x38;
	[tilespmem:$0x2000] =	vst v63  }
0x22e: {  	_ =	swait.ge [sflag:s2], $0x800  }
0x22f: {  	s1 =	sadd.s32 $0xFFFFFFFF, s1;
	s0 =	rddreg [dreg:$0x3];
	[sflag:s2] =	ssyncset.done $0x0  }
0x230: {  	s16 =	simm.s32 $0x1F80;
	s23 =	simm.s32 $0x1780  }
0x231: {  	s22 =	simm.s32 $0xF80;
	s21 =	simm.s32 $0x1F00;
	s19 =	simm.s32 $0x1700  }
.LBB2_6:
0x232: {  	[sflag:s2] =	ssyncadd.s32 @p0 $0xFFFFF800  }
0x233: {  	[tilespmem:s12], [sflag:$0x2] =	stream.linear.gather [hbm4b:s0+s12], $0x800, $0x38;
	[tilespmem:$0x2000] =	vst v63  }
0x234: {  	_ =	swait.ge [sflag:s2], $0x800  }
0x235: {  	[sflag:s2] =	ssyncset.done $0x0  }
0x236: {  	[sflag:s2] =	ssyncadd.s32 $0xFFFFF800  }
0x237: {  	[tilespmem:s6], [sflag:$0x1] =	stream.indirect.gather [hbm4b:s9+s3], $0x1, s12, s3, $0xb8;
	[tilespmem:$0x2000] =	vst v63  }
0x238: {  	_ = 	snop  }
0x239: {  	[tilespmem:s5], [sflag:$0x1] =	stream.indirect.gather [hbm4b:s10+s3], $0x1, s12, s3, $0xb8;
	[tilespmem:$0x2000] =	vst v63  }
0x23a: {  	s0 =	rddreg [dreg:$0x7]  }
0x23b: {  	[tilespmem:s4], [sflag:$0x1] =	stream.indirect.gather [hbm4b:s11+s3], $0x1, s12, s3, $0xb8;
	[tilespmem:$0x2000] =	vst v63  }
0x23c: {  	s1 =	rddreg [dreg:$0x8]  }
0x23d: {  	[tilespmem:s0], [sflag:$0x1] =	stream.indirect.gather [hbm4b:s9+s3], $0x1, s3, s3, $0xb8;
	[tilespmem:$0x2000] =	vst v63  }
0x23e: {  	s12 =	rddreg [dreg:$0xa]  }
0x23f: {  	[tilespmem:s1], [sflag:$0x1] =	stream.indirect.gather [hbm4b:s10+s3], $0x1, s3, s3, $0xb8;
	[tilespmem:$0x2000] =	vst v63  }
0x240: {  	s0 =	rddreg [dreg:$0x9]  }
0x241: {  	[tilespmem:s0], [sflag:$0x1] =	stream.indirect.gather [hbm4b:s11+s3], $0x1, s3, s3, $0xb8;
	[tilespmem:$0x2000] =	vst v63  }
0x242: {  	s0 =	rddreg [dreg:$0xb]  }
0x243: {  	[tilespmem:s12], [sflag:$0x1] =	stream.indirect.gather [hbm4b:s9+s3], $0x1, s31, s3, $0xb8;
	[tilespmem:$0x2000] =	vst v63  }
0x244: {  	s12 =	rddreg [dreg:$0xc]  }
0x245: {  	[tilespmem:s0], [sflag:$0x1] =	stream.indirect.gather [hbm4b:s10+s3], $0x1, s31, s3, $0xb8;
	[tilespmem:$0x2000] =	vst v63  }
0x246: {  	s0 =	rddreg [dreg:$0xd]  }
0x247: {  	[tilespmem:s12], [sflag:$0x1] =	stream.indirect.gather [hbm4b:s11+s3], $0x1, s31, s3, $0xb8;
	[tilespmem:$0x2000] =	vst v63  }
0x248: {  	s12 =	rddreg [dreg:$0xe]  }
0x249: {  	[tilespmem:s0], [sflag:$0x1] =	stream.indirect.gather [hbm4b:s9+s3], $0x1, s30, s3, $0xb8;
	[tilespmem:$0x2000] =	vst v63  }
0x24a: {  	s31 =	rddreg [dreg:$0xf]  }
0x24b: {  	[tilespmem:s12], [sflag:$0x1] =	stream.indirect.gather [hbm4b:s10+s3], $0x1, s30, s3, $0xb8;
	[tilespmem:$0x2000] =	vst v63  }
0x24c: {  	s12 =	rddreg [dreg:$0x10]  }
0x24d: {  	[tilespmem:s31], [sflag:$0x1] =	stream.indirect.gather [hbm4b:s11+s3], $0x1, s30, s3, $0xb8;
	[tilespmem:$0x2000] =	vst v63  }
0x24e: {  	s30 =	rddreg [dreg:$0x11]  }
0x24f: {  	[tilespmem:s12], [sflag:$0x1] =	stream.indirect.gather [hbm4b:s9+s3], $0x1, s29, s3, $0xb8;
	[tilespmem:$0x2000] =	vst v63  }
0x250: {  	s31 =	rddreg [dreg:$0x12]  }
0x251: {  	[tilespmem:s30], [sflag:$0x1] =	stream.indirect.gather [hbm4b:s10+s3], $0x1, s29, s3, $0xb8;
	[tilespmem:$0x2000] =	vst v63  }
0x252: {  	s12 =	rddreg [dreg:$0x13]  }
0x253: {  	[tilespmem:s31], [sflag:$0x1] =	stream.indirect.gather [hbm4b:s11+s3], $0x1, s29, s3, $0xb8;
	[tilespmem:$0x2000] =	vst v63  }
0x254: {  	s30 =	rddreg [dreg:$0x15]  }
0x255: {  	[tilespmem:s12], [sflag:$0x1] =	stream.indirect.gather [hbm4b:s9+s3], $0x1, s28, s3, $0xb8;
	[tilespmem:$0x2000] =	vst v63  }
0x256: {  	s29 =	rddreg [dreg:$0x14]  }
0x257: {  	[tilespmem:s29], [sflag:$0x1] =	stream.indirect.gather [hbm4b:s10+s3], $0x1, s28, s3, $0xb8;
	[tilespmem:$0x2000] =	vst v63  }
0x258: {  	s31 =	rddreg [dreg:$0x16]  }
0x259: {  	[tilespmem:s30], [sflag:$0x1] =	stream.indirect.gather [hbm4b:s11+s3], $0x1, s28, s3, $0xb8;
	[tilespmem:$0x2000] =	vst v63  }
0x25a: {  	s12 =	rddreg [dreg:$0x17]  }
0x25b: {  	[tilespmem:s31], [sflag:$0x1] =	stream.indirect.gather [hbm4b:s9+s3], $0x1, s26, s3, $0xb8;
	[tilespmem:$0x2000] =	vst v63  }
0x25c: {  	s29 =	rddreg [dreg:$0x19]  }
0x25d: {  	[tilespmem:s12], [sflag:$0x1] =	stream.indirect.gather [hbm4b:s10+s3], $0x1, s26, s3, $0xb8;
	[tilespmem:$0x2000] =	vst v63  }
0x25e: {  	s28 =	rddreg [dreg:$0x18]  }
0x25f: {  	[tilespmem:s28], [sflag:$0x1] =	stream.indirect.gather [hbm4b:s11+s3], $0x1, s26, s3, $0xb8;
	[tilespmem:$0x2000] =	vst v63  }
0x260: {  	s30 =	rddreg [dreg:$0x1a]  }
0x261: {  	[tilespmem:s29], [sflag:$0x1] =	stream.indirect.gather [hbm4b:s9+s3], $0x1, s25, s3, $0xb8;
	[tilespmem:$0x2000] =	vst v63  }
0x262: {  	s31 =	rddreg [dreg:$0x1b]  }
0x263: {  	[tilespmem:s30], [sflag:$0x1] =	stream.indirect.gather [hbm4b:s10+s3], $0x1, s25, s3, $0xb8;
	[tilespmem:$0x2000] =	vst v63  }
0x264: {  	s12 =	rddreg [dreg:$0x1c]  }
0x265: {  	[tilespmem:s31], [sflag:$0x1] =	stream.indirect.gather [hbm4b:s11+s3], $0x1, s25, s3, $0xb8;
	[tilespmem:$0x2000] =	vst v63  }
0x266: {  	s26 =	rddreg [dreg:$0x1d]  }
0x267: {  	[tilespmem:s12], [sflag:$0x1] =	stream.indirect.gather [hbm4b:s9+s3], $0x1, s7, s3, $0xb8;
	[tilespmem:$0x2000] =	vst v63  }
0x268: {  	s28 =	rddreg [dreg:$0x1e]  }
0x269: {  	[tilespmem:s26], [sflag:$0x1] =	stream.indirect.gather [hbm4b:s10+s3], $0x1, s7, s3, $0xb8;
	[tilespmem:$0x2000] =	vst v63  }
0x26a: {  	s29 =	rddreg [dreg:$0x1f]  }
0x26b: {  	[tilespmem:s28], [sflag:$0x1] =	stream.indirect.gather [hbm4b:s11+s3], $0x1, s7, s3, $0xb8;
	[tilespmem:$0x2000] =	vst v63  }
0x26c: {  	s30 =	sld [smem:$0x7EF]  }
0x26d: {  	[tilespmem:s29], [sflag:$0x1] =	stream.indirect.gather [hbm4b:s9+s3], $0x1, s24, s3, $0xb8;
	[tilespmem:$0x2000] =	vst v63  }
0x26e: {  	s31 =	sld [smem:$0x7F0]  }
0x26f: {  	[tilespmem:s30], [sflag:$0x1] =	stream.indirect.gather [hbm4b:s10+s3], $0x1, s24, s3, $0xb8;
	[tilespmem:$0x2000] =	vst v63  }
0x270: {  	s12 =	sld [smem:$0x7F1]  }
0x271: {  	[tilespmem:s31], [sflag:$0x1] =	stream.indirect.gather [hbm4b:s11+s3], $0x1, s24, s3, $0xb8;
	[tilespmem:$0x2000] =	vst v63  }
0x272: {  	s25 =	sld [smem:$0x7F2]  }
0x273: {  	[tilespmem:s12], [sflag:$0x1] =	stream.indirect.gather [hbm4b:s9+s3], $0x1, s20, s3, $0xb8;
	[tilespmem:$0x2000] =	vst v63  }
0x274: {  	s26 =	sld [smem:$0x7F3]  }
0x275: {  	[tilespmem:s25], [sflag:$0x1] =	stream.indirect.gather [hbm4b:s10+s3], $0x1, s20, s3, $0xb8;
	[tilespmem:$0x2000] =	vst v63  }
0x276: {  	s28 =	sld [smem:$0x7F4]  }
0x277: {  	[tilespmem:s26], [sflag:$0x1] =	stream.indirect.gather [hbm4b:s11+s3], $0x1, s20, s3, $0xb8;
	[tilespmem:$0x2000] =	vst v63  }
0x278: {  	s29 =	sld [smem:$0x7F5]  }
0x279: {  	[tilespmem:s28], [sflag:$0x1] =	stream.indirect.gather [hbm4b:s9+s3], $0x1, s17, s3, $0xb8;
	[tilespmem:$0x2000] =	vst v63  }
0x27a: {  	s30 =	sld [smem:$0x7F6]  }
0x27b: {  	[tilespmem:s29], [sflag:$0x1] =	stream.indirect.gather [hbm4b:s10+s3], $0x1, s17, s3, $0xb8;
	[tilespmem:$0x2000] =	vst v63  }
0x27c: {  	s31 =	sld [smem:$0x7F7]  }
0x27d: {  	[tilespmem:s30], [sflag:$0x1] =	stream.indirect.gather [hbm4b:s11+s3], $0x1, s17, s3, $0xb8;
	[tilespmem:$0x2000] =	vst v63  }
0x27e: {  	s12 =	sld [smem:$0x7F8]  }
0x27f: {  	[tilespmem:s31], [sflag:$0x1] =	stream.indirect.gather [hbm4b:s9+s3], $0x1, s15, s3, $0xb8;
	[tilespmem:$0x2000] =	vst v63  }
0x280: {  	s17 =	sld [smem:$0x7F9]  }
0x281: {  	[tilespmem:s12], [sflag:$0x1] =	stream.indirect.gather [hbm4b:s10+s3], $0x1, s15, s3, $0xb8;
	[tilespmem:$0x2000] =	vst v63  }
0x282: {  	s20 =	sld [smem:$0x7FA]  }
0x283: {  	[tilespmem:s17], [sflag:$0x1] =	stream.indirect.gather [hbm4b:s11+s3], $0x1, s15, s3, $0xb8;
	[tilespmem:$0x2000] =	vst v63  }
0x284: {  	s24 =	sld [smem:$0x7FB]  }
0x285: {  	[tilespmem:s20], [sflag:$0x1] =	stream.indirect.gather [hbm4b:s9+s3], $0x1, s13, s3, $0xb8;
	[tilespmem:$0x2000] =	vst v63  }
0x286: {  	s25 =	sld [smem:$0x7FC]  }
0x287: {  	[tilespmem:s24], [sflag:$0x1] =	stream.indirect.gather [hbm4b:s10+s3], $0x1, s13, s3, $0xb8;
	[tilespmem:$0x2000] =	vst v63  }
0x288: {  	s26 =	sld [smem:$0x7FD]  }
0x289: {  	[tilespmem:s25], [sflag:$0x1] =	stream.indirect.gather [hbm4b:s11+s3], $0x1, s13, s3, $0xb8;
	[tilespmem:$0x2000] =	vst v63  }
0x28a: {  	_ = 	snop  }
0x28b: {  	[tilespmem:s26], [sflag:$0x1] =	stream.indirect.gather [hbm4b:s9+s3], $0x1, s14, s3, $0xb8;
	[tilespmem:$0x2000] =	vst v63  }
0x28c: {  	_ = 	snop  }
0x28d: {  	[tilespmem:s19], [sflag:$0x1] =	stream.indirect.gather [hbm4b:s10+s3], $0x1, s14, s3, $0xb8;
	[tilespmem:$0x2000] =	vst v63  }
0x28e: {  	_ = 	snop  }
0x28f: {  	[tilespmem:s21], [sflag:$0x1] =	stream.indirect.gather [hbm4b:s11+s3], $0x1, s14, s3, $0xb8;
	[tilespmem:$0x2000] =	vst v63  }
0x290: {  	_ = 	snop  }
0x291: {  	[tilespmem:s22], [sflag:$0x1] =	stream.indirect.gather [hbm4b:s9+s3], $0x1, s18, s3, $0xb8;
	[tilespmem:$0x2000] =	vst v63  }
0x292: {  	_ = 	snop  }
0x293: {  	[tilespmem:s23], [sflag:$0x1] =	stream.indirect.gather [hbm4b:s10+s3], $0x1, s18, s3, $0xb8;
	[tilespmem:$0x2000] =	vst v63  }
0x294: {  	_ = 	snop  }
0x295: {  	[tilespmem:s16], [sflag:$0x1] =	stream.indirect.gather [hbm4b:s11+s3], $0x1, s18, s3, $0xb8;
	[tilespmem:$0x2000] =	vst v63  }
0x296: {  	_ =	swait.ge [sflag:s8], $0x80  }
0x297: {  	[sflag:s8] =	ssyncset.done $0x0  }
0x298: {  	[sflag:s8] =	ssyncadd.s32 $0xFFFFFF80  }
0x299: {  	_ =	swait.ge [sflag:s8], $0x80  }
0x29a: {  	[sflag:s8] =	ssyncset.done $0x0  }
0x29b: {  	[sflag:s8] =	ssyncadd.s32 $0xFFFFFF80  }
0x29c: {  	_ =	swait.ge [sflag:s8], $0x80  }
0x29d: {  	[sflag:s8] =	ssyncset.done $0x0  }
0x29e: {  	[sflag:s8] =	ssyncadd.s32 $0xFFFFFF80  }
0x29f: {  	_ =	swait.ge [sflag:s8], $0x80  }
0x2a0: {  	[sflag:s8] =	ssyncset.done $0x0  }
0x2a1: {  	[sflag:s8] =	ssyncadd.s32 $0xFFFFFF80  }
0x2a2: {  	_ =	swait.ge [sflag:s8], $0x80  }
0x2a3: {  	[sflag:s8] =	ssyncset.done $0x0  }
0x2a4: {  	[sflag:s8] =	ssyncadd.s32 $0xFFFFFF80  }
0x2a5: {  	_ =	swait.ge [sflag:s8], $0x80  }
0x2a6: {  	[sflag:s8] =	ssyncset.done $0x0  }
0x2a7: {  	[sflag:s8] =	ssyncadd.s32 $0xFFFFFF80  }
0x2a8: {  	_ =	swait.ge [sflag:s8], $0x80  }
0x2a9: {  	[sflag:s8] =	ssyncset.done $0x0  }
0x2aa: {  	[sflag:s8] =	ssyncadd.s32 $0xFFFFFF80  }
0x2ab: {  	_ =	swait.ge [sflag:s8], $0x80  }
0x2ac: {  	[sflag:s8] =	ssyncset.done $0x0  }
0x2ad: {  	[sflag:s8] =	ssyncadd.s32 $0xFFFFFF80  }
0x2ae: {  	_ =	swait.ge [sflag:s8], $0x80  }
0x2af: {  	[sflag:s8] =	ssyncset.done $0x0  }
0x2b0: {  	[sflag:s8] =	ssyncadd.s32 $0xFFFFFF80  }
0x2b1: {  	_ =	swait.ge [sflag:s8], $0x80  }
0x2b2: {  	[sflag:s8] =	ssyncset.done $0x0  }
0x2b3: {  	[sflag:s8] =	ssyncadd.s32 $0xFFFFFF80  }
0x2b4: {  	_ =	swait.ge [sflag:s8], $0x80  }
0x2b5: {  	[sflag:s8] =	ssyncset.done $0x0  }
0x2b6: {  	[sflag:s8] =	ssyncadd.s32 $0xFFFFFF80  }
0x2b7: {  	_ =	swait.ge [sflag:s8], $0x80  }
0x2b8: {  	[sflag:s8] =	ssyncset.done $0x0  }
0x2b9: {  	[sflag:s8] =	ssyncadd.s32 $0xFFFFFF80  }
0x2ba: {  	_ =	swait.ge [sflag:s8], $0x80  }
0x2bb: {  	[sflag:s8] =	ssyncset.done $0x0  }
0x2bc: {  	[sflag:s8] =	ssyncadd.s32 $0xFFFFFF80  }
0x2bd: {  	_ =	swait.ge [sflag:s8], $0x80  }
0x2be: {  	[sflag:s8] =	ssyncset.done $0x0  }
0x2bf: {  	[sflag:s8] =	ssyncadd.s32 $0xFFFFFF80  }
0x2c0: {  	_ =	swait.ge [sflag:s8], $0x80  }
0x2c1: {  	[sflag:s8] =	ssyncset.done $0x0  }
0x2c2: {  	[sflag:s8] =	ssyncadd.s32 $0xFFFFFF80  }
0x2c3: {  	_ =	swait.ge [sflag:s8], $0x80  }
0x2c4: {  	[sflag:s8] =	ssyncset.done $0x0  }
0x2c5: {  	[sflag:s8] =	ssyncadd.s32 $0xFFFFFF80  }
0x2c6: {  	_ =	swait.ge [sflag:s8], $0x80  }
0x2c7: {  	[sflag:s8] =	ssyncset.done $0x0  }
0x2c8: {  	[sflag:s8] =	ssyncadd.s32 $0xFFFFFF80  }
0x2c9: {  	_ =	swait.ge [sflag:s8], $0x80  }
0x2ca: {  	[sflag:s8] =	ssyncset.done $0x0  }
0x2cb: {  	[sflag:s8] =	ssyncadd.s32 $0xFFFFFF80  }
0x2cc: {  	_ =	swait.ge [sflag:s8], $0x80  }
0x2cd: {  	[sflag:s8] =	ssyncset.done $0x0  }
0x2ce: {  	[sflag:s8] =	ssyncadd.s32 $0xFFFFFF80  }
0x2cf: {  	_ =	swait.ge [sflag:s8], $0x80  }
0x2d0: {  	[sflag:s8] =	ssyncset.done $0x0  }
0x2d1: {  	[sflag:s8] =	ssyncadd.s32 $0xFFFFFF80  }
0x2d2: {  	_ =	swait.ge [sflag:s8], $0x80  }
0x2d3: {  	[sflag:s8] =	ssyncset.done $0x0  }
0x2d4: {  	[sflag:s8] =	ssyncadd.s32 $0xFFFFFF80  }
0x2d5: {  	_ =	swait.ge [sflag:s8], $0x80  }
0x2d6: {  	[sflag:s8] =	ssyncset.done $0x0  }
0x2d7: {  	[sflag:s8] =	ssyncadd.s32 $0xFFFFFF80  }
0x2d8: {  	_ =	swait.ge [sflag:s8], $0x80  }
0x2d9: {  	[sflag:s8] =	ssyncset.done $0x0  }
0x2da: {  	[sflag:s8] =	ssyncadd.s32 $0xFFFFFF80  }
0x2db: {  	_ =	swait.ge [sflag:s8], $0x80  }
0x2dc: {  	[sflag:s8] =	ssyncset.done $0x0  }
0x2dd: {  	[sflag:s8] =	ssyncadd.s32 $0xFFFFFF80  }
0x2de: {  	_ =	swait.ge [sflag:s8], $0x80  }
0x2df: {  	[sflag:s8] =	ssyncset.done $0x0  }
0x2e0: {  	[sflag:s8] =	ssyncadd.s32 $0xFFFFFF80  }
0x2e1: {  	_ =	swait.ge [sflag:s8], $0x80  }
0x2e2: {  	[sflag:s8] =	ssyncset.done $0x0  }
0x2e3: {  	[sflag:s8] =	ssyncadd.s32 $0xFFFFFF80  }
0x2e4: {  	_ =	swait.ge [sflag:s8], $0x80  }
0x2e5: {  	[sflag:s8] =	ssyncset.done $0x0  }
0x2e6: {  	[sflag:s8] =	ssyncadd.s32 $0xFFFFFF80  }
0x2e7: {  	_ =	swait.ge [sflag:s8], $0x80  }
0x2e8: {  	[sflag:s8] =	ssyncset.done $0x0  }
0x2e9: {  	[sflag:s8] =	ssyncadd.s32 $0xFFFFFF80  }
0x2ea: {  	_ =	swait.ge [sflag:s8], $0x80  }
0x2eb: {  	[sflag:s8] =	ssyncset.done $0x0  }
0x2ec: {  	[sflag:s8] =	ssyncadd.s32 $0xFFFFFF80  }
0x2ed: {  	_ =	swait.ge [sflag:s8], $0x80  }
0x2ee: {  	[sflag:s8] =	ssyncset.done $0x0  }
0x2ef: {  	[sflag:s8] =	ssyncadd.s32 $0xFFFFFF80  }
0x2f0: {  	_ =	swait.ge [sflag:s8], $0x80  }
0x2f1: {  	[sflag:s8] =	ssyncset.done $0x0  }
0x2f2: {  	[sflag:s8] =	ssyncadd.s32 $0xFFFFFF80  }
0x2f3: {  	_ =	swait.ge [sflag:s8], $0x80  }
0x2f4: {  	[sflag:s8] =	ssyncset.done $0x0  }
0x2f5: {  	[sflag:s8] =	ssyncadd.s32 $0xFFFFFF80  }
0x2f6: {  	_ =	swait.ge [sflag:s8], $0x80  }
0x2f7: {  	[sflag:s8] =	ssyncset.done $0x0  }
0x2f8: {  	[sflag:s8] =	ssyncadd.s32 $0xFFFFFF80  }
0x2f9: {  	_ =	swait.ge [sflag:s8], $0x80  }
0x2fa: {  	[sflag:s8] =	ssyncset.done $0x0  }
0x2fb: {  	[sflag:s8] =	ssyncadd.s32 $0xFFFFFF80  }
0x2fc: {  	_ =	swait.ge [sflag:s8], $0x80  }
0x2fd: {  	[sflag:s8] =	ssyncset.done $0x0  }
0x2fe: {  	[sflag:s8] =	ssyncadd.s32 $0xFFFFFF80  }
0x2ff: {  	_ =	swait.ge [sflag:s8], $0x80  }
0x300: {  	[sflag:s8] =	ssyncset.done $0x0  }
0x301: {  	[sflag:s8] =	ssyncadd.s32 $0xFFFFFF80  }
0x302: {  	_ =	swait.ge [sflag:s8], $0x80  }
0x303: {  	[sflag:s8] =	ssyncset.done $0x0  }
0x304: {  	[sflag:s8] =	ssyncadd.s32 $0xFFFFFF80  }
0x305: {  	_ =	swait.ge [sflag:s8], $0x80  }
0x306: {  	[sflag:s8] =	ssyncset.done $0x0  }
0x307: {  	[sflag:s8] =	ssyncadd.s32 $0xFFFFFF80  }
0x308: {  	_ =	swait.ge [sflag:s8], $0x80  }
0x309: {  	[sflag:s8] =	ssyncset.done $0x0  }
0x30a: {  	[sflag:s8] =	ssyncadd.s32 $0xFFFFFF80  }
0x30b: {  	_ =	swait.ge [sflag:s8], $0x80  }
0x30c: {  	[sflag:s8] =	ssyncset.done $0x0  }
0x30d: {  	[sflag:s8] =	ssyncadd.s32 $0xFFFFFF80  }
0x30e: {  	_ =	swait.ge [sflag:s8], $0x80  }
0x30f: {  	[sflag:s8] =	ssyncset.done $0x0  }
0x310: {  	[sflag:s8] =	ssyncadd.s32 $0xFFFFFF80  }
0x311: {  	_ =	swait.ge [sflag:s8], $0x80  }
0x312: {  	[sflag:s8] =	ssyncset.done $0x0  }
0x313: {  	[sflag:s8] =	ssyncadd.s32 $0xFFFFFF80  }
0x314: {  	_ =	swait.ge [sflag:s8], $0x80  }
0x315: {  	[sflag:s8] =	ssyncset.done $0x0  }
0x316: {  	[sflag:s8] =	ssyncadd.s32 $0xFFFFFF80  }
0x317: {  	_ =	swait.ge [sflag:s8], $0x80  }
0x318: {  	[sflag:s8] =	ssyncset.done $0x0  }
0x319: {  	[sflag:s8] =	ssyncadd.s32 $0xFFFFFF80  }
0x31a: {  	_ =	swait.ge [sflag:s8], $0x80  }
0x31b: {  	[sflag:s8] =	ssyncset.done $0x0  }
0x31c: {  	[sflag:s8] =	ssyncadd.s32 $0xFFFFFF80  }
0x31d: {  	_ =	swait.ge [sflag:s8], $0x80  }
0x31e: {  	[sflag:s8] =	ssyncset.done $0x0  }
0x31f: {  	[sflag:s8] =	ssyncadd.s32 $0xFFFFFF80  }
0x320: {  	_ =	swait.ge [sflag:s8], $0x80  }
0x321: {  	[sflag:s8] =	ssyncset.done $0x0  }
0x322: {  	[sflag:s8] =	ssyncadd.s32 $0xFFFFFF80  }
0x323: {  	_ =	swait.ge [sflag:s8], $0x80  }
0x324: {  	[sflag:s8] =	ssyncset.done $0x0  }
0x325: {  	s28 =	rddreg [dreg:$0x4];
	[sflag:s8] =	ssyncadd.s32 $0xFFFFFF80  }
0x326: {  	[hbm4b:s28+s3] =	stream.strided.scatter [tilespmem:s6], [sflag:$0x2], $0x800, s7, s3, $0x38;
	[tilespmem:$0x2000] =	vst v63  }
0x327: {  	_ =	swait.ge [sflag:s2], $0x800  }
0x328: {  	[sflag:s2] =	ssyncset.done $0x0  }
0x329: {  	s29 =	rddreg [dreg:$0x5];
	[sflag:s2] =	ssyncadd.s32 $0xFFFFF800  }
0x32a: {  	[hbm4b:s29+s3] =	stream.strided.scatter [tilespmem:s5], [sflag:$0x2], $0x800, s7, s3, $0x38;
	[tilespmem:$0x2000] =	vst v63  }
0x32b: {  	_ =	swait.ge [sflag:s2], $0x800  }
0x32c: {  	[sflag:s2] =	ssyncset.done $0x0  }
0x32d: {  	s30 =	rddreg [dreg:$0x6];
	[sflag:s2] =	ssyncadd.s32 $0xFFFFF800  }
0x32e: {  	[hbm4b:s30+s3] =	stream.strided.scatter [tilespmem:s4], [sflag:$0x2], $0x800, s7, s3, $0x38;
	[tilespmem:$0x2000] =	vst v63  }
0x32f: {  	_ =	swait.ge [sflag:s2], $0x800  }
0x330: {  	[sflag:s2] =	ssyncset.done $0x0  }
0x331: {  	[sflag:s2] =	ssyncadd.s32 $0xFFFFF800  }
0x332: {  	_ =	sfence.sel $0x180000  }
0x333: {  	[bflag:$0x0] =	sbarrier.arrive $0xFFFF  }
0x334: {  	_ =	strace $0x90000047  }
0x335: {  	s31 =	stileid.u32;
	[bflag:$0x2] =	sbarrier.arrive $0xFFFF  }
0x336: {  	p0 =	sne.s32 s31, $0x0;
	s0 =	rddreg [dreg:$0x2]  }
0x337: {  	s0 =	sadd.s32 @!p0 $0x100000, s0  }
0x338: {  	[sflag:s0] =	ssyncadd.tile.s32 @!p0 $0x1;
	_ =	shalt  }
.LBB2_1:
.Ltmp3:
0x339: {  	(pc) =	sbr.rel .LBB2_6-.Ltmp3, $3  }
0x33a: {  	_ =	sdelay $0x1  }
0x33b: {  	s16 =	simm.s32 $0x1F80;
	s23 =	simm.s32 $0x1780  }
0x33c: {  	s22 =	simm.s32 $0xF80;
	s21 =	simm.s32 $0x1F00;
	s19 =	simm.s32 $0x1700  }
.LBB2_3:
.Ltmp4:
0x33d: {  	(pc) =	sbr.rel .LBB2_6-.Ltmp4, $3  }
0x33e: {  	_ =	sdelay $0x1  }
0x33f: {  	s16 =	simm.s32 $0x1F80;
	s23 =	simm.s32 $0x1780  }
0x340: {  	s22 =	simm.s32 $0xF80;
	s21 =	simm.s32 $0x1F00;
	s19 =	simm.s32 $0x1700  }
.Lfunc_end2:
_tile_overlayer_lowered:
.L_overlay_start_2:
0x341: {  	(tag) =	ssettag $0x2  }
0x342: {  	s0 =	rddreg [dreg:$0x0];
	s2 =	stileid.u32  }
0x343: {  	s1 =	rddreg [dreg:$0x1];
	p0 =	sne.s32 s2, $0x0  }
0x344: {  	s3 =	rddreg [dreg:$0x2];
	[bflag:$0x3] =	sbarrier.arrive $0xFFFF;
	s2 =	simm.s32 @!p0 $0x1C02  }
0x345: {  	[timem:s3], [sflag:s2] =	dma.local @!p0 [hbm:s0], s1  }
0x346: {  	s0 =	simm.s32 @!p0 $0x2  }
0x347: {  	_ =	swait.ge @!p0 [sflag:s0], s1  }
0x348: {  	s1 =	ssub.s32 @!p0 $0x0, s1;
	[sflag:s0] =	ssyncset.done @!p0 $0x0  }
0x349: {  	[sflag:s0] =	ssyncadd.s32 @!p0 s1  }
0x34a: {  	[bflag:$0x3] =	sbarrier.arrive $0xFFFF  }
0x34b: {  	_ =	shalt  }

</sc_bundles>
